<compile_context>
chip_gen: v7x
topology: tpu7x:2x2x1
jax: 0.10.2.dev20260603
libtpu: 0.0.44.dev20260713+nightly
codegen_flags: <defaults>
</compile_context>

<pallas_src>
import functools

import jax
import jax.numpy as jnp
from jax import lax
from jax.experimental import pallas as pl
from jax.experimental.pallas import tpu as pltpu
from jax.experimental.pallas import tpu_sc as plsc

N_NODES = 10000
N_EDGES = 320000
D = 128

NW = 32
NPB = 320
N_PAD = NW * NPB
TRASH = NPB
BLK = 128
FLUSH_AT = BLK - 16
GCH = 80
SCH = 2000

_mesh = plsc.VectorSubcoreMesh(core_axis_name="c", subcore_axis_name="s")
_sc_params = pltpu.CompilerParams(needs_layout_passes=False)


def _wid():
    return lax.axis_index("s") * 2 + lax.axis_index("c")



def _mm_pre_body(h_ref, w1_ref, b1_ref, a_ref, b_ref, *, input_relu):
    h = h_ref[...]
    if input_relu:
        h = jnp.maximum(h, 0.0)
    wa = w1_ref[0:D, :]
    wb = w1_ref[D : 2 * D, :]
    a_ref[...] = (
        jnp.dot(h, wa - wb, preferred_element_type=jnp.float32) + b1_ref[...]
    )
    b_ref[...] = jnp.dot(h, wb, preferred_element_type=jnp.float32)


def _mm_pre(h, w1, b1, input_relu):
    n = h.shape[0]
    return pl.pallas_call(
        functools.partial(_mm_pre_body, input_relu=input_relu),
        out_shape=(
            jax.ShapeDtypeStruct((n, D), jnp.float32),
            jax.ShapeDtypeStruct((n, D), jnp.float32),
        ),
    )(h, w1, b1.reshape(1, D))


def _mm_edge_body(u_ref, w2_ref, b2_ref, m_ref):
    m_ref[...] = (
        jnp.dot(u_ref[...], w2_ref[...], preferred_element_type=jnp.float32)
        + b2_ref[...]
    )


def _mm_edge(u, w2, b2):
    eb = 2560
    grid = N_EDGES // eb
    return pl.pallas_call(
        _mm_edge_body,
        grid=(grid,),
        in_specs=[
            pl.BlockSpec((eb, D), lambda i: (i, 0)),
            pl.BlockSpec((D, D), lambda i: (0, 0)),
            pl.BlockSpec((1, D), lambda i: (0, 0)),
        ],
        out_specs=pl.BlockSpec((eb, D), lambda i: (i, 0)),
        out_shape=jax.ShapeDtypeStruct((N_EDGES, D), jnp.float32),
    )(u, w2, b2.reshape(1, D))


def _mm_out_body(h_ref, wo_ref, bo_ref, o_ref):
    h = jnp.maximum(h_ref[...], 0.0)
    o_ref[...] = (
        jnp.dot(h, wo_ref[...], preferred_element_type=jnp.float32) + bo_ref[...]
    )


def _mm_out(h, wo, bo):
    return pl.pallas_call(
        _mm_out_body,
        out_shape=jax.ShapeDtypeStruct((h.shape[0], 1), jnp.float32),
    )(h, wo, bo.reshape(1, 1))



def _gather_body(a_hbm, b_hbm, src_hbm, dst_hbm, u_hbm,
                 didx, sidx, arows, brows, sem_a, sem_b):
    w = _wid()
    base = w * (N_EDGES // NW)
    n_chunks = (N_EDGES // NW) // GCH

    def chunk(ci, carry):
        off = base + ci * GCH
        pltpu.sync_copy(dst_hbm.at[pl.ds(off, GCH)], didx)
        pltpu.sync_copy(src_hbm.at[pl.ds(off, GCH)], sidx)
        ca = pltpu.async_copy(a_hbm.at[didx], arows, sem_a)
        cb = pltpu.async_copy(b_hbm.at[sidx], brows, sem_b)
        ca.wait()
        cb.wait()

        def row(r, c2):
            for c in range(D // 16):
                va = arows[r, pl.ds(c * 16, 16)]
                vb = brows[r, pl.ds(c * 16, 16)]
                arows[r, pl.ds(c * 16, 16)] = jnp.maximum(va + vb, 0.0)
            return c2

        lax.fori_loop(0, GCH, row, 0)
        pltpu.sync_copy(arows, u_hbm.at[pl.ds(off, GCH)])
        return carry

    lax.fori_loop(0, n_chunks, chunk, 0)


def _gather_add_relu(a, b, src, dst):
    f = pl.kernel(
        _gather_body,
        out_type=jax.ShapeDtypeStruct((N_EDGES, D), jnp.float32),
        mesh=_mesh,
        compiler_params=_sc_params,
        scratch_types=[
            pltpu.VMEM((GCH,), jnp.int32),
            pltpu.VMEM((GCH,), jnp.int32),
            pltpu.VMEM((GCH, D), jnp.float32),
            pltpu.VMEM((GCH, D), jnp.float32),
            pltpu.SemaphoreType.DMA,
            pltpu.SemaphoreType.DMA,
        ],
    )
    return f(a, b, src, dst)


def _bin_body(dst_hbm, lists_hbm, nblk_hbm, dvec, ebuf, nbv):
    w = _wid()
    lo = w * NPB
    hi = lo + NPB
    iota = lax.iota(jnp.int32, 16)
    trash = jnp.full((16,), TRASH, jnp.int32)

    for k in range(BLK // 16):
        ebuf[pl.ds(k * 16, 16)] = trash

    def flush(off_nb):
        off, nb = off_nb
        pltpu.sync_copy(ebuf, lists_hbm.at[w, pl.ds(nb * BLK, BLK)])
        return (jnp.int32(0), nb + 1)

    def chunk(ci, carry):
        pltpu.sync_copy(dst_hbm.at[pl.ds(ci * SCH, SCH)], dvec)

        def vec(i, carry):
            off, nb = carry
            v = dvec[pl.ds(i * 16, 16)]
            m = (v >= lo) & (v < hi)
            eids = ci * SCH + i * 16 + iota
            packed = jnp.where(m, eids * 512 + (v - lo), trash)
            key = jnp.where(m, jnp.int32(0), jnp.int32(1))
            _, spacked = plsc.sort_key_val(key, packed)
            ebuf[pl.ds(off, 16)] = spacked
            off = off + jnp.sum(m.astype(jnp.int32))
            return lax.cond(off >= FLUSH_AT, flush, lambda c: c, (off, nb))

        return lax.fori_loop(0, SCH // 16, vec, carry)

    carry = lax.fori_loop(0, N_EDGES // SCH, chunk, (jnp.int32(0), jnp.int32(0)))
    _, nb = flush(carry)
    nbv[...] = jnp.full((16,), nb, jnp.int32)
    pltpu.sync_copy(nbv.at[pl.ds(0, 8)], nblk_hbm.at[pl.ds(w * 8, 8)])


def _bin_edges(dst):
    f = pl.kernel(
        _bin_body,
        out_type=(
            jax.ShapeDtypeStruct((NW, N_EDGES), jnp.int32),
            jax.ShapeDtypeStruct((NW * 8,), jnp.int32),
        ),
        mesh=_mesh,
        compiler_params=_sc_params,
        scratch_types=[
            pltpu.VMEM((SCH,), jnp.int32),
            pltpu.VMEM((BLK,), jnp.int32),
            pltpu.VMEM((16,), jnp.int32),
        ],
    )
    return f(dst)


def _scatter_body(m_hbm, lists_hbm, nblk_hbm, agg_hbm,
                  acc, mrows, gidx, dbuf, pbuf, nbv, sem):
    w = _wid()
    neg_inf = jnp.full((16,), -jnp.inf, jnp.float32)

    def init(r, c):
        for ch in range(D // 16):
            acc[r, pl.ds(ch * 16, 16)] = neg_inf
        return c

    lax.fori_loop(0, NPB + 1, init, 0)

    pltpu.sync_copy(nblk_hbm.at[pl.ds(w * 8, 8)], nbv.at[pl.ds(0, 8)])
    nb = nbv[...][0]

    def blk(bi, c):
        pltpu.sync_copy(lists_hbm.at[w, pl.ds(bi * BLK, BLK)], pbuf)
        for k in range(BLK // 16):
            v = pbuf[pl.ds(k * 16, 16)]
            gidx[pl.ds(k * 16, 16)] = jnp.right_shift(v, 9)
            dbuf[pl.ds(k * 16, 16)] = jnp.bitwise_and(v, 511)
        pltpu.async_copy(m_hbm.at[gidx], mrows, sem).wait()

        def row(r, c2):
            d = dbuf[pl.ds(r, 16)][0]
            for ch in range(D // 16):
                cur = acc[d, pl.ds(ch * 16, 16)]
                mv = mrows[r, pl.ds(ch * 16, 16)]
                acc[d, pl.ds(ch * 16, 16)] = jnp.maximum(cur, mv)
            return c2

        lax.fori_loop(0, BLK, row, 0)
        return c

    lax.fori_loop(0, nb, blk, 0)

    def fin(r, c):
        for ch in range(D // 16):
            v = acc[r, pl.ds(ch * 16, 16)]
            acc[r, pl.ds(ch * 16, 16)] = jnp.where(v == -jnp.inf, 0.0, v)
        return c

    lax.fori_loop(0, NPB, fin, 0)
    pltpu.sync_copy(acc.at[pl.ds(0, NPB)],
                    agg_hbm.at[pl.ds(w * NPB, NPB)])


def _scatter_max(m, lists, nblk):
    f = pl.kernel(
        _scatter_body,
        out_type=jax.ShapeDtypeStruct((N_PAD, D), jnp.float32),
        mesh=_mesh,
        compiler_params=_sc_params,
        scratch_types=[
            pltpu.VMEM((NPB + 1, D), jnp.float32),
            pltpu.VMEM((BLK, D), jnp.float32),
            pltpu.VMEM((BLK,), jnp.int32),
            pltpu.VMEM((BLK + 16,), jnp.int32),
            pltpu.VMEM((BLK,), jnp.int32),
            pltpu.VMEM((16,), jnp.int32),
            pltpu.SemaphoreType.DMA,
        ],
    )
    return f(m, lists, nblk)



def kernel(x, edge_index, W1_0, b1_0, W2_0, b2_0, W1_1, b1_1, W2_1, b2_1, Wo, bo):
    src = edge_index[0].astype(jnp.int32)
    dst = edge_index[1].astype(jnp.int32)

    lists, nblk = _bin_edges(dst)

    a0, b0 = _mm_pre(x, W1_0, b1_0, input_relu=False)
    u0 = _gather_add_relu(a0, b0, src, dst)
    m0 = _mm_edge(u0, W2_0, b2_0)
    agg0 = _scatter_max(m0, lists, nblk)[:N_NODES]

    a1, b1 = _mm_pre(agg0, W1_1, b1_1, input_relu=True)
    u1 = _gather_add_relu(a1, b1, src, dst)
    m1 = _mm_edge(u1, W2_1, b2_1)
    agg1 = _scatter_max(m1, lists, nblk)[:N_NODES]

    out = _mm_out(agg1, Wo, bo)
    return out.squeeze(-1)

# --- scband reference (transcript-rebuilt; emitter-appended) ---
"""Pipeline reference for scband-edge-conv-node-regressor-11888469475719 (READ-ONLY COPY).

The authoritative reference and input builder live on the scoring server;
editing this copy changes nothing except your own understanding.
"""

import jax, jax.numpy as jnp
import numpy as np

N_NODES = 10000
N_EDGES = 320000
D_IN = 128
D_HID = 128


def setup_inputs(seed: int = 0) -> dict:
    key = jax.random.key(seed)
    ks = jax.random.split(key, 12)
    x = jax.random.normal(ks[0], (N_NODES, D_IN), dtype=jnp.float32)
    edge_index = jax.random.randint(ks[1], (2, N_EDGES), 0, N_NODES, dtype=jnp.int64)
    s1 = 1.0 / np.sqrt(2 * D_IN)
    s2 = 1.0 / np.sqrt(D_HID)
    W1_0 = jax.random.uniform(ks[2], (2 * D_IN, D_HID), jnp.float32, -s1, s1)
    b1_0 = jax.random.uniform(ks[3], (D_HID,), jnp.float32, -s1, s1)
    W2_0 = jax.random.uniform(ks[4], (D_HID, D_HID), jnp.float32, -s2, s2)
    b2_0 = jax.random.uniform(ks[5], (D_HID,), jnp.float32, -s2, s2)
    W1_1 = jax.random.uniform(ks[6], (2 * D_HID, D_HID), jnp.float32, -s2, s2)
    b1_1 = jax.random.uniform(ks[7], (D_HID,), jnp.float32, -s2, s2)
    W2_1 = jax.random.uniform(ks[8], (D_HID, D_HID), jnp.float32, -s2, s2)
    b2_1 = jax.random.uniform(ks[9], (D_HID,), jnp.float32, -s2, s2)
    Wo = jax.random.uniform(ks[10], (D_HID, 1), jnp.float32, -s2, s2)
    bo = jax.random.uniform(ks[11], (1,), jnp.float32, -s2, s2)
    return {"x": x, "edge_index": edge_index,
            "W1_0": W1_0, "b1_0": b1_0, "W2_0": W2_0, "b2_0": b2_0,
            "W1_1": W1_1, "b1_1": b1_1, "W2_1": W2_1, "b2_1": b2_1,
            "Wo": Wo, "bo": bo}


def _edge_conv(h, src, dst, n_nodes, W1, b1, W2, b2):
    # EdgeConv (max aggregation): message = MLP([x_i, x_j - x_i]) for edge j->i
    x_i = jnp.take(h, dst, axis=0)
    x_j = jnp.take(h, src, axis=0)
    m = jnp.concatenate([x_i, x_j - x_i], axis=-1)
    m = jnp.maximum(m @ W1 + b1, 0.0)
    m = m @ W2 + b2
    agg = jax.ops.segment_max(m, dst, num_segments=n_nodes)
    # isolated nodes: PyG max-aggr yields 0 for empty neighborhoods
    agg = jnp.where(jnp.isneginf(agg), 0.0, agg)
    return agg


def reference(x, edge_index, W1_0, b1_0, W2_0, b2_0, W1_1, b1_1, W2_1, b2_1, Wo, bo):
    src = edge_index[0]
    dst = edge_index[1]
    n = x.shape[0]
    h = x
    h = _edge_conv(h, src, dst, n, W1_0, b1_0, W2_0, b2_0)
    h = jnp.maximum(h, 0.0)  # relu (dropout is identity in eval)
    h = _edge_conv(h, src, dst, n, W1_1, b1_1, W2_1, b2_1)
    h = jnp.maximum(h, 0.0)
    out = h @ Wo + bo
    return out.squeeze(-1)

if __name__ == "__main__":
    import jax
    _d = setup_inputs()
    print(jax.jit(kernel)(*tuple(_d.values())))

</pallas_src>

<mosaic_0001>
#map = affine_map<(d0, d1) -> (0, 0)>
#map1 = affine_map<(d0, d1) -> (0)>
module attributes {stable_mosaic.version = 14 : i64} {
  func.func @_gather_body(%arg0: i32, %arg1: i32, %arg2: memref<10000x128xf32, #tpu.memory_space<hbm>>, %arg3: memref<10000x128xf32, #tpu.memory_space<hbm>>, %arg4: memref<320000xi32, #tpu.memory_space<hbm>>, %arg5: memref<320000xi32, #tpu.memory_space<hbm>>, %arg6: memref<320000x128xf32, #tpu.memory_space<hbm>>, %arg7: memref<80xi32, #tpu.memory_space<vmem>>, %arg8: memref<80xi32, #tpu.memory_space<vmem>>, %arg9: memref<80x128xf32, #tpu.memory_space<vmem>>, %arg10: memref<80x128xf32, #tpu.memory_space<vmem>>, %arg11: memref<!tpu.dma_semaphore, #tpu.memory_space<semaphore_mem>>, %arg12: memref<!tpu.dma_semaphore, #tpu.memory_space<semaphore_mem>>) attributes {dimension_semantics = [#tpu.dimension_semantics<core_parallel>, #tpu.dimension_semantics<subcore_parallel>], iteration_bounds = array<i64: 2, 16>, scalar_prefetch = 0 : i64, scratch_operands = 6 : i64, tpu.core_type = #tpu.core_type<sc_vector_subcore>, window_params = [{transform_indices = #map}, {transform_indices = #map}, {transform_indices = #map1}, {transform_indices = #map1}, {transform_indices = #map}]} {
    %mul3A = arith.constant 2 : i32
    %mul3A_0 = arith.muli %arg1, %mul3A : i32
    %add3A = arith.addi %mul3A_0, %arg0 : i32
    %mul3A_1 = arith.constant 10000 : i32
    %mul3A_2 = arith.muli %add3A, %mul3A_1 : i32
    %scan3A = arith.constant 0 : i32
    %scan3A_3 = arith.constant 0 : i32
    %scan3A_4 = arith.constant 125 : i32
    %scan3A_5 = arith.addi %scan3A_3, %scan3A_4 : i32
    %scan3A_6 = arith.constant 1 : i32
    scf.for %scan3A_8 = %scan3A_3 to %scan3A_5 step %scan3A_6  : i32 {
      %mul3A_9 = arith.constant 80 : i32
      %mul3A_10 = arith.muli %scan3A_8, %mul3A_9 : i32
      %add3A_11 = arith.addi %mul3A_2, %mul3A_10 : i32
      "tpu.region"() ({
        %run_scoped3A = tpu.sem_alloc : memref<!tpu.dma_semaphore, #tpu.memory_space<semaphore_mem>>
        %dma_start3A_28 = tpu.memref_slice %arg5[%add3A_11] : memref<320000xi32, #tpu.memory_space<hbm>> -> memref<80xi32, #tpu.memory_space<hbm>>
        %dma_start3A_29 = tpu.memref_slice %arg5[%add3A_11] : memref<320000xi32, #tpu.memory_space<hbm>> -> memref<80xi32, #tpu.memory_space<hbm>>
        tpu.enqueue_dma source(%dma_start3A_29 : memref<80xi32, #tpu.memory_space<hbm>>) target(%arg7 : memref<80xi32, #tpu.memory_space<vmem>>) target_semaphore(%run_scoped3A : memref<!tpu.dma_semaphore, #tpu.memory_space<semaphore_mem>>)
        %dma_wait3A_30 = tpu.memref_slice %arg5[%add3A_11] : memref<320000xi32, #tpu.memory_space<hbm>> -> memref<80xi32, #tpu.memory_space<hbm>>
        %dma_wait3A_31 = tpu.memref_slice %arg5[%add3A_11] : memref<320000xi32, #tpu.memory_space<hbm>> -> memref<80xi32, #tpu.memory_space<hbm>>
        tpu.wait_dma2 semaphore(%run_scoped3A : memref<!tpu.dma_semaphore, #tpu.memory_space<semaphore_mem>>) src(%dma_wait3A_31 : memref<80xi32, #tpu.memory_space<hbm>>) dst(%arg7 : memref<80xi32, #tpu.memory_space<vmem>>)
        tpu.yield
      }) : () -> ()
      "tpu.region"() ({
        %run_scoped3A = tpu.sem_alloc : memref<!tpu.dma_semaphore, #tpu.memory_space<semaphore_mem>>
        %dma_start3A_28 = tpu.memref_slice %arg4[%add3A_11] : memref<320000xi32, #tpu.memory_space<hbm>> -> memref<80xi32, #tpu.memory_space<hbm>>
        %dma_start3A_29 = tpu.memref_slice %arg4[%add3A_11] : memref<320000xi32, #tpu.memory_space<hbm>> -> memref<80xi32, #tpu.memory_space<hbm>>
        tpu.enqueue_dma source(%dma_start3A_29 : memref<80xi32, #tpu.memory_space<hbm>>) target(%arg8 : memref<80xi32, #tpu.memory_space<vmem>>) target_semaphore(%run_scoped3A : memref<!tpu.dma_semaphore, #tpu.memory_space<semaphore_mem>>)
        %dma_wait3A_30 = tpu.memref_slice %arg4[%add3A_11] : memref<320000xi32, #tpu.memory_space<hbm>> -> memref<80xi32, #tpu.memory_space<hbm>>
        %dma_wait3A_31 = tpu.memref_slice %arg4[%add3A_11] : memref<320000xi32, #tpu.memory_space<hbm>> -> memref<80xi32, #tpu.memory_space<hbm>>
        tpu.wait_dma2 semaphore(%run_scoped3A : memref<!tpu.dma_semaphore, #tpu.memory_space<semaphore_mem>>) src(%dma_wait3A_31 : memref<80xi32, #tpu.memory_space<hbm>>) dst(%arg8 : memref<80xi32, #tpu.memory_space<vmem>>)
        tpu.yield
      }) : () -> ()
      %dma_start3A = arith.constant 0 : i32
      %dma_start3A_12 = arith.constant 0 : i32
      %dma_start3A_13 = tpu.memref_slice %arg2[%dma_start3A, %dma_start3A_12] : memref<10000x128xf32, #tpu.memory_space<hbm>> -> memref<10000x128xf32, #tpu.memory_space<hbm>>
      tpu.enqueue_indirect_dma source(%dma_start3A_13 : memref<10000x128xf32, #tpu.memory_space<hbm>>) target(%arg9 : memref<80x128xf32, #tpu.memory_space<vmem>>) offsets(%arg7 : memref<80xi32, #tpu.memory_space<vmem>>) semaphore(%arg11 : memref<!tpu.dma_semaphore, #tpu.memory_space<semaphore_mem>>)
      %dma_start3A_14 = arith.constant 0 : i32
      %dma_start3A_15 = arith.constant 0 : i32
      %dma_start3A_16 = tpu.memref_slice %arg3[%dma_start3A_14, %dma_start3A_15] : memref<10000x128xf32, #tpu.memory_space<hbm>> -> memref<10000x128xf32, #tpu.memory_space<hbm>>
      tpu.enqueue_indirect_dma source(%dma_start3A_16 : memref<10000x128xf32, #tpu.memory_space<hbm>>) target(%arg10 : memref<80x128xf32, #tpu.memory_space<vmem>>) offsets(%arg8 : memref<80xi32, #tpu.memory_space<vmem>>) semaphore(%arg12 : memref<!tpu.dma_semaphore, #tpu.memory_space<semaphore_mem>>)
      %dma_wait3A = arith.constant 0 : i32
      %dma_wait3A_17 = arith.constant 0 : i32
      %dma_wait3A_18 = tpu.memref_slice %arg2[%dma_wait3A, %dma_wait3A_17] : memref<10000x128xf32, #tpu.memory_space<hbm>> -> memref<10000x128xf32, #tpu.memory_space<hbm>>
      tpu.wait_indirect_dma semaphore(%arg11 : memref<!tpu.dma_semaphore, #tpu.memory_space<semaphore_mem>>) src(%dma_wait3A_18 : memref<10000x128xf32, #tpu.memory_space<hbm>>) dst(%arg9 : memref<80x128xf32, #tpu.memory_space<vmem>>)
      %dma_wait3A_19 = arith.constant 0 : i32
      %dma_wait3A_20 = arith.constant 0 : i32
      %dma_wait3A_21 = tpu.memref_slice %arg3[%dma_wait3A_19, %dma_wait3A_20] : memref<10000x128xf32, #tpu.memory_space<hbm>> -> memref<10000x128xf32, #tpu.memory_space<hbm>>
      tpu.wait_indirect_dma semaphore(%arg12 : memref<!tpu.dma_semaphore, #tpu.memory_space<semaphore_mem>>) src(%dma_wait3A_21 : memref<10000x128xf32, #tpu.memory_space<hbm>>) dst(%arg10 : memref<80x128xf32, #tpu.memory_space<vmem>>)
      %scan3A_22 = arith.constant 0 : i32
      %scan3A_23 = arith.constant 0 : i32
      %scan3A_24 = arith.constant 80 : i32
      %scan3A_25 = arith.addi %scan3A_23, %scan3A_24 : i32
      %scan3A_26 = arith.constant 1 : i32
      scf.for %scan3A_28 = %scan3A_23 to %scan3A_25 step %scan3A_26  : i32 {
        %get3A = arith.index_cast %scan3A_28 : i32 to index
        %get3A_29 = arith.constant 0 : index
        %get3A_30 = tpu.vector_load %arg9[%get3A, %get3A_29] {strides = array<i32>} : memref<80x128xf32, #tpu.memory_space<vmem>>, vector<16xf32>,
        %get3A_31 = arith.index_cast %scan3A_28 : i32 to index
        %get3A_32 = arith.constant 0 : index
        %get3A_33 = tpu.vector_load %arg10[%get3A_31, %get3A_32] {strides = array<i32>} : memref<80x128xf32, #tpu.memory_space<vmem>>, vector<16xf32>,
        %add3A_34 = arith.addf %get3A_30, %get3A_33 : vector<16xf32>
        %max3A = arith.constant 0.000000e+00 : f32
        %max3A_35 = vector.broadcast %max3A : f32 to vector<16xf32>
        %max3A_36 = arith.maximumf %add3A_34, %max3A_35 : vector<16xf32>
        %swap3A = arith.index_cast %scan3A_28 : i32 to index
        %swap3A_37 = arith.constant 0 : index
        %swap3A_38 = tpu.vector_load %arg9[%swap3A, %swap3A_37] {strides = array<i32>} : memref<80x128xf32, #tpu.memory_space<vmem>>, vector<16xf32>,
        tpu.vector_store %arg9[%swap3A, %swap3A_37], %max3A_36 {strides = array<i32>} : memref<80x128xf32, #tpu.memory_space<vmem>>, vector<16xf32>,
        %get3A_39 = arith.index_cast %scan3A_28 : i32 to index
        %get3A_40 = arith.constant 16 : index
        %get3A_41 = tpu.vector_load %arg9[%get3A_39, %get3A_40] {strides = array<i32>} : memref<80x128xf32, #tpu.memory_space<vmem>>, vector<16xf32>,
        %get3A_42 = arith.index_cast %scan3A_28 : i32 to index
        %get3A_43 = arith.constant 16 : index
        %get3A_44 = tpu.vector_load %arg10[%get3A_42, %get3A_43] {strides = array<i32>} : memref<80x128xf32, #tpu.memory_space<vmem>>, vector<16xf32>,
        %add3A_45 = arith.addf %get3A_41, %get3A_44 : vector<16xf32>
        %max3A_46 = arith.constant 0.000000e+00 : f32
        %max3A_47 = vector.broadcast %max3A_46 : f32 to vector<16xf32>
        %max3A_48 = arith.maximumf %add3A_45, %max3A_47 : vector<16xf32>
        %swap3A_49 = arith.index_cast %scan3A_28 : i32 to index
        %swap3A_50 = arith.constant 16 : index
        %swap3A_51 = tpu.vector_load %arg9[%swap3A_49, %swap3A_50] {strides = array<i32>} : memref<80x128xf32, #tpu.memory_space<vmem>>, vector<16xf32>,
        tpu.vector_store %arg9[%swap3A_49, %swap3A_50], %max3A_48 {strides = array<i32>} : memref<80x128xf32, #tpu.memory_space<vmem>>, vector<16xf32>,
        %get3A_52 = arith.index_cast %scan3A_28 : i32 to index
        %get3A_53 = arith.constant 32 : index
        %get3A_54 = tpu.vector_load %arg9[%get3A_52, %get3A_53] {strides = array<i32>} : memref<80x128xf32, #tpu.memory_space<vmem>>, vector<16xf32>,
        %get3A_55 = arith.index_cast %scan3A_28 : i32 to index
        %get3A_56 = arith.constant 32 : index
        %get3A_57 = tpu.vector_load %arg10[%get3A_55, %get3A_56] {strides = array<i32>} : memref<80x128xf32, #tpu.memory_space<vmem>>, vector<16xf32>,
        %add3A_58 = arith.addf %get3A_54, %get3A_57 : vector<16xf32>
        %max3A_59 = arith.constant 0.000000e+00 : f32
        %max3A_60 = vector.broadcast %max3A_59 : f32 to vector<16xf32>
        %max3A_61 = arith.maximumf %add3A_58, %max3A_60 : vector<16xf32>
        %swap3A_62 = arith.index_cast %scan3A_28 : i32 to index
        %swap3A_63 = arith.constant 32 : index
        %swap3A_64 = tpu.vector_load %arg9[%swap3A_62, %swap3A_63] {strides = array<i32>} : memref<80x128xf32, #tpu.memory_space<vmem>>, vector<16xf32>,
        tpu.vector_store %arg9[%swap3A_62, %swap3A_63], %max3A_61 {strides = array<i32>} : memref<80x128xf32, #tpu.memory_space<vmem>>, vector<16xf32>,
        %get3A_65 = arith.index_cast %scan3A_28 : i32 to index
        %get3A_66 = arith.constant 48 : index
        %get3A_67 = tpu.vector_load %arg9[%get3A_65, %get3A_66] {strides = array<i32>} : memref<80x128xf32, #tpu.memory_space<vmem>>, vector<16xf32>,
        %get3A_68 = arith.index_cast %scan3A_28 : i32 to index
        %get3A_69 = arith.constant 48 : index
        %get3A_70 = tpu.vector_load %arg10[%get3A_68, %get3A_69] {strides = array<i32>} : memref<80x128xf32, #tpu.memory_space<vmem>>, vector<16xf32>,
        %add3A_71 = arith.addf %get3A_67, %get3A_70 : vector<16xf32>
        %max3A_72 = arith.constant 0.000000e+00 : f32
        %max3A_73 = vector.broadcast %max3A_72 : f32 to vector<16xf32>
        %max3A_74 = arith.maximumf %add3A_71, %max3A_73 : vector<16xf32>
        %swap3A_75 = arith.index_cast %scan3A_28 : i32 to index
        %swap3A_76 = arith.constant 48 : index
        %swap3A_77 = tpu.vector_load %arg9[%swap3A_75, %swap3A_76] {strides = array<i32>} : memref<80x128xf32, #tpu.memory_space<vmem>>, vector<16xf32>,
        tpu.vector_store %arg9[%swap3A_75, %swap3A_76], %max3A_74 {strides = array<i32>} : memref<80x128xf32, #tpu.memory_space<vmem>>, vector<16xf32>,
        %get3A_78 = arith.index_cast %scan3A_28 : i32 to index
        %get3A_79 = arith.constant 64 : index
        %get3A_80 = tpu.vector_load %arg9[%get3A_78, %get3A_79] {strides = array<i32>} : memref<80x128xf32, #tpu.memory_space<vmem>>, vector<16xf32>,
        %get3A_81 = arith.index_cast %scan3A_28 : i32 to index
        %get3A_82 = arith.constant 64 : index
        %get3A_83 = tpu.vector_load %arg10[%get3A_81, %get3A_82] {strides = array<i32>} : memref<80x128xf32, #tpu.memory_space<vmem>>, vector<16xf32>,
        %add3A_84 = arith.addf %get3A_80, %get3A_83 : vector<16xf32>
        %max3A_85 = arith.constant 0.000000e+00 : f32
        %max3A_86 = vector.broadcast %max3A_85 : f32 to vector<16xf32>
        %max3A_87 = arith.maximumf %add3A_84, %max3A_86 : vector<16xf32>
        %swap3A_88 = arith.index_cast %scan3A_28 : i32 to index
        %swap3A_89 = arith.constant 64 : index
        %swap3A_90 = tpu.vector_load %arg9[%swap3A_88, %swap3A_89] {strides = array<i32>} : memref<80x128xf32, #tpu.memory_space<vmem>>, vector<16xf32>,
        tpu.vector_store %arg9[%swap3A_88, %swap3A_89], %max3A_87 {strides = array<i32>} : memref<80x128xf32, #tpu.memory_space<vmem>>, vector<16xf32>,
        %get3A_91 = arith.index_cast %scan3A_28 : i32 to index
        %get3A_92 = arith.constant 80 : index
        %get3A_93 = tpu.vector_load %arg9[%get3A_91, %get3A_92] {strides = array<i32>} : memref<80x128xf32, #tpu.memory_space<vmem>>, vector<16xf32>,
        %get3A_94 = arith.index_cast %scan3A_28 : i32 to index
        %get3A_95 = arith.constant 80 : index
        %get3A_96 = tpu.vector_load %arg10[%get3A_94, %get3A_95] {strides = array<i32>} : memref<80x128xf32, #tpu.memory_space<vmem>>, vector<16xf32>,
        %add3A_97 = arith.addf %get3A_93, %get3A_96 : vector<16xf32>
        %max3A_98 = arith.constant 0.000000e+00 : f32
        %max3A_99 = vector.broadcast %max3A_98 : f32 to vector<16xf32>
        %max3A_100 = arith.maximumf %add3A_97, %max3A_99 : vector<16xf32>
        %swap3A_101 = arith.index_cast %scan3A_28 : i32 to index
        %swap3A_102 = arith.constant 80 : index
        %swap3A_103 = tpu.vector_load %arg9[%swap3A_101, %swap3A_102] {strides = array<i32>} : memref<80x128xf32, #tpu.memory_space<vmem>>, vector<16xf32>,
        tpu.vector_store %arg9[%swap3A_101, %swap3A_102], %max3A_100 {strides = array<i32>} : memref<80x128xf32, #tpu.memory_space<vmem>>, vector<16xf32>,
        %get3A_104 = arith.index_cast %scan3A_28 : i32 to index
        %get3A_105 = arith.constant 96 : index
        %get3A_106 = tpu.vector_load %arg9[%get3A_104, %get3A_105] {strides = array<i32>} : memref<80x128xf32, #tpu.memory_space<vmem>>, vector<16xf32>,
        %get3A_107 = arith.index_cast %scan3A_28 : i32 to index
        %get3A_108 = arith.constant 96 : index
        %get3A_109 = tpu.vector_load %arg10[%get3A_107, %get3A_108] {strides = array<i32>} : memref<80x128xf32, #tpu.memory_space<vmem>>, vector<16xf32>,
        %add3A_110 = arith.addf %get3A_106, %get3A_109 : vector<16xf32>
        %max3A_111 = arith.constant 0.000000e+00 : f32
        %max3A_112 = vector.broadcast %max3A_111 : f32 to vector<16xf32>
        %max3A_113 = arith.maximumf %add3A_110, %max3A_112 : vector<16xf32>
        %swap3A_114 = arith.index_cast %scan3A_28 : i32 to index
        %swap3A_115 = arith.constant 96 : index
        %swap3A_116 = tpu.vector_load %arg9[%swap3A_114, %swap3A_115] {strides = array<i32>} : memref<80x128xf32, #tpu.memory_space<vmem>>, vector<16xf32>,
        tpu.vector_store %arg9[%swap3A_114, %swap3A_115], %max3A_113 {strides = array<i32>} : memref<80x128xf32, #tpu.memory_space<vmem>>, vector<16xf32>,
        %get3A_117 = arith.index_cast %scan3A_28 : i32 to index
        %get3A_118 = arith.constant 112 : index
        %get3A_119 = tpu.vector_load %arg9[%get3A_117, %get3A_118] {strides = array<i32>} : memref<80x128xf32, #tpu.memory_space<vmem>>, vector<16xf32>,
        %get3A_120 = arith.index_cast %scan3A_28 : i32 to index
        %get3A_121 = arith.constant 112 : index
        %get3A_122 = tpu.vector_load %arg10[%get3A_120, %get3A_121] {strides = array<i32>} : memref<80x128xf32, #tpu.memory_space<vmem>>, vector<16xf32>,
        %add3A_123 = arith.addf %get3A_119, %get3A_122 : vector<16xf32>
        %max3A_124 = arith.constant 0.000000e+00 : f32
        %max3A_125 = vector.broadcast %max3A_124 : f32 to vector<16xf32>
        %max3A_126 = arith.maximumf %add3A_123, %max3A_125 : vector<16xf32>
        %swap3A_127 = arith.index_cast %scan3A_28 : i32 to index
        %swap3A_128 = arith.constant 112 : index
        %swap3A_129 = tpu.vector_load %arg9[%swap3A_127, %swap3A_128] {strides = array<i32>} : memref<80x128xf32, #tpu.memory_space<vmem>>, vector<16xf32>,
        tpu.vector_store %arg9[%swap3A_127, %swap3A_128], %max3A_126 {strides = array<i32>} : memref<80x128xf32, #tpu.memory_space<vmem>>, vector<16xf32>,
      }
      %scan3A_27 = arith.constant 80 : i32
      "tpu.region"() ({
        %run_scoped3A = tpu.sem_alloc : memref<!tpu.dma_semaphore, #tpu.memory_space<semaphore_mem>>
        %dma_start3A_28 = arith.constant 0 : i32
        %dma_start3A_29 = tpu.memref_slice %arg6[%add3A_11, %dma_start3A_28] : memref<320000x128xf32, #tpu.memory_space<hbm>> -> memref<80x128xf32, #tpu.memory_space<hbm>>
        %dma_start3A_30 = arith.constant 0 : i32
        %dma_start3A_31 = tpu.memref_slice %arg6[%add3A_11, %dma_start3A_30] : memref<320000x128xf32, #tpu.memory_space<hbm>> -> memref<80x128xf32, #tpu.memory_space<hbm>>
        tpu.enqueue_dma source(%arg9 : memref<80x128xf32, #tpu.memory_space<vmem>>) target(%dma_start3A_31 : memref<80x128xf32, #tpu.memory_space<hbm>>) target_semaphore(%run_scoped3A : memref<!tpu.dma_semaphore, #tpu.memory_space<semaphore_mem>>)
        %dma_wait3A_32 = arith.constant 0 : i32
        %dma_wait3A_33 = tpu.memref_slice %arg6[%add3A_11, %dma_wait3A_32] : memref<320000x128xf32, #tpu.memory_space<hbm>> -> memref<80x128xf32, #tpu.memory_space<hbm>>
        %dma_wait3A_34 = arith.constant 0 : i32
        %dma_wait3A_35 = tpu.memref_slice %arg6[%add3A_11, %dma_wait3A_34] : memref<320000x128xf32, #tpu.memory_space<hbm>> -> memref<80x128xf32, #tpu.memory_space<hbm>>
        tpu.wait_dma2 semaphore(%run_scoped3A : memref<!tpu.dma_semaphore, #tpu.memory_space<semaphore_mem>>) src(%arg9 : memref<80x128xf32, #tpu.memory_space<vmem>>) dst(%dma_wait3A_35 : memref<80x128xf32, #tpu.memory_space<hbm>>)
        tpu.yield
      }) : () -> ()
    }
    %scan3A_7 = arith.constant 125 : i32
    return
  }
}

#map = affine_map<(d0, d1) -> (0, 0)>
#map1 = affine_map<(d0, d1) -> (0)>
module attributes {stable_mosaic.version = 14 : i64} {
  func.func @_scatter_body(%arg0: i32, %arg1: i32, %arg2: memref<320000x128xf32, #tpu.memory_space<hbm>>, %arg3: memref<32x320000xi32, #tpu.memory_space<hbm>>, %arg4: memref<256xi32, #tpu.memory_space<hbm>>, %arg5: memref<10240x128xf32, #tpu.memory_space<hbm>>, %arg6: memref<321x128xf32, #tpu.memory_space<vmem>>, %arg7: memref<128x128xf32, #tpu.memory_space<vmem>>, %arg8: memref<128xi32, #tpu.memory_space<vmem>>, %arg9: memref<144xi32, #tpu.memory_space<vmem>>, %arg10: memref<128xi32, #tpu.memory_space<vmem>>, %arg11: memref<16xi32, #tpu.memory_space<vmem>>, %arg12: memref<!tpu.dma_semaphore, #tpu.memory_space<semaphore_mem>>) attributes {dimension_semantics = [#tpu.dimension_semantics<core_parallel>, #tpu.dimension_semantics<subcore_parallel>], iteration_bounds = array<i64: 2, 16>, scalar_prefetch = 0 : i64, scratch_operands = 7 : i64, tpu.core_type = #tpu.core_type<sc_vector_subcore>, window_params = [{transform_indices = #map}, {transform_indices = #map}, {transform_indices = #map1}, {transform_indices = #map}]} {
    %mul3A = arith.constant 2 : i32
    %mul3A_0 = arith.muli %arg1, %mul3A : i32
    %add3A = arith.addi %mul3A_0, %arg0 : i32
    %broadcast_in_dim3A = arith.constant 0xFF800000 : f32
    %broadcast_in_dim3A_1 = vector.broadcast %broadcast_in_dim3A : f32 to vector<16xf32>
    %scan3A = arith.constant 0 : i32
    %scan3A_2 = arith.constant 0 : i32
    %scan3A_3 = arith.constant 321 : i32
    %scan3A_4 = arith.addi %scan3A_2, %scan3A_3 : i32
    %scan3A_5 = arith.constant 1 : i32
    scf.for %scan3A_27 = %scan3A_2 to %scan3A_4 step %scan3A_5  : i32 {
      %swap3A = arith.index_cast %scan3A_27 : i32 to index
      %swap3A_28 = arith.constant 0 : index
      %swap3A_29 = tpu.vector_load %arg6[%swap3A, %swap3A_28] {strides = array<i32>} : memref<321x128xf32, #tpu.memory_space<vmem>>, vector<16xf32>,
      tpu.vector_store %arg6[%swap3A, %swap3A_28], %broadcast_in_dim3A_1 {strides = array<i32>} : memref<321x128xf32, #tpu.memory_space<vmem>>, vector<16xf32>,
      %swap3A_30 = arith.index_cast %scan3A_27 : i32 to index
      %swap3A_31 = arith.constant 16 : index
      %swap3A_32 = tpu.vector_load %arg6[%swap3A_30, %swap3A_31] {strides = array<i32>} : memref<321x128xf32, #tpu.memory_space<vmem>>, vector<16xf32>,
      tpu.vector_store %arg6[%swap3A_30, %swap3A_31], %broadcast_in_dim3A_1 {strides = array<i32>} : memref<321x128xf32, #tpu.memory_space<vmem>>, vector<16xf32>,
      %swap3A_33 = arith.index_cast %scan3A_27 : i32 to index
      %swap3A_34 = arith.constant 32 : index
      %swap3A_35 = tpu.vector_load %arg6[%swap3A_33, %swap3A_34] {strides = array<i32>} : memref<321x128xf32, #tpu.memory_space<vmem>>, vector<16xf32>,
      tpu.vector_store %arg6[%swap3A_33, %swap3A_34], %broadcast_in_dim3A_1 {strides = array<i32>} : memref<321x128xf32, #tpu.memory_space<vmem>>, vector<16xf32>,
      %swap3A_36 = arith.index_cast %scan3A_27 : i32 to index
      %swap3A_37 = arith.constant 48 : index
      %swap3A_38 = tpu.vector_load %arg6[%swap3A_36, %swap3A_37] {strides = array<i32>} : memref<321x128xf32, #tpu.memory_space<vmem>>, vector<16xf32>,
      tpu.vector_store %arg6[%swap3A_36, %swap3A_37], %broadcast_in_dim3A_1 {strides = array<i32>} : memref<321x128xf32, #tpu.memory_space<vmem>>, vector<16xf32>,
      %swap3A_39 = arith.index_cast %scan3A_27 : i32 to index
      %swap3A_40 = arith.constant 64 : index
      %swap3A_41 = tpu.vector_load %arg6[%swap3A_39, %swap3A_40] {strides = array<i32>} : memref<321x128xf32, #tpu.memory_space<vmem>>, vector<16xf32>,
      tpu.vector_store %arg6[%swap3A_39, %swap3A_40], %broadcast_in_dim3A_1 {strides = array<i32>} : memref<321x128xf32, #tpu.memory_space<vmem>>, vector<16xf32>,
      %swap3A_42 = arith.index_cast %scan3A_27 : i32 to index
      %swap3A_43 = arith.constant 80 : index
      %swap3A_44 = tpu.vector_load %arg6[%swap3A_42, %swap3A_43] {strides = array<i32>} : memref<321x128xf32, #tpu.memory_space<vmem>>, vector<16xf32>,
      tpu.vector_store %arg6[%swap3A_42, %swap3A_43], %broadcast_in_dim3A_1 {strides = array<i32>} : memref<321x128xf32, #tpu.memory_space<vmem>>, vector<16xf32>,
      %swap3A_45 = arith.index_cast %scan3A_27 : i32 to index
      %swap3A_46 = arith.constant 96 : index
      %swap3A_47 = tpu.vector_load %arg6[%swap3A_45, %swap3A_46] {strides = array<i32>} : memref<321x128xf32, #tpu.memory_space<vmem>>, vector<16xf32>,
      tpu.vector_store %arg6[%swap3A_45, %swap3A_46], %broadcast_in_dim3A_1 {strides = array<i32>} : memref<321x128xf32, #tpu.memory_space<vmem>>, vector<16xf32>,
      %swap3A_48 = arith.index_cast %scan3A_27 : i32 to index
      %swap3A_49 = arith.constant 112 : index
      %swap3A_50 = tpu.vector_load %arg6[%swap3A_48, %swap3A_49] {strides = array<i32>} : memref<321x128xf32, #tpu.memory_space<vmem>>, vector<16xf32>,
      tpu.vector_store %arg6[%swap3A_48, %swap3A_49], %broadcast_in_dim3A_1 {strides = array<i32>} : memref<321x128xf32, #tpu.memory_space<vmem>>, vector<16xf32>,
    }
    %scan3A_6 = arith.constant 321 : i32
    %mul3A_7 = arith.constant 8 : i32
    %mul3A_8 = arith.muli %add3A, %mul3A_7 : i32
    "tpu.region"() ({
      %run_scoped3A = tpu.sem_alloc : memref<!tpu.dma_semaphore, #tpu.memory_space<semaphore_mem>>
      %dma_start3A = arith.constant 0 : i32
      %dma_start3A_27 = tpu.memref_slice %arg11[%dma_start3A] : memref<16xi32, #tpu.memory_space<vmem>> -> memref<8xi32, #tpu.memory_space<vmem>>
      %dma_start3A_28 = tpu.memref_slice %arg4[%mul3A_8] : memref<256xi32, #tpu.memory_space<hbm>> -> memref<8xi32, #tpu.memory_space<hbm>>
      %dma_start3A_29 = arith.constant 0 : i32
      %dma_start3A_30 = tpu.memref_slice %arg11[%dma_start3A_29] : memref<16xi32, #tpu.memory_space<vmem>> -> memref<8xi32, #tpu.memory_space<vmem>>
      %dma_start3A_31 = tpu.memref_slice %arg4[%mul3A_8] : memref<256xi32, #tpu.memory_space<hbm>> -> memref<8xi32, #tpu.memory_space<hbm>>
      tpu.enqueue_dma source(%dma_start3A_31 : memref<8xi32, #tpu.memory_space<hbm>>) target(%dma_start3A_30 : memref<8xi32, #tpu.memory_space<vmem>>) target_semaphore(%run_scoped3A : memref<!tpu.dma_semaphore, #tpu.memory_space<semaphore_mem>>)
      %dma_wait3A = arith.constant 0 : i32
      %dma_wait3A_32 = tpu.memref_slice %arg11[%dma_wait3A] : memref<16xi32, #tpu.memory_space<vmem>> -> memref<8xi32, #tpu.memory_space<vmem>>
      %dma_wait3A_33 = tpu.memref_slice %arg4[%mul3A_8] : memref<256xi32, #tpu.memory_space<hbm>> -> memref<8xi32, #tpu.memory_space<hbm>>
      %dma_wait3A_34 = arith.constant 0 : i32
      %dma_wait3A_35 = tpu.memref_slice %arg11[%dma_wait3A_34] : memref<16xi32, #tpu.memory_space<vmem>> -> memref<8xi32, #tpu.memory_space<vmem>>
      %dma_wait3A_36 = tpu.memref_slice %arg4[%mul3A_8] : memref<256xi32, #tpu.memory_space<hbm>> -> memref<8xi32, #tpu.memory_space<hbm>>
      tpu.wait_dma2 semaphore(%run_scoped3A : memref<!tpu.dma_semaphore, #tpu.memory_space<semaphore_mem>>) src(%dma_wait3A_36 : memref<8xi32, #tpu.memory_space<hbm>>) dst(%dma_wait3A_35 : memref<8xi32, #tpu.memory_space<vmem>>)
      tpu.yield
    }) : () -> ()
    %get3A = arith.constant 0 : index
    %get3A_9 = tpu.vector_load %arg11[%get3A] {strides = array<i32>} : memref<16xi32, #tpu.memory_space<vmem>>, vector<16xi32>,
    %slice3A = vector.extract_strided_slice %get3A_9 {offsets = [0], sizes = [1], strides = [1]} : vector<16xi32> to vector<1xi32>
    %squeeze3A = vector.extract %slice3A[0] : i32 from vector<1xi32>
    %while3A = arith.constant 0 : i32
    %while3A_10 = arith.constant 0 : i32
    %while3A_11 = arith.subi %squeeze3A, %while3A_10 : i32
    %while3A_12 = arith.addi %while3A_10, %while3A_11 : i32
    %while3A_13 = arith.constant 1 : i32
    %while3A_14 = arith.divsi %while3A_11, %while3A_13 : i32
    %while3A_15 = arith.muli %while3A_14, %while3A_13 : i32
    %while3A_16 = arith.addi %while3A_10, %while3A_15 : i32
    %while3A_17 = arith.constant 1 : i32
    scf.for %while3A_27 = %while3A_10 to %while3A_16 step %while3A_17  : i32 {
      %mul3A_28 = arith.constant 128 : i32
      %mul3A_29 = arith.muli %while3A_27, %mul3A_28 : i32
      "tpu.region"() ({
        %run_scoped3A = tpu.sem_alloc : memref<!tpu.dma_semaphore, #tpu.memory_space<semaphore_mem>>
        %dma_start3A_133 = tpu.memref_slice %arg3[%add3A, %mul3A_29] : memref<32x320000xi32, #tpu.memory_space<hbm>> -> memref<1x128xi32, #tpu.memory_space<hbm>>
        %dma_start3A_134 = tpu.memref_squeeze %dma_start3A_133 : memref<1x128xi32, #tpu.memory_space<hbm>> -> memref<128xi32, #tpu.memory_space<hbm>>
        %dma_start3A_135 = tpu.memref_slice %arg3[%add3A, %mul3A_29] : memref<32x320000xi32, #tpu.memory_space<hbm>> -> memref<1x128xi32, #tpu.memory_space<hbm>>
        %dma_start3A_136 = tpu.memref_squeeze %dma_start3A_135 : memref<1x128xi32, #tpu.memory_space<hbm>> -> memref<128xi32, #tpu.memory_space<hbm>>
        tpu.enqueue_dma source(%dma_start3A_136 : memref<128xi32, #tpu.memory_space<hbm>>) target(%arg10 : memref<128xi32, #tpu.memory_space<vmem>>) target_semaphore(%run_scoped3A : memref<!tpu.dma_semaphore, #tpu.memory_space<semaphore_mem>>)
        %dma_wait3A_137 = tpu.memref_slice %arg3[%add3A, %mul3A_29] : memref<32x320000xi32, #tpu.memory_space<hbm>> -> memref<1x128xi32, #tpu.memory_space<hbm>>
        %dma_wait3A_138 = tpu.memref_squeeze %dma_wait3A_137 : memref<1x128xi32, #tpu.memory_space<hbm>> -> memref<128xi32, #tpu.memory_space<hbm>>
        %dma_wait3A_139 = tpu.memref_slice %arg3[%add3A, %mul3A_29] : memref<32x320000xi32, #tpu.memory_space<hbm>> -> memref<1x128xi32, #tpu.memory_space<hbm>>
        %dma_wait3A_140 = tpu.memref_squeeze %dma_wait3A_139 : memref<1x128xi32, #tpu.memory_space<hbm>> -> memref<128xi32, #tpu.memory_space<hbm>>
        tpu.wait_dma2 semaphore(%run_scoped3A : memref<!tpu.dma_semaphore, #tpu.memory_space<semaphore_mem>>) src(%dma_wait3A_140 : memref<128xi32, #tpu.memory_space<hbm>>) dst(%arg10 : memref<128xi32, #tpu.memory_space<vmem>>)
        tpu.yield
      }) : () -> ()
      %get3A_30 = arith.constant 0 : index
      %get3A_31 = tpu.vector_load %arg10[%get3A_30] {strides = array<i32>} : memref<128xi32, #tpu.memory_space<vmem>>, vector<16xi32>,
      %shift_right_arithmetic3A = arith.constant 9 : i32
      %shift_right_arithmetic3A_32 = vector.broadcast %shift_right_arithmetic3A : i32 to vector<16xi32>
      %shift_right_arithmetic3A_33 = arith.shrsi %get3A_31, %shift_right_arithmetic3A_32 : vector<16xi32>
      %swap3A = arith.constant 0 : index
      %swap3A_34 = tpu.vector_load %arg8[%swap3A] {strides = array<i32>} : memref<128xi32, #tpu.memory_space<vmem>>, vector<16xi32>,
      tpu.vector_store %arg8[%swap3A], %shift_right_arithmetic3A_33 {strides = array<i32>} : memref<128xi32, #tpu.memory_space<vmem>>, vector<16xi32>,
      %and3A = arith.constant 511 : i32
      %and3A_35 = vector.broadcast %and3A : i32 to vector<16xi32>
      %and3A_36 = arith.andi %get3A_31, %and3A_35 : vector<16xi32>
      %swap3A_37 = arith.constant 0 : index
      %swap3A_38 = tpu.vector_load %arg9[%swap3A_37] {strides = array<i32>} : memref<144xi32, #tpu.memory_space<vmem>>, vector<16xi32>,
      tpu.vector_store %arg9[%swap3A_37], %and3A_36 {strides = array<i32>} : memref<144xi32, #tpu.memory_space<vmem>>, vector<16xi32>,
      %get3A_39 = arith.constant 16 : index
      %get3A_40 = tpu.vector_load %arg10[%get3A_39] {strides = array<i32>} : memref<128xi32, #tpu.memory_space<vmem>>, vector<16xi32>,
      %shift_right_arithmetic3A_41 = arith.constant 9 : i32
      %shift_right_arithmetic3A_42 = vector.broadcast %shift_right_arithmetic3A_41 : i32 to vector<16xi32>
      %shift_right_arithmetic3A_43 = arith.shrsi %get3A_40, %shift_right_arithmetic3A_42 : vector<16xi32>
      %swap3A_44 = arith.constant 16 : index
      %swap3A_45 = tpu.vector_load %arg8[%swap3A_44] {strides = array<i32>} : memref<128xi32, #tpu.memory_space<vmem>>, vector<16xi32>,
      tpu.vector_store %arg8[%swap3A_44], %shift_right_arithmetic3A_43 {strides = array<i32>} : memref<128xi32, #tpu.memory_space<vmem>>, vector<16xi32>,
      %and3A_46 = arith.constant 511 : i32
      %and3A_47 = vector.broadcast %and3A_46 : i32 to vector<16xi32>
      %and3A_48 = arith.andi %get3A_40, %and3A_47 : vector<16xi32>
      %swap3A_49 = arith.constant 16 : index
      %swap3A_50 = tpu.vector_load %arg9[%swap3A_49] {strides = array<i32>} : memref<144xi32, #tpu.memory_space<vmem>>, vector<16xi32>,
      tpu.vector_store %arg9[%swap3A_49], %and3A_48 {strides = array<i32>} : memref<144xi32, #tpu.memory_space<vmem>>, vector<16xi32>,
      %get3A_51 = arith.constant 32 : index
      %get3A_52 = tpu.vector_load %arg10[%get3A_51] {strides = array<i32>} : memref<128xi32, #tpu.memory_space<vmem>>, vector<16xi32>,
      %shift_right_arithmetic3A_53 = arith.constant 9 : i32
      %shift_right_arithmetic3A_54 = vector.broadcast %shift_right_arithmetic3A_53 : i32 to vector<16xi32>
      %shift_right_arithmetic3A_55 = arith.shrsi %get3A_52, %shift_right_arithmetic3A_54 : vector<16xi32>
      %swap3A_56 = arith.constant 32 : index
      %swap3A_57 = tpu.vector_load %arg8[%swap3A_56] {strides = array<i32>} : memref<128xi32, #tpu.memory_space<vmem>>, vector<16xi32>,
      tpu.vector_store %arg8[%swap3A_56], %shift_right_arithmetic3A_55 {strides = array<i32>} : memref<128xi32, #tpu.memory_space<vmem>>, vector<16xi32>,
      %and3A_58 = arith.constant 511 : i32
      %and3A_59 = vector.broadcast %and3A_58 : i32 to vector<16xi32>
      %and3A_60 = arith.andi %get3A_52, %and3A_59 : vector<16xi32>
      %swap3A_61 = arith.constant 32 : index
      %swap3A_62 = tpu.vector_load %arg9[%swap3A_61] {strides = array<i32>} : memref<144xi32, #tpu.memory_space<vmem>>, vector<16xi32>,
      tpu.vector_store %arg9[%swap3A_61], %and3A_60 {strides = array<i32>} : memref<144xi32, #tpu.memory_space<vmem>>, vector<16xi32>,
      %get3A_63 = arith.constant 48 : index
      %get3A_64 = tpu.vector_load %arg10[%get3A_63] {strides = array<i32>} : memref<128xi32, #tpu.memory_space<vmem>>, vector<16xi32>,
      %shift_right_arithmetic3A_65 = arith.constant 9 : i32
      %shift_right_arithmetic3A_66 = vector.broadcast %shift_right_arithmetic3A_65 : i32 to vector<16xi32>
      %shift_right_arithmetic3A_67 = arith.shrsi %get3A_64, %shift_right_arithmetic3A_66 : vector<16xi32>
      %swap3A_68 = arith.constant 48 : index
      %swap3A_69 = tpu.vector_load %arg8[%swap3A_68] {strides = array<i32>} : memref<128xi32, #tpu.memory_space<vmem>>, vector<16xi32>,
      tpu.vector_store %arg8[%swap3A_68], %shift_right_arithmetic3A_67 {strides = array<i32>} : memref<128xi32, #tpu.memory_space<vmem>>, vector<16xi32>,
      %and3A_70 = arith.constant 511 : i32
      %and3A_71 = vector.broadcast %and3A_70 : i32 to vector<16xi32>
      %and3A_72 = arith.andi %get3A_64, %and3A_71 : vector<16xi32>
      %swap3A_73 = arith.constant 48 : index
      %swap3A_74 = tpu.vector_load %arg9[%swap3A_73] {strides = array<i32>} : memref<144xi32, #tpu.memory_space<vmem>>, vector<16xi32>,
      tpu.vector_store %arg9[%swap3A_73], %and3A_72 {strides = array<i32>} : memref<144xi32, #tpu.memory_space<vmem>>, vector<16xi32>,
      %get3A_75 = arith.constant 64 : index
      %get3A_76 = tpu.vector_load %arg10[%get3A_75] {strides = array<i32>} : memref<128xi32, #tpu.memory_space<vmem>>, vector<16xi32>,
      %shift_right_arithmetic3A_77 = arith.constant 9 : i32
      %shift_right_arithmetic3A_78 = vector.broadcast %shift_right_arithmetic3A_77 : i32 to vector<16xi32>
      %shift_right_arithmetic3A_79 = arith.shrsi %get3A_76, %shift_right_arithmetic3A_78 : vector<16xi32>
      %swap3A_80 = arith.constant 64 : index
      %swap3A_81 = tpu.vector_load %arg8[%swap3A_80] {strides = array<i32>} : memref<128xi32, #tpu.memory_space<vmem>>, vector<16xi32>,
      tpu.vector_store %arg8[%swap3A_80], %shift_right_arithmetic3A_79 {strides = array<i32>} : memref<128xi32, #tpu.memory_space<vmem>>, vector<16xi32>,
      %and3A_82 = arith.constant 511 : i32
      %and3A_83 = vector.broadcast %and3A_82 : i32 to vector<16xi32>
      %and3A_84 = arith.andi %get3A_76, %and3A_83 : vector<16xi32>
      %swap3A_85 = arith.constant 64 : index
      %swap3A_86 = tpu.vector_load %arg9[%swap3A_85] {strides = array<i32>} : memref<144xi32, #tpu.memory_space<vmem>>, vector<16xi32>,
      tpu.vector_store %arg9[%swap3A_85], %and3A_84 {strides = array<i32>} : memref<144xi32, #tpu.memory_space<vmem>>, vector<16xi32>,
      %get3A_87 = arith.constant 80 : index
      %get3A_88 = tpu.vector_load %arg10[%get3A_87] {strides = array<i32>} : memref<128xi32, #tpu.memory_space<vmem>>, vector<16xi32>,
      %shift_right_arithmetic3A_89 = arith.constant 9 : i32
      %shift_right_arithmetic3A_90 = vector.broadcast %shift_right_arithmetic3A_89 : i32 to vector<16xi32>
      %shift_right_arithmetic3A_91 = arith.shrsi %get3A_88, %shift_right_arithmetic3A_90 : vector<16xi32>
      %swap3A_92 = arith.constant 80 : index
      %swap3A_93 = tpu.vector_load %arg8[%swap3A_92] {strides = array<i32>} : memref<128xi32, #tpu.memory_space<vmem>>, vector<16xi32>,
      tpu.vector_store %arg8[%swap3A_92], %shift_right_arithmetic3A_91 {strides = array<i32>} : memref<128xi32, #tpu.memory_space<vmem>>, vector<16xi32>,
      %and3A_94 = arith.constant 511 : i32
      %and3A_95 = vector.broadcast %and3A_94 : i32 to vector<16xi32>
      %and3A_96 = arith.andi %get3A_88, %and3A_95 : vector<16xi32>
      %swap3A_97 = arith.constant 80 : index
      %swap3A_98 = tpu.vector_load %arg9[%swap3A_97] {strides = array<i32>} : memref<144xi32, #tpu.memory_space<vmem>>, vector<16xi32>,
      tpu.vector_store %arg9[%swap3A_97], %and3A_96 {strides = array<i32>} : memref<144xi32, #tpu.memory_space<vmem>>, vector<16xi32>,
      %get3A_99 = arith.constant 96 : index
      %get3A_100 = tpu.vector_load %arg10[%get3A_99] {strides = array<i32>} : memref<128xi32, #tpu.memory_space<vmem>>, vector<16xi32>,
      %shift_right_arithmetic3A_101 = arith.constant 9 : i32
      %shift_right_arithmetic3A_102 = vector.broadcast %shift_right_arithmetic3A_101 : i32 to vector<16xi32>
      %shift_right_arithmetic3A_103 = arith.shrsi %get3A_100, %shift_right_arithmetic3A_102 : vector<16xi32>
      %swap3A_104 = arith.constant 96 : index
      %swap3A_105 = tpu.vector_load %arg8[%swap3A_104] {strides = array<i32>} : memref<128xi32, #tpu.memory_space<vmem>>, vector<16xi32>,
      tpu.vector_store %arg8[%swap3A_104], %shift_right_arithmetic3A_103 {strides = array<i32>} : memref<128xi32, #tpu.memory_space<vmem>>, vector<16xi32>,
      %and3A_106 = arith.constant 511 : i32
      %and3A_107 = vector.broadcast %and3A_106 : i32 to vector<16xi32>
      %and3A_108 = arith.andi %get3A_100, %and3A_107 : vector<16xi32>
      %swap3A_109 = arith.constant 96 : index
      %swap3A_110 = tpu.vector_load %arg9[%swap3A_109] {strides = array<i32>} : memref<144xi32, #tpu.memory_space<vmem>>, vector<16xi32>,
      tpu.vector_store %arg9[%swap3A_109], %and3A_108 {strides = array<i32>} : memref<144xi32, #tpu.memory_space<vmem>>, vector<16xi32>,
      %get3A_111 = arith.constant 112 : index
      %get3A_112 = tpu.vector_load %arg10[%get3A_111] {strides = array<i32>} : memref<128xi32, #tpu.memory_space<vmem>>, vector<16xi32>,
      %shift_right_arithmetic3A_113 = arith.constant 9 : i32
      %shift_right_arithmetic3A_114 = vector.broadcast %shift_right_arithmetic3A_113 : i32 to vector<16xi32>
      %shift_right_arithmetic3A_115 = arith.shrsi %get3A_112, %shift_right_arithmetic3A_114 : vector<16xi32>
      %swap3A_116 = arith.constant 112 : index
      %swap3A_117 = tpu.vector_load %arg8[%swap3A_116] {strides = array<i32>} : memref<128xi32, #tpu.memory_space<vmem>>, vector<16xi32>,
      tpu.vector_store %arg8[%swap3A_116], %shift_right_arithmetic3A_115 {strides = array<i32>} : memref<128xi32, #tpu.memory_space<vmem>>, vector<16xi32>,
      %and3A_118 = arith.constant 511 : i32
      %and3A_119 = vector.broadcast %and3A_118 : i32 to vector<16xi32>
      %and3A_120 = arith.andi %get3A_112, %and3A_119 : vector<16xi32>
      %swap3A_121 = arith.constant 112 : index
      %swap3A_122 = tpu.vector_load %arg9[%swap3A_121] {strides = array<i32>} : memref<144xi32, #tpu.memory_space<vmem>>, vector<16xi32>,
      tpu.vector_store %arg9[%swap3A_121], %and3A_120 {strides = array<i32>} : memref<144xi32, #tpu.memory_space<vmem>>, vector<16xi32>,
      %dma_start3A = arith.constant 0 : i32
      %dma_start3A_123 = arith.constant 0 : i32
      %dma_start3A_124 = tpu.memref_slice %arg2[%dma_start3A, %dma_start3A_123] : memref<320000x128xf32, #tpu.memory_space<hbm>> -> memref<320000x128xf32, #tpu.memory_space<hbm>>
      tpu.enqueue_indirect_dma source(%dma_start3A_124 : memref<320000x128xf32, #tpu.memory_space<hbm>>) target(%arg7 : memref<128x128xf32, #tpu.memory_space<vmem>>) offsets(%arg8 : memref<128xi32, #tpu.memory_space<vmem>>) semaphore(%arg12 : memref<!tpu.dma_semaphore, #tpu.memory_space<semaphore_mem>>)
      %dma_wait3A = arith.constant 0 : i32
      %dma_wait3A_125 = arith.constant 0 : i32
      %dma_wait3A_126 = tpu.memref_slice %arg2[%dma_wait3A, %dma_wait3A_125] : memref<320000x128xf32, #tpu.memory_space<hbm>> -> memref<320000x128xf32, #tpu.memory_space<hbm>>
      tpu.wait_indirect_dma semaphore(%arg12 : memref<!tpu.dma_semaphore, #tpu.memory_space<semaphore_mem>>) src(%dma_wait3A_126 : memref<320000x128xf32, #tpu.memory_space<hbm>>) dst(%arg7 : memref<128x128xf32, #tpu.memory_space<vmem>>)
      %scan3A_127 = arith.constant 0 : i32
      %scan3A_128 = arith.constant 0 : i32
      %scan3A_129 = arith.constant 128 : i32
      %scan3A_130 = arith.addi %scan3A_128, %scan3A_129 : i32
      %scan3A_131 = arith.constant 1 : i32
      scf.for %scan3A_133 = %scan3A_128 to %scan3A_130 step %scan3A_131  : i32 {
        %get3A_134 = arith.index_cast %scan3A_133 : i32 to index
        %get3A_135 = tpu.vector_load %arg9[%get3A_134] {strides = array<i32>} : memref<144xi32, #tpu.memory_space<vmem>>, vector<16xi32>,
        %slice3A_136 = vector.extract_strided_slice %get3A_135 {offsets = [0], sizes = [1], strides = [1]} : vector<16xi32> to vector<1xi32>
        %squeeze3A_137 = vector.extract %slice3A_136[0] : i32 from vector<1xi32>
        %get3A_138 = arith.index_cast %squeeze3A_137 : i32 to index
        %get3A_139 = arith.constant 0 : index
        %get3A_140 = tpu.vector_load %arg6[%get3A_138, %get3A_139] {strides = array<i32>} : memref<321x128xf32, #tpu.memory_space<vmem>>, vector<16xf32>,
        %get3A_141 = arith.index_cast %scan3A_133 : i32 to index
        %get3A_142 = arith.constant 0 : index
        %get3A_143 = tpu.vector_load %arg7[%get3A_141, %get3A_142] {strides = array<i32>} : memref<128x128xf32, #tpu.memory_space<vmem>>, vector<16xf32>,
        %max3A = arith.maximumf %get3A_140, %get3A_143 : vector<16xf32>
        %swap3A_144 = arith.index_cast %squeeze3A_137 : i32 to index
        %swap3A_145 = arith.constant 0 : index
        %swap3A_146 = tpu.vector_load %arg6[%swap3A_144, %swap3A_145] {strides = array<i32>} : memref<321x128xf32, #tpu.memory_space<vmem>>, vector<16xf32>,
        tpu.vector_store %arg6[%swap3A_144, %swap3A_145], %max3A {strides = array<i32>} : memref<321x128xf32, #tpu.memory_space<vmem>>, vector<16xf32>,
        %get3A_147 = arith.index_cast %squeeze3A_137 : i32 to index
        %get3A_148 = arith.constant 16 : index
        %get3A_149 = tpu.vector_load %arg6[%get3A_147, %get3A_148] {strides = array<i32>} : memref<321x128xf32, #tpu.memory_space<vmem>>, vector<16xf32>,
        %get3A_150 = arith.index_cast %scan3A_133 : i32 to index
        %get3A_151 = arith.constant 16 : index
        %get3A_152 = tpu.vector_load %arg7[%get3A_150, %get3A_151] {strides = array<i32>} : memref<128x128xf32, #tpu.memory_space<vmem>>, vector<16xf32>,
        %max3A_153 = arith.maximumf %get3A_149, %get3A_152 : vector<16xf32>
        %swap3A_154 = arith.index_cast %squeeze3A_137 : i32 to index
        %swap3A_155 = arith.constant 16 : index
        %swap3A_156 = tpu.vector_load %arg6[%swap3A_154, %swap3A_155] {strides = array<i32>} : memref<321x128xf32, #tpu.memory_space<vmem>>, vector<16xf32>,
        tpu.vector_store %arg6[%swap3A_154, %swap3A_155], %max3A_153 {strides = array<i32>} : memref<321x128xf32, #tpu.memory_space<vmem>>, vector<16xf32>,
        %get3A_157 = arith.index_cast %squeeze3A_137 : i32 to index
        %get3A_158 = arith.constant 32 : index
        %get3A_159 = tpu.vector_load %arg6[%get3A_157, %get3A_158] {strides = array<i32>} : memref<321x128xf32, #tpu.memory_space<vmem>>, vector<16xf32>,
        %get3A_160 = arith.index_cast %scan3A_133 : i32 to index
        %get3A_161 = arith.constant 32 : index
        %get3A_162 = tpu.vector_load %arg7[%get3A_160, %get3A_161] {strides = array<i32>} : memref<128x128xf32, #tpu.memory_space<vmem>>, vector<16xf32>,
        %max3A_163 = arith.maximumf %get3A_159, %get3A_162 : vector<16xf32>
        %swap3A_164 = arith.index_cast %squeeze3A_137 : i32 to index
        %swap3A_165 = arith.constant 32 : index
        %swap3A_166 = tpu.vector_load %arg6[%swap3A_164, %swap3A_165] {strides = array<i32>} : memref<321x128xf32, #tpu.memory_space<vmem>>, vector<16xf32>,
        tpu.vector_store %arg6[%swap3A_164, %swap3A_165], %max3A_163 {strides = array<i32>} : memref<321x128xf32, #tpu.memory_space<vmem>>, vector<16xf32>,
        %get3A_167 = arith.index_cast %squeeze3A_137 : i32 to index
        %get3A_168 = arith.constant 48 : index
        %get3A_169 = tpu.vector_load %arg6[%get3A_167, %get3A_168] {strides = array<i32>} : memref<321x128xf32, #tpu.memory_space<vmem>>, vector<16xf32>,
        %get3A_170 = arith.index_cast %scan3A_133 : i32 to index
        %get3A_171 = arith.constant 48 : index
        %get3A_172 = tpu.vector_load %arg7[%get3A_170, %get3A_171] {strides = array<i32>} : memref<128x128xf32, #tpu.memory_space<vmem>>, vector<16xf32>,
        %max3A_173 = arith.maximumf %get3A_169, %get3A_172 : vector<16xf32>
        %swap3A_174 = arith.index_cast %squeeze3A_137 : i32 to index
        %swap3A_175 = arith.constant 48 : index
        %swap3A_176 = tpu.vector_load %arg6[%swap3A_174, %swap3A_175] {strides = array<i32>} : memref<321x128xf32, #tpu.memory_space<vmem>>, vector<16xf32>,
        tpu.vector_store %arg6[%swap3A_174, %swap3A_175], %max3A_173 {strides = array<i32>} : memref<321x128xf32, #tpu.memory_space<vmem>>, vector<16xf32>,
        %get3A_177 = arith.index_cast %squeeze3A_137 : i32 to index
        %get3A_178 = arith.constant 64 : index
        %get3A_179 = tpu.vector_load %arg6[%get3A_177, %get3A_178] {strides = array<i32>} : memref<321x128xf32, #tpu.memory_space<vmem>>, vector<16xf32>,
        %get3A_180 = arith.index_cast %scan3A_133 : i32 to index
        %get3A_181 = arith.constant 64 : index
        %get3A_182 = tpu.vector_load %arg7[%get3A_180, %get3A_181] {strides = array<i32>} : memref<128x128xf32, #tpu.memory_space<vmem>>, vector<16xf32>,
        %max3A_183 = arith.maximumf %get3A_179, %get3A_182 : vector<16xf32>
        %swap3A_184 = arith.index_cast %squeeze3A_137 : i32 to index
        %swap3A_185 = arith.constant 64 : index
        %swap3A_186 = tpu.vector_load %arg6[%swap3A_184, %swap3A_185] {strides = array<i32>} : memref<321x128xf32, #tpu.memory_space<vmem>>, vector<16xf32>,
        tpu.vector_store %arg6[%swap3A_184, %swap3A_185], %max3A_183 {strides = array<i32>} : memref<321x128xf32, #tpu.memory_space<vmem>>, vector<16xf32>,
        %get3A_187 = arith.index_cast %squeeze3A_137 : i32 to index
        %get3A_188 = arith.constant 80 : index
        %get3A_189 = tpu.vector_load %arg6[%get3A_187, %get3A_188] {strides = array<i32>} : memref<321x128xf32, #tpu.memory_space<vmem>>, vector<16xf32>,
        %get3A_190 = arith.index_cast %scan3A_133 : i32 to index
        %get3A_191 = arith.constant 80 : index
        %get3A_192 = tpu.vector_load %arg7[%get3A_190, %get3A_191] {strides = array<i32>} : memref<128x128xf32, #tpu.memory_space<vmem>>, vector<16xf32>,
        %max3A_193 = arith.maximumf %get3A_189, %get3A_192 : vector<16xf32>
        %swap3A_194 = arith.index_cast %squeeze3A_137 : i32 to index
        %swap3A_195 = arith.constant 80 : index
        %swap3A_196 = tpu.vector_load %arg6[%swap3A_194, %swap3A_195] {strides = array<i32>} : memref<321x128xf32, #tpu.memory_space<vmem>>, vector<16xf32>,
        tpu.vector_store %arg6[%swap3A_194, %swap3A_195], %max3A_193 {strides = array<i32>} : memref<321x128xf32, #tpu.memory_space<vmem>>, vector<16xf32>,
        %get3A_197 = arith.index_cast %squeeze3A_137 : i32 to index
        %get3A_198 = arith.constant 96 : index
        %get3A_199 = tpu.vector_load %arg6[%get3A_197, %get3A_198] {strides = array<i32>} : memref<321x128xf32, #tpu.memory_space<vmem>>, vector<16xf32>,
        %get3A_200 = arith.index_cast %scan3A_133 : i32 to index
        %get3A_201 = arith.constant 96 : index
        %get3A_202 = tpu.vector_load %arg7[%get3A_200, %get3A_201] {strides = array<i32>} : memref<128x128xf32, #tpu.memory_space<vmem>>, vector<16xf32>,
        %max3A_203 = arith.maximumf %get3A_199, %get3A_202 : vector<16xf32>
        %swap3A_204 = arith.index_cast %squeeze3A_137 : i32 to index
        %swap3A_205 = arith.constant 96 : index
        %swap3A_206 = tpu.vector_load %arg6[%swap3A_204, %swap3A_205] {strides = array<i32>} : memref<321x128xf32, #tpu.memory_space<vmem>>, vector<16xf32>,
        tpu.vector_store %arg6[%swap3A_204, %swap3A_205], %max3A_203 {strides = array<i32>} : memref<321x128xf32, #tpu.memory_space<vmem>>, vector<16xf32>,
        %get3A_207 = arith.index_cast %squeeze3A_137 : i32 to index
        %get3A_208 = arith.constant 112 : index
        %get3A_209 = tpu.vector_load %arg6[%get3A_207, %get3A_208] {strides = array<i32>} : memref<321x128xf32, #tpu.memory_space<vmem>>, vector<16xf32>,
        %get3A_210 = arith.index_cast %scan3A_133 : i32 to index
        %get3A_211 = arith.constant 112 : index
        %get3A_212 = tpu.vector_load %arg7[%get3A_210, %get3A_211] {strides = array<i32>} : memref<128x128xf32, #tpu.memory_space<vmem>>, vector<16xf32>,
        %max3A_213 = arith.maximumf %get3A_209, %get3A_212 : vector<16xf32>
        %swap3A_214 = arith.index_cast %squeeze3A_137 : i32 to index
        %swap3A_215 = arith.constant 112 : index
        %swap3A_216 = tpu.vector_load %arg6[%swap3A_214, %swap3A_215] {strides = array<i32>} : memref<321x128xf32, #tpu.memory_space<vmem>>, vector<16xf32>,
        tpu.vector_store %arg6[%swap3A_214, %swap3A_215], %max3A_213 {strides = array<i32>} : memref<321x128xf32, #tpu.memory_space<vmem>>, vector<16xf32>,
      }
      %scan3A_132 = arith.constant 128 : i32
    }
    %while3A_18 = arith.constant 1 : i32
    scf.for %while3A_27 = %while3A_16 to %while3A_12 step %while3A_18  : i32 {
      %mul3A_28 = arith.constant 128 : i32
      %mul3A_29 = arith.muli %while3A_27, %mul3A_28 : i32
      "tpu.region"() ({
        %run_scoped3A = tpu.sem_alloc : memref<!tpu.dma_semaphore, #tpu.memory_space<semaphore_mem>>
        %dma_start3A_133 = tpu.memref_slice %arg3[%add3A, %mul3A_29] : memref<32x320000xi32, #tpu.memory_space<hbm>> -> memref<1x128xi32, #tpu.memory_space<hbm>>
        %dma_start3A_134 = tpu.memref_squeeze %dma_start3A_133 : memref<1x128xi32, #tpu.memory_space<hbm>> -> memref<128xi32, #tpu.memory_space<hbm>>
        %dma_start3A_135 = tpu.memref_slice %arg3[%add3A, %mul3A_29] : memref<32x320000xi32, #tpu.memory_space<hbm>> -> memref<1x128xi32, #tpu.memory_space<hbm>>
        %dma_start3A_136 = tpu.memref_squeeze %dma_start3A_135 : memref<1x128xi32, #tpu.memory_space<hbm>> -> memref<128xi32, #tpu.memory_space<hbm>>
        tpu.enqueue_dma source(%dma_start3A_136 : memref<128xi32, #tpu.memory_space<hbm>>) target(%arg10 : memref<128xi32, #tpu.memory_space<vmem>>) target_semaphore(%run_scoped3A : memref<!tpu.dma_semaphore, #tpu.memory_space<semaphore_mem>>)
        %dma_wait3A_137 = tpu.memref_slice %arg3[%add3A, %mul3A_29] : memref<32x320000xi32, #tpu.memory_space<hbm>> -> memref<1x128xi32, #tpu.memory_space<hbm>>
        %dma_wait3A_138 = tpu.memref_squeeze %dma_wait3A_137 : memref<1x128xi32, #tpu.memory_space<hbm>> -> memref<128xi32, #tpu.memory_space<hbm>>
        %dma_wait3A_139 = tpu.memref_slice %arg3[%add3A, %mul3A_29] : memref<32x320000xi32, #tpu.memory_space<hbm>> -> memref<1x128xi32, #tpu.memory_space<hbm>>
        %dma_wait3A_140 = tpu.memref_squeeze %dma_wait3A_139 : memref<1x128xi32, #tpu.memory_space<hbm>> -> memref<128xi32, #tpu.memory_space<hbm>>
        tpu.wait_dma2 semaphore(%run_scoped3A : memref<!tpu.dma_semaphore, #tpu.memory_space<semaphore_mem>>) src(%dma_wait3A_140 : memref<128xi32, #tpu.memory_space<hbm>>) dst(%arg10 : memref<128xi32, #tpu.memory_space<vmem>>)
        tpu.yield
      }) : () -> ()
      %get3A_30 = arith.constant 0 : index
      %get3A_31 = tpu.vector_load %arg10[%get3A_30] {strides = array<i32>} : memref<128xi32, #tpu.memory_space<vmem>>, vector<16xi32>,
      %shift_right_arithmetic3A = arith.constant 9 : i32
      %shift_right_arithmetic3A_32 = vector.broadcast %shift_right_arithmetic3A : i32 to vector<16xi32>
      %shift_right_arithmetic3A_33 = arith.shrsi %get3A_31, %shift_right_arithmetic3A_32 : vector<16xi32>
      %swap3A = arith.constant 0 : index
      %swap3A_34 = tpu.vector_load %arg8[%swap3A] {strides = array<i32>} : memref<128xi32, #tpu.memory_space<vmem>>, vector<16xi32>,
      tpu.vector_store %arg8[%swap3A], %shift_right_arithmetic3A_33 {strides = array<i32>} : memref<128xi32, #tpu.memory_space<vmem>>, vector<16xi32>,
      %and3A = arith.constant 511 : i32
      %and3A_35 = vector.broadcast %and3A : i32 to vector<16xi32>
      %and3A_36 = arith.andi %get3A_31, %and3A_35 : vector<16xi32>
      %swap3A_37 = arith.constant 0 : index
      %swap3A_38 = tpu.vector_load %arg9[%swap3A_37] {strides = array<i32>} : memref<144xi32, #tpu.memory_space<vmem>>, vector<16xi32>,
      tpu.vector_store %arg9[%swap3A_37], %and3A_36 {strides = array<i32>} : memref<144xi32, #tpu.memory_space<vmem>>, vector<16xi32>,
      %get3A_39 = arith.constant 16 : index
      %get3A_40 = tpu.vector_load %arg10[%get3A_39] {strides = array<i32>} : memref<128xi32, #tpu.memory_space<vmem>>, vector<16xi32>,
      %shift_right_arithmetic3A_41 = arith.constant 9 : i32
      %shift_right_arithmetic3A_42 = vector.broadcast %shift_right_arithmetic3A_41 : i32 to vector<16xi32>
      %shift_right_arithmetic3A_43 = arith.shrsi %get3A_40, %shift_right_arithmetic3A_42 : vector<16xi32>
      %swap3A_44 = arith.constant 16 : index
      %swap3A_45 = tpu.vector_load %arg8[%swap3A_44] {strides = array<i32>} : memref<128xi32, #tpu.memory_space<vmem>>, vector<16xi32>,
      tpu.vector_store %arg8[%swap3A_44], %shift_right_arithmetic3A_43 {strides = array<i32>} : memref<128xi32, #tpu.memory_space<vmem>>, vector<16xi32>,
      %and3A_46 = arith.constant 511 : i32
      %and3A_47 = vector.broadcast %and3A_46 : i32 to vector<16xi32>
      %and3A_48 = arith.andi %get3A_40, %and3A_47 : vector<16xi32>
      %swap3A_49 = arith.constant 16 : index
      %swap3A_50 = tpu.vector_load %arg9[%swap3A_49] {strides = array<i32>} : memref<144xi32, #tpu.memory_space<vmem>>, vector<16xi32>,
      tpu.vector_store %arg9[%swap3A_49], %and3A_48 {strides = array<i32>} : memref<144xi32, #tpu.memory_space<vmem>>, vector<16xi32>,
      %get3A_51 = arith.constant 32 : index
      %get3A_52 = tpu.vector_load %arg10[%get3A_51] {strides = array<i32>} : memref<128xi32, #tpu.memory_space<vmem>>, vector<16xi32>,
      %shift_right_arithmetic3A_53 = arith.constant 9 : i32
      %shift_right_arithmetic3A_54 = vector.broadcast %shift_right_arithmetic3A_53 : i32 to vector<16xi32>
      %shift_right_arithmetic3A_55 = arith.shrsi %get3A_52, %shift_right_arithmetic3A_54 : vector<16xi32>
      %swap3A_56 = arith.constant 32 : index
      %swap3A_57 = tpu.vector_load %arg8[%swap3A_56] {strides = array<i32>} : memref<128xi32, #tpu.memory_space<vmem>>, vector<16xi32>,
      tpu.vector_store %arg8[%swap3A_56], %shift_right_arithmetic3A_55 {strides = array<i32>} : memref<128xi32, #tpu.memory_space<vmem>>, vector<16xi32>,
      %and3A_58 = arith.constant 511 : i32
      %and3A_59 = vector.broadcast %and3A_58 : i32 to vector<16xi32>
      %and3A_60 = arith.andi %get3A_52, %and3A_59 : vector<16xi32>
      %swap3A_61 = arith.constant 32 : index
      %swap3A_62 = tpu.vector_load %arg9[%swap3A_61] {strides = array<i32>} : memref<144xi32, #tpu.memory_space<vmem>>, vector<16xi32>,
      tpu.vector_store %arg9[%swap3A_61], %and3A_60 {strides = array<i32>} : memref<144xi32, #tpu.memory_space<vmem>>, vector<16xi32>,
      %get3A_63 = arith.constant 48 : index
      %get3A_64 = tpu.vector_load %arg10[%get3A_63] {strides = array<i32>} : memref<128xi32, #tpu.memory_space<vmem>>, vector<16xi32>,
      %shift_right_arithmetic3A_65 = arith.constant 9 : i32
      %shift_right_arithmetic3A_66 = vector.broadcast %shift_right_arithmetic3A_65 : i32 to vector<16xi32>
      %shift_right_arithmetic3A_67 = arith.shrsi %get3A_64, %shift_right_arithmetic3A_66 : vector<16xi32>
      %swap3A_68 = arith.constant 48 : index
      %swap3A_69 = tpu.vector_load %arg8[%swap3A_68] {strides = array<i32>} : memref<128xi32, #tpu.memory_space<vmem>>, vector<16xi32>,
      tpu.vector_store %arg8[%swap3A_68], %shift_right_arithmetic3A_67 {strides = array<i32>} : memref<128xi32, #tpu.memory_space<vmem>>, vector<16xi32>,
      %and3A_70 = arith.constant 511 : i32
      %and3A_71 = vector.broadcast %and3A_70 : i32 to vector<16xi32>
      %and3A_72 = arith.andi %get3A_64, %and3A_71 : vector<16xi32>
      %swap3A_73 = arith.constant 48 : index
      %swap3A_74 = tpu.vector_load %arg9[%swap3A_73] {strides = array<i32>} : memref<144xi32, #tpu.memory_space<vmem>>, vector<16xi32>,
      tpu.vector_store %arg9[%swap3A_73], %and3A_72 {strides = array<i32>} : memref<144xi32, #tpu.memory_space<vmem>>, vector<16xi32>,
      %get3A_75 = arith.constant 64 : index
      %get3A_76 = tpu.vector_load %arg10[%get3A_75] {strides = array<i32>} : memref<128xi32, #tpu.memory_space<vmem>>, vector<16xi32>,
      %shift_right_arithmetic3A_77 = arith.constant 9 : i32
      %shift_right_arithmetic3A_78 = vector.broadcast %shift_right_arithmetic3A_77 : i32 to vector<16xi32>
      %shift_right_arithmetic3A_79 = arith.shrsi %get3A_76, %shift_right_arithmetic3A_78 : vector<16xi32>
      %swap3A_80 = arith.constant 64 : index
      %swap3A_81 = tpu.vector_load %arg8[%swap3A_80] {strides = array<i32>} : memref<128xi32, #tpu.memory_space<vmem>>, vector<16xi32>,
      tpu.vector_store %arg8[%swap3A_80], %shift_right_arithmetic3A_79 {strides = array<i32>} : memref<128xi32, #tpu.memory_space<vmem>>, vector<16xi32>,
      %and3A_82 = arith.constant 511 : i32
      %and3A_83 = vector.broadcast %and3A_82 : i32 to vector<16xi32>
      %and3A_84 = arith.andi %get3A_76, %and3A_83 : vector<16xi32>
      %swap3A_85 = arith.constant 64 : index
      %swap3A_86 = tpu.vector_load %arg9[%swap3A_85] {strides = array<i32>} : memref<144xi32, #tpu.memory_space<vmem>>, vector<16xi32>,
      tpu.vector_store %arg9[%swap3A_85], %and3A_84 {strides = array<i32>} : memref<144xi32, #tpu.memory_space<vmem>>, vector<16xi32>,
      %get3A_87 = arith.constant 80 : index
      %get3A_88 = tpu.vector_load %arg10[%get3A_87] {strides = array<i32>} : memref<128xi32, #tpu.memory_space<vmem>>, vector<16xi32>,
      %shift_right_arithmetic3A_89 = arith.constant 9 : i32
      %shift_right_arithmetic3A_90 = vector.broadcast %shift_right_arithmetic3A_89 : i32 to vector<16xi32>
      %shift_right_arithmetic3A_91 = arith.shrsi %get3A_88, %shift_right_arithmetic3A_90 : vector<16xi32>
      %swap3A_92 = arith.constant 80 : index
      %swap3A_93 = tpu.vector_load %arg8[%swap3A_92] {strides = array<i32>} : memref<128xi32, #tpu.memory_space<vmem>>, vector<16xi32>,
      tpu.vector_store %arg8[%swap3A_92], %shift_right_arithmetic3A_91 {strides = array<i32>} : memref<128xi32, #tpu.memory_space<vmem>>, vector<16xi32>,
      %and3A_94 = arith.constant 511 : i32
      %and3A_95 = vector.broadcast %and3A_94 : i32 to vector<16xi32>
      %and3A_96 = arith.andi %get3A_88, %and3A_95 : vector<16xi32>
      %swap3A_97 = arith.constant 80 : index
      %swap3A_98 = tpu.vector_load %arg9[%swap3A_97] {strides = array<i32>} : memref<144xi32, #tpu.memory_space<vmem>>, vector<16xi32>,
      tpu.vector_store %arg9[%swap3A_97], %and3A_96 {strides = array<i32>} : memref<144xi32, #tpu.memory_space<vmem>>, vector<16xi32>,
      %get3A_99 = arith.constant 96 : index
      %get3A_100 = tpu.vector_load %arg10[%get3A_99] {strides = array<i32>} : memref<128xi32, #tpu.memory_space<vmem>>, vector<16xi32>,
      %shift_right_arithmetic3A_101 = arith.constant 9 : i32
      %shift_right_arithmetic3A_102 = vector.broadcast %shift_right_arithmetic3A_101 : i32 to vector<16xi32>
      %shift_right_arithmetic3A_103 = arith.shrsi %get3A_100, %shift_right_arithmetic3A_102 : vector<16xi32>
      %swap3A_104 = arith.constant 96 : index
      %swap3A_105 = tpu.vector_load %arg8[%swap3A_104] {strides = array<i32>} : memref<128xi32, #tpu.memory_space<vmem>>, vector<16xi32>,
      tpu.vector_store %arg8[%swap3A_104], %shift_right_arithmetic3A_103 {strides = array<i32>} : memref<128xi32, #tpu.memory_space<vmem>>, vector<16xi32>,
      %and3A_106 = arith.constant 511 : i32
      %and3A_107 = vector.broadcast %and3A_106 : i32 to vector<16xi32>
      %and3A_108 = arith.andi %get3A_100, %and3A_107 : vector<16xi32>
      %swap3A_109 = arith.constant 96 : index
      %swap3A_110 = tpu.vector_load %arg9[%swap3A_109] {strides = array<i32>} : memref<144xi32, #tpu.memory_space<vmem>>, vector<16xi32>,
      tpu.vector_store %arg9[%swap3A_109], %and3A_108 {strides = array<i32>} : memref<144xi32, #tpu.memory_space<vmem>>, vector<16xi32>,
      %get3A_111 = arith.constant 112 : index
      %get3A_112 = tpu.vector_load %arg10[%get3A_111] {strides = array<i32>} : memref<128xi32, #tpu.memory_space<vmem>>, vector<16xi32>,
      %shift_right_arithmetic3A_113 = arith.constant 9 : i32
      %shift_right_arithmetic3A_114 = vector.broadcast %shift_right_arithmetic3A_113 : i32 to vector<16xi32>
      %shift_right_arithmetic3A_115 = arith.shrsi %get3A_112, %shift_right_arithmetic3A_114 : vector<16xi32>
      %swap3A_116 = arith.constant 112 : index
      %swap3A_117 = tpu.vector_load %arg8[%swap3A_116] {strides = array<i32>} : memref<128xi32, #tpu.memory_space<vmem>>, vector<16xi32>,
      tpu.vector_store %arg8[%swap3A_116], %shift_right_arithmetic3A_115 {strides = array<i32>} : memref<128xi32, #tpu.memory_space<vmem>>, vector<16xi32>,
      %and3A_118 = arith.constant 511 : i32
      %and3A_119 = vector.broadcast %and3A_118 : i32 to vector<16xi32>
      %and3A_120 = arith.andi %get3A_112, %and3A_119 : vector<16xi32>
      %swap3A_121 = arith.constant 112 : index
      %swap3A_122 = tpu.vector_load %arg9[%swap3A_121] {strides = array<i32>} : memref<144xi32, #tpu.memory_space<vmem>>, vector<16xi32>,
      tpu.vector_store %arg9[%swap3A_121], %and3A_120 {strides = array<i32>} : memref<144xi32, #tpu.memory_space<vmem>>, vector<16xi32>,
      %dma_start3A = arith.constant 0 : i32
      %dma_start3A_123 = arith.constant 0 : i32
      %dma_start3A_124 = tpu.memref_slice %arg2[%dma_start3A, %dma_start3A_123] : memref<320000x128xf32, #tpu.memory_space<hbm>> -> memref<320000x128xf32, #tpu.memory_space<hbm>>
      tpu.enqueue_indirect_dma source(%dma_start3A_124 : memref<320000x128xf32, #tpu.memory_space<hbm>>) target(%arg7 : memref<128x128xf32, #tpu.memory_space<vmem>>) offsets(%arg8 : memref<128xi32, #tpu.memory_space<vmem>>) semaphore(%arg12 : memref<!tpu.dma_semaphore, #tpu.memory_space<semaphore_mem>>)
      %dma_wait3A = arith.constant 0 : i32
      %dma_wait3A_125 = arith.constant 0 : i32
      %dma_wait3A_126 = tpu.memref_slice %arg2[%dma_wait3A, %dma_wait3A_125] : memref<320000x128xf32, #tpu.memory_space<hbm>> -> memref<320000x128xf32, #tpu.memory_space<hbm>>
      tpu.wait_indirect_dma semaphore(%arg12 : memref<!tpu.dma_semaphore, #tpu.memory_space<semaphore_mem>>) src(%dma_wait3A_126 : memref<320000x128xf32, #tpu.memory_space<hbm>>) dst(%arg7 : memref<128x128xf32, #tpu.memory_space<vmem>>)
      %scan3A_127 = arith.constant 0 : i32
      %scan3A_128 = arith.constant 0 : i32
      %scan3A_129 = arith.constant 128 : i32
      %scan3A_130 = arith.addi %scan3A_128, %scan3A_129 : i32
      %scan3A_131 = arith.constant 1 : i32
      scf.for %scan3A_133 = %scan3A_128 to %scan3A_130 step %scan3A_131  : i32 {
        %get3A_134 = arith.index_cast %scan3A_133 : i32 to index
        %get3A_135 = tpu.vector_load %arg9[%get3A_134] {strides = array<i32>} : memref<144xi32, #tpu.memory_space<vmem>>, vector<16xi32>,
        %slice3A_136 = vector.extract_strided_slice %get3A_135 {offsets = [0], sizes = [1], strides = [1]} : vector<16xi32> to vector<1xi32>
        %squeeze3A_137 = vector.extract %slice3A_136[0] : i32 from vector<1xi32>
        %get3A_138 = arith.index_cast %squeeze3A_137 : i32 to index
        %get3A_139 = arith.constant 0 : index
        %get3A_140 = tpu.vector_load %arg6[%get3A_138, %get3A_139] {strides = array<i32>} : memref<321x128xf32, #tpu.memory_space<vmem>>, vector<16xf32>,
        %get3A_141 = arith.index_cast %scan3A_133 : i32 to index
        %get3A_142 = arith.constant 0 : index
        %get3A_143 = tpu.vector_load %arg7[%get3A_141, %get3A_142] {strides = array<i32>} : memref<128x128xf32, #tpu.memory_space<vmem>>, vector<16xf32>,
        %max3A = arith.maximumf %get3A_140, %get3A_143 : vector<16xf32>
        %swap3A_144 = arith.index_cast %squeeze3A_137 : i32 to index
        %swap3A_145 = arith.constant 0 : index
        %swap3A_146 = tpu.vector_load %arg6[%swap3A_144, %swap3A_145] {strides = array<i32>} : memref<321x128xf32, #tpu.memory_space<vmem>>, vector<16xf32>,
        tpu.vector_store %arg6[%swap3A_144, %swap3A_145], %max3A {strides = array<i32>} : memref<321x128xf32, #tpu.memory_space<vmem>>, vector<16xf32>,
        %get3A_147 = arith.index_cast %squeeze3A_137 : i32 to index
        %get3A_148 = arith.constant 16 : index
        %get3A_149 = tpu.vector_load %arg6[%get3A_147, %get3A_148] {strides = array<i32>} : memref<321x128xf32, #tpu.memory_space<vmem>>, vector<16xf32>,
        %get3A_150 = arith.index_cast %scan3A_133 : i32 to index
        %get3A_151 = arith.constant 16 : index
        %get3A_152 = tpu.vector_load %arg7[%get3A_150, %get3A_151] {strides = array<i32>} : memref<128x128xf32, #tpu.memory_space<vmem>>, vector<16xf32>,
        %max3A_153 = arith.maximumf %get3A_149, %get3A_152 : vector<16xf32>
        %swap3A_154 = arith.index_cast %squeeze3A_137 : i32 to index
        %swap3A_155 = arith.constant 16 : index
        %swap3A_156 = tpu.vector_load %arg6[%swap3A_154, %swap3A_155] {strides = array<i32>} : memref<321x128xf32, #tpu.memory_space<vmem>>, vector<16xf32>,
        tpu.vector_store %arg6[%swap3A_154, %swap3A_155], %max3A_153 {strides = array<i32>} : memref<321x128xf32, #tpu.memory_space<vmem>>, vector<16xf32>,
        %get3A_157 = arith.index_cast %squeeze3A_137 : i32 to index
        %get3A_158 = arith.constant 32 : index
        %get3A_159 = tpu.vector_load %arg6[%get3A_157, %get3A_158] {strides = array<i32>} : memref<321x128xf32, #tpu.memory_space<vmem>>, vector<16xf32>,
        %get3A_160 = arith.index_cast %scan3A_133 : i32 to index
        %get3A_161 = arith.constant 32 : index
        %get3A_162 = tpu.vector_load %arg7[%get3A_160, %get3A_161] {strides = array<i32>} : memref<128x128xf32, #tpu.memory_space<vmem>>, vector<16xf32>,
        %max3A_163 = arith.maximumf %get3A_159, %get3A_162 : vector<16xf32>
        %swap3A_164 = arith.index_cast %squeeze3A_137 : i32 to index
        %swap3A_165 = arith.constant 32 : index
        %swap3A_166 = tpu.vector_load %arg6[%swap3A_164, %swap3A_165] {strides = array<i32>} : memref<321x128xf32, #tpu.memory_space<vmem>>, vector<16xf32>,
        tpu.vector_store %arg6[%swap3A_164, %swap3A_165], %max3A_163 {strides = array<i32>} : memref<321x128xf32, #tpu.memory_space<vmem>>, vector<16xf32>,
        %get3A_167 = arith.index_cast %squeeze3A_137 : i32 to index
        %get3A_168 = arith.constant 48 : index
        %get3A_169 = tpu.vector_load %arg6[%get3A_167, %get3A_168] {strides = array<i32>} : memref<321x128xf32, #tpu.memory_space<vmem>>, vector<16xf32>,
        %get3A_170 = arith.index_cast %scan3A_133 : i32 to index
        %get3A_171 = arith.constant 48 : index
        %get3A_172 = tpu.vector_load %arg7[%get3A_170, %get3A_171] {strides = array<i32>} : memref<128x128xf32, #tpu.memory_space<vmem>>, vector<16xf32>,
        %max3A_173 = arith.maximumf %get3A_169, %get3A_172 : vector<16xf32>
        %swap3A_174 = arith.index_cast %squeeze3A_137 : i32 to index
        %swap3A_175 = arith.constant 48 : index
        %swap3A_176 = tpu.vector_load %arg6[%swap3A_174, %swap3A_175] {strides = array<i32>} : memref<321x128xf32, #tpu.memory_space<vmem>>, vector<16xf32>,
        tpu.vector_store %arg6[%swap3A_174, %swap3A_175], %max3A_173 {strides = array<i32>} : memref<321x128xf32, #tpu.memory_space<vmem>>, vector<16xf32>,
        %get3A_177 = arith.index_cast %squeeze3A_137 : i32 to index
        %get3A_178 = arith.constant 64 : index
        %get3A_179 = tpu.vector_load %arg6[%get3A_177, %get3A_178] {strides = array<i32>} : memref<321x128xf32, #tpu.memory_space<vmem>>, vector<16xf32>,
        %get3A_180 = arith.index_cast %scan3A_133 : i32 to index
        %get3A_181 = arith.constant 64 : index
        %get3A_182 = tpu.vector_load %arg7[%get3A_180, %get3A_181] {strides = array<i32>} : memref<128x128xf32, #tpu.memory_space<vmem>>, vector<16xf32>,
        %max3A_183 = arith.maximumf %get3A_179, %get3A_182 : vector<16xf32>
        %swap3A_184 = arith.index_cast %squeeze3A_137 : i32 to index
        %swap3A_185 = arith.constant 64 : index
        %swap3A_186 = tpu.vector_load %arg6[%swap3A_184, %swap3A_185] {strides = array<i32>} : memref<321x128xf32, #tpu.memory_space<vmem>>, vector<16xf32>,
        tpu.vector_store %arg6[%swap3A_184, %swap3A_185], %max3A_183 {strides = array<i32>} : memref<321x128xf32, #tpu.memory_space<vmem>>, vector<16xf32>,
        %get3A_187 = arith.index_cast %squeeze3A_137 : i32 to index
        %get3A_188 = arith.constant 80 : index
        %get3A_189 = tpu.vector_load %arg6[%get3A_187, %get3A_188] {strides = array<i32>} : memref<321x128xf32, #tpu.memory_space<vmem>>, vector<16xf32>,
        %get3A_190 = arith.index_cast %scan3A_133 : i32 to index
        %get3A_191 = arith.constant 80 : index
        %get3A_192 = tpu.vector_load %arg7[%get3A_190, %get3A_191] {strides = array<i32>} : memref<128x128xf32, #tpu.memory_space<vmem>>, vector<16xf32>,
        %max3A_193 = arith.maximumf %get3A_189, %get3A_192 : vector<16xf32>
        %swap3A_194 = arith.index_cast %squeeze3A_137 : i32 to index
        %swap3A_195 = arith.constant 80 : index
        %swap3A_196 = tpu.vector_load %arg6[%swap3A_194, %swap3A_195] {strides = array<i32>} : memref<321x128xf32, #tpu.memory_space<vmem>>, vector<16xf32>,
        tpu.vector_store %arg6[%swap3A_194, %swap3A_195], %max3A_193 {strides = array<i32>} : memref<321x128xf32, #tpu.memory_space<vmem>>, vector<16xf32>,
        %get3A_197 = arith.index_cast %squeeze3A_137 : i32 to index
        %get3A_198 = arith.constant 96 : index
        %get3A_199 = tpu.vector_load %arg6[%get3A_197, %get3A_198] {strides = array<i32>} : memref<321x128xf32, #tpu.memory_space<vmem>>, vector<16xf32>,
        %get3A_200 = arith.index_cast %scan3A_133 : i32 to index
        %get3A_201 = arith.constant 96 : index
        %get3A_202 = tpu.vector_load %arg7[%get3A_200, %get3A_201] {strides = array<i32>} : memref<128x128xf32, #tpu.memory_space<vmem>>, vector<16xf32>,
        %max3A_203 = arith.maximumf %get3A_199, %get3A_202 : vector<16xf32>
        %swap3A_204 = arith.index_cast %squeeze3A_137 : i32 to index
        %swap3A_205 = arith.constant 96 : index
        %swap3A_206 = tpu.vector_load %arg6[%swap3A_204, %swap3A_205] {strides = array<i32>} : memref<321x128xf32, #tpu.memory_space<vmem>>, vector<16xf32>,
        tpu.vector_store %arg6[%swap3A_204, %swap3A_205], %max3A_203 {strides = array<i32>} : memref<321x128xf32, #tpu.memory_space<vmem>>, vector<16xf32>,
        %get3A_207 = arith.index_cast %squeeze3A_137 : i32 to index
        %get3A_208 = arith.constant 112 : index
        %get3A_209 = tpu.vector_load %arg6[%get3A_207, %get3A_208] {strides = array<i32>} : memref<321x128xf32, #tpu.memory_space<vmem>>, vector<16xf32>,
        %get3A_210 = arith.index_cast %scan3A_133 : i32 to index
        %get3A_211 = arith.constant 112 : index
        %get3A_212 = tpu.vector_load %arg7[%get3A_210, %get3A_211] {strides = array<i32>} : memref<128x128xf32, #tpu.memory_space<vmem>>, vector<16xf32>,
        %max3A_213 = arith.maximumf %get3A_209, %get3A_212 : vector<16xf32>
        %swap3A_214 = arith.index_cast %squeeze3A_137 : i32 to index
        %swap3A_215 = arith.constant 112 : index
        %swap3A_216 = tpu.vector_load %arg6[%swap3A_214, %swap3A_215] {strides = array<i32>} : memref<321x128xf32, #tpu.memory_space<vmem>>, vector<16xf32>,
        tpu.vector_store %arg6[%swap3A_214, %swap3A_215], %max3A_213 {strides = array<i32>} : memref<321x128xf32, #tpu.memory_space<vmem>>, vector<16xf32>,
      }
      %scan3A_132 = arith.constant 128 : i32
    }
    %scan3A_19 = arith.constant 0 : i32
    %scan3A_20 = arith.constant 0 : i32
    %scan3A_21 = arith.constant 320 : i32
    %scan3A_22 = arith.addi %scan3A_20, %scan3A_21 : i32
    %scan3A_23 = arith.constant 1 : i32
    scf.for %scan3A_27 = %scan3A_20 to %scan3A_22 step %scan3A_23  : i32 {
      %get3A_28 = arith.index_cast %scan3A_27 : i32 to index
      %get3A_29 = arith.constant 0 : index
      %get3A_30 = tpu.vector_load %arg6[%get3A_28, %get3A_29] {strides = array<i32>} : memref<321x128xf32, #tpu.memory_space<vmem>>, vector<16xf32>,
      %eq3A = arith.constant 0xFF800000 : f32
      %eq3A_31 = vector.broadcast %eq3A : f32 to vector<16xf32>
      %eq3A_32 = arith.cmpf oeq, %get3A_30, %eq3A_31 : vector<16xf32>
      %jit3A = arith.constant 0.000000e+00 : f32
      %broadcast_in_dim3A_33 = vector.broadcast %jit3A : f32 to vector<16xf32>
      %select_n3A = arith.select %eq3A_32, %broadcast_in_dim3A_33, %get3A_30 : vector<16xi1>, vector<16xf32>
      %swap3A = arith.index_cast %scan3A_27 : i32 to index
      %swap3A_34 = arith.constant 0 : index
      %swap3A_35 = tpu.vector_load %arg6[%swap3A, %swap3A_34] {strides = array<i32>} : memref<321x128xf32, #tpu.memory_space<vmem>>, vector<16xf32>,
      tpu.vector_store %arg6[%swap3A, %swap3A_34], %select_n3A {strides = array<i32>} : memref<321x128xf32, #tpu.memory_space<vmem>>, vector<16xf32>,
      %get3A_36 = arith.index_cast %scan3A_27 : i32 to index
      %get3A_37 = arith.constant 16 : index
      %get3A_38 = tpu.vector_load %arg6[%get3A_36, %get3A_37] {strides = array<i32>} : memref<321x128xf32, #tpu.memory_space<vmem>>, vector<16xf32>,
      %eq3A_39 = arith.constant 0xFF800000 : f32
      %eq3A_40 = vector.broadcast %eq3A_39 : f32 to vector<16xf32>
      %eq3A_41 = arith.cmpf oeq, %get3A_38, %eq3A_40 : vector<16xf32>
      %jit3A_42 = arith.constant 0.000000e+00 : f32
      %broadcast_in_dim3A_43 = vector.broadcast %jit3A_42 : f32 to vector<16xf32>
      %select_n3A_44 = arith.select %eq3A_41, %broadcast_in_dim3A_43, %get3A_38 : vector<16xi1>, vector<16xf32>
      %swap3A_45 = arith.index_cast %scan3A_27 : i32 to index
      %swap3A_46 = arith.constant 16 : index
      %swap3A_47 = tpu.vector_load %arg6[%swap3A_45, %swap3A_46] {strides = array<i32>} : memref<321x128xf32, #tpu.memory_space<vmem>>, vector<16xf32>,
      tpu.vector_store %arg6[%swap3A_45, %swap3A_46], %select_n3A_44 {strides = array<i32>} : memref<321x128xf32, #tpu.memory_space<vmem>>, vector<16xf32>,
      %get3A_48 = arith.index_cast %scan3A_27 : i32 to index
      %get3A_49 = arith.constant 32 : index
      %get3A_50 = tpu.vector_load %arg6[%get3A_48, %get3A_49] {strides = array<i32>} : memref<321x128xf32, #tpu.memory_space<vmem>>, vector<16xf32>,
      %eq3A_51 = arith.constant 0xFF800000 : f32
      %eq3A_52 = vector.broadcast %eq3A_51 : f32 to vector<16xf32>
      %eq3A_53 = arith.cmpf oeq, %get3A_50, %eq3A_52 : vector<16xf32>
      %jit3A_54 = arith.constant 0.000000e+00 : f32
      %broadcast_in_dim3A_55 = vector.broadcast %jit3A_54 : f32 to vector<16xf32>
      %select_n3A_56 = arith.select %eq3A_53, %broadcast_in_dim3A_55, %get3A_50 : vector<16xi1>, vector<16xf32>
      %swap3A_57 = arith.index_cast %scan3A_27 : i32 to index
      %swap3A_58 = arith.constant 32 : index
      %swap3A_59 = tpu.vector_load %arg6[%swap3A_57, %swap3A_58] {strides = array<i32>} : memref<321x128xf32, #tpu.memory_space<vmem>>, vector<16xf32>,
      tpu.vector_store %arg6[%swap3A_57, %swap3A_58], %select_n3A_56 {strides = array<i32>} : memref<321x128xf32, #tpu.memory_space<vmem>>, vector<16xf32>,
      %get3A_60 = arith.index_cast %scan3A_27 : i32 to index
      %get3A_61 = arith.constant 48 : index
      %get3A_62 = tpu.vector_load %arg6[%get3A_60, %get3A_61] {strides = array<i32>} : memref<321x128xf32, #tpu.memory_space<vmem>>, vector<16xf32>,
      %eq3A_63 = arith.constant 0xFF800000 : f32
      %eq3A_64 = vector.broadcast %eq3A_63 : f32 to vector<16xf32>
      %eq3A_65 = arith.cmpf oeq, %get3A_62, %eq3A_64 : vector<16xf32>
      %jit3A_66 = arith.constant 0.000000e+00 : f32
      %broadcast_in_dim3A_67 = vector.broadcast %jit3A_66 : f32 to vector<16xf32>
      %select_n3A_68 = arith.select %eq3A_65, %broadcast_in_dim3A_67, %get3A_62 : vector<16xi1>, vector<16xf32>
      %swap3A_69 = arith.index_cast %scan3A_27 : i32 to index
      %swap3A_70 = arith.constant 48 : index
      %swap3A_71 = tpu.vector_load %arg6[%swap3A_69, %swap3A_70] {strides = array<i32>} : memref<321x128xf32, #tpu.memory_space<vmem>>, vector<16xf32>,
      tpu.vector_store %arg6[%swap3A_69, %swap3A_70], %select_n3A_68 {strides = array<i32>} : memref<321x128xf32, #tpu.memory_space<vmem>>, vector<16xf32>,
      %get3A_72 = arith.index_cast %scan3A_27 : i32 to index
      %get3A_73 = arith.constant 64 : index
      %get3A_74 = tpu.vector_load %arg6[%get3A_72, %get3A_73] {strides = array<i32>} : memref<321x128xf32, #tpu.memory_space<vmem>>, vector<16xf32>,
      %eq3A_75 = arith.constant 0xFF800000 : f32
      %eq3A_76 = vector.broadcast %eq3A_75 : f32 to vector<16xf32>
      %eq3A_77 = arith.cmpf oeq, %get3A_74, %eq3A_76 : vector<16xf32>
      %jit3A_78 = arith.constant 0.000000e+00 : f32
      %broadcast_in_dim3A_79 = vector.broadcast %jit3A_78 : f32 to vector<16xf32>
      %select_n3A_80 = arith.select %eq3A_77, %broadcast_in_dim3A_79, %get3A_74 : vector<16xi1>, vector<16xf32>
      %swap3A_81 = arith.index_cast %scan3A_27 : i32 to index
      %swap3A_82 = arith.constant 64 : index
      %swap3A_83 = tpu.vector_load %arg6[%swap3A_81, %swap3A_82] {strides = array<i32>} : memref<321x128xf32, #tpu.memory_space<vmem>>, vector<16xf32>,
      tpu.vector_store %arg6[%swap3A_81, %swap3A_82], %select_n3A_80 {strides = array<i32>} : memref<321x128xf32, #tpu.memory_space<vmem>>, vector<16xf32>,
      %get3A_84 = arith.index_cast %scan3A_27 : i32 to index
      %get3A_85 = arith.constant 80 : index
      %get3A_86 = tpu.vector_load %arg6[%get3A_84, %get3A_85] {strides = array<i32>} : memref<321x128xf32, #tpu.memory_space<vmem>>, vector<16xf32>,
      %eq3A_87 = arith.constant 0xFF800000 : f32
      %eq3A_88 = vector.broadcast %eq3A_87 : f32 to vector<16xf32>
      %eq3A_89 = arith.cmpf oeq, %get3A_86, %eq3A_88 : vector<16xf32>
      %jit3A_90 = arith.constant 0.000000e+00 : f32
      %broadcast_in_dim3A_91 = vector.broadcast %jit3A_90 : f32 to vector<16xf32>
      %select_n3A_92 = arith.select %eq3A_89, %broadcast_in_dim3A_91, %get3A_86 : vector<16xi1>, vector<16xf32>
      %swap3A_93 = arith.index_cast %scan3A_27 : i32 to index
      %swap3A_94 = arith.constant 80 : index
      %swap3A_95 = tpu.vector_load %arg6[%swap3A_93, %swap3A_94] {strides = array<i32>} : memref<321x128xf32, #tpu.memory_space<vmem>>, vector<16xf32>,
      tpu.vector_store %arg6[%swap3A_93, %swap3A_94], %select_n3A_92 {strides = array<i32>} : memref<321x128xf32, #tpu.memory_space<vmem>>, vector<16xf32>,
      %get3A_96 = arith.index_cast %scan3A_27 : i32 to index
      %get3A_97 = arith.constant 96 : index
      %get3A_98 = tpu.vector_load %arg6[%get3A_96, %get3A_97] {strides = array<i32>} : memref<321x128xf32, #tpu.memory_space<vmem>>, vector<16xf32>,
      %eq3A_99 = arith.constant 0xFF800000 : f32
      %eq3A_100 = vector.broadcast %eq3A_99 : f32 to vector<16xf32>
      %eq3A_101 = arith.cmpf oeq, %get3A_98, %eq3A_100 : vector<16xf32>
      %jit3A_102 = arith.constant 0.000000e+00 : f32
      %broadcast_in_dim3A_103 = vector.broadcast %jit3A_102 : f32 to vector<16xf32>
      %select_n3A_104 = arith.select %eq3A_101, %broadcast_in_dim3A_103, %get3A_98 : vector<16xi1>, vector<16xf32>
      %swap3A_105 = arith.index_cast %scan3A_27 : i32 to index
      %swap3A_106 = arith.constant 96 : index
      %swap3A_107 = tpu.vector_load %arg6[%swap3A_105, %swap3A_106] {strides = array<i32>} : memref<321x128xf32, #tpu.memory_space<vmem>>, vector<16xf32>,
      tpu.vector_store %arg6[%swap3A_105, %swap3A_106], %select_n3A_104 {strides = array<i32>} : memref<321x128xf32, #tpu.memory_space<vmem>>, vector<16xf32>,
      %get3A_108 = arith.index_cast %scan3A_27 : i32 to index
      %get3A_109 = arith.constant 112 : index
      %get3A_110 = tpu.vector_load %arg6[%get3A_108, %get3A_109] {strides = array<i32>} : memref<321x128xf32, #tpu.memory_space<vmem>>, vector<16xf32>,
      %eq3A_111 = arith.constant 0xFF800000 : f32
      %eq3A_112 = vector.broadcast %eq3A_111 : f32 to vector<16xf32>
      %eq3A_113 = arith.cmpf oeq, %get3A_110, %eq3A_112 : vector<16xf32>
      %jit3A_114 = arith.constant 0.000000e+00 : f32
      %broadcast_in_dim3A_115 = vector.broadcast %jit3A_114 : f32 to vector<16xf32>
      %select_n3A_116 = arith.select %eq3A_113, %broadcast_in_dim3A_115, %get3A_110 : vector<16xi1>, vector<16xf32>
      %swap3A_117 = arith.index_cast %scan3A_27 : i32 to index
      %swap3A_118 = arith.constant 112 : index
      %swap3A_119 = tpu.vector_load %arg6[%swap3A_117, %swap3A_118] {strides = array<i32>} : memref<321x128xf32, #tpu.memory_space<vmem>>, vector<16xf32>,
      tpu.vector_store %arg6[%swap3A_117, %swap3A_118], %select_n3A_116 {strides = array<i32>} : memref<321x128xf32, #tpu.memory_space<vmem>>, vector<16xf32>,
    }
    %scan3A_24 = arith.constant 320 : i32
    %mul3A_25 = arith.constant 320 : i32
    %mul3A_26 = arith.muli %add3A, %mul3A_25 : i32
    "tpu.region"() ({
      %run_scoped3A = tpu.sem_alloc : memref<!tpu.dma_semaphore, #tpu.memory_space<semaphore_mem>>
      %dma_start3A = arith.constant 0 : i32
      %dma_start3A_27 = arith.constant 0 : i32
      %dma_start3A_28 = tpu.memref_slice %arg6[%dma_start3A, %dma_start3A_27] : memref<321x128xf32, #tpu.memory_space<vmem>> -> memref<320x128xf32, #tpu.memory_space<vmem>>
      %dma_start3A_29 = arith.constant 0 : i32
      %dma_start3A_30 = tpu.memref_slice %arg5[%mul3A_26, %dma_start3A_29] : memref<10240x128xf32, #tpu.memory_space<hbm>> -> memref<320x128xf32, #tpu.memory_space<hbm>>
      %dma_start3A_31 = arith.constant 0 : i32
      %dma_start3A_32 = tpu.memref_slice %arg5[%mul3A_26, %dma_start3A_31] : memref<10240x128xf32, #tpu.memory_space<hbm>> -> memref<320x128xf32, #tpu.memory_space<hbm>>
      %dma_start3A_33 = arith.constant 0 : i32
      %dma_start3A_34 = arith.constant 0 : i32
      %dma_start3A_35 = tpu.memref_slice %arg6[%dma_start3A_33, %dma_start3A_34] : memref<321x128xf32, #tpu.memory_space<vmem>> -> memref<320x128xf32, #tpu.memory_space<vmem>>
      tpu.enqueue_dma source(%dma_start3A_35 : memref<320x128xf32, #tpu.memory_space<vmem>>) target(%dma_start3A_32 : memref<320x128xf32, #tpu.memory_space<hbm>>) target_semaphore(%run_scoped3A : memref<!tpu.dma_semaphore, #tpu.memory_space<semaphore_mem>>)
      %dma_wait3A = arith.constant 0 : i32
      %dma_wait3A_36 = arith.constant 0 : i32
      %dma_wait3A_37 = tpu.memref_slice %arg6[%dma_wait3A, %dma_wait3A_36] : memref<321x128xf32, #tpu.memory_space<vmem>> -> memref<320x128xf32, #tpu.memory_space<vmem>>
      %dma_wait3A_38 = arith.constant 0 : i32
      %dma_wait3A_39 = tpu.memref_slice %arg5[%mul3A_26, %dma_wait3A_38] : memref<10240x128xf32, #tpu.memory_space<hbm>> -> memref<320x128xf32, #tpu.memory_space<hbm>>
      %dma_wait3A_40 = arith.constant 0 : i32
      %dma_wait3A_41 = tpu.memref_slice %arg5[%mul3A_26, %dma_wait3A_40] : memref<10240x128xf32, #tpu.memory_space<hbm>> -> memref<320x128xf32, #tpu.memory_space<hbm>>
      %dma_wait3A_42 = arith.constant 0 : i32
      %dma_wait3A_43 = arith.constant 0 : i32
      %dma_wait3A_44 = tpu.memref_slice %arg6[%dma_wait3A_42, %dma_wait3A_43] : memref<321x128xf32, #tpu.memory_space<vmem>> -> memref<320x128xf32, #tpu.memory_space<vmem>>
      tpu.wait_dma2 semaphore(%run_scoped3A : memref<!tpu.dma_semaphore, #tpu.memory_space<semaphore_mem>>) src(%dma_wait3A_44 : memref<320x128xf32, #tpu.memory_space<vmem>>) dst(%dma_wait3A_41 : memref<320x128xf32, #tpu.memory_space<hbm>>)
      tpu.yield
    }) : () -> ()
    return
  }
}

#map = affine_map<(d0, d1) -> (0, 0)>
#map1 = affine_map<(d0, d1) -> (0)>
module attributes {stable_mosaic.version = 14 : i64} {
  func.func @_gather_body(%arg0: i32, %arg1: i32, %arg2: memref<10000x128xf32, #tpu.memory_space<hbm>>, %arg3: memref<10000x128xf32, #tpu.memory_space<hbm>>, %arg4: memref<320000xi32, #tpu.memory_space<hbm>>, %arg5: memref<320000xi32, #tpu.memory_space<hbm>>, %arg6: memref<320000x128xf32, #tpu.memory_space<hbm>>, %arg7: memref<80xi32, #tpu.memory_space<vmem>>, %arg8: memref<80xi32, #tpu.memory_space<vmem>>, %arg9: memref<80x128xf32, #tpu.memory_space<vmem>>, %arg10: memref<80x128xf32, #tpu.memory_space<vmem>>, %arg11: memref<!tpu.dma_semaphore, #tpu.memory_space<semaphore_mem>>, %arg12: memref<!tpu.dma_semaphore, #tpu.memory_space<semaphore_mem>>) attributes {dimension_semantics = [#tpu.dimension_semantics<core_parallel>, #tpu.dimension_semantics<subcore_parallel>], iteration_bounds = array<i64: 2, 16>, scalar_prefetch = 0 : i64, scratch_operands = 6 : i64, tpu.core_type = #tpu.core_type<sc_vector_subcore>, window_params = [{transform_indices = #map}, {transform_indices = #map}, {transform_indices = #map1}, {transform_indices = #map1}, {transform_indices = #map}]} {
    %mul3A = arith.constant 2 : i32
    %mul3A_0 = arith.muli %arg1, %mul3A : i32
    %add3A = arith.addi %mul3A_0, %arg0 : i32
    %mul3A_1 = arith.constant 10000 : i32
    %mul3A_2 = arith.muli %add3A, %mul3A_1 : i32
    %scan3A = arith.constant 0 : i32
    %scan3A_3 = arith.constant 0 : i32
    %scan3A_4 = arith.constant 125 : i32
    %scan3A_5 = arith.addi %scan3A_3, %scan3A_4 : i32
    %scan3A_6 = arith.constant 1 : i32
    scf.for %scan3A_8 = %scan3A_3 to %scan3A_5 step %scan3A_6  : i32 {
      %mul3A_9 = arith.constant 80 : i32
      %mul3A_10 = arith.muli %scan3A_8, %mul3A_9 : i32
      %add3A_11 = arith.addi %mul3A_2, %mul3A_10 : i32
      "tpu.region"() ({
        %run_scoped3A = tpu.sem_alloc : memref<!tpu.dma_semaphore, #tpu.memory_space<semaphore_mem>>
        %dma_start3A_28 = tpu.memref_slice %arg5[%add3A_11] : memref<320000xi32, #tpu.memory_space<hbm>> -> memref<80xi32, #tpu.memory_space<hbm>>
        %dma_start3A_29 = tpu.memref_slice %arg5[%add3A_11] : memref<320000xi32, #tpu.memory_space<hbm>> -> memref<80xi32, #tpu.memory_space<hbm>>
        tpu.enqueue_dma source(%dma_start3A_29 : memref<80xi32, #tpu.memory_space<hbm>>) target(%arg7 : memref<80xi32, #tpu.memory_space<vmem>>) target_semaphore(%run_scoped3A : memref<!tpu.dma_semaphore, #tpu.memory_space<semaphore_mem>>)
        %dma_wait3A_30 = tpu.memref_slice %arg5[%add3A_11] : memref<320000xi32, #tpu.memory_space<hbm>> -> memref<80xi32, #tpu.memory_space<hbm>>
        %dma_wait3A_31 = tpu.memref_slice %arg5[%add3A_11] : memref<320000xi32, #tpu.memory_space<hbm>> -> memref<80xi32, #tpu.memory_space<hbm>>
        tpu.wait_dma2 semaphore(%run_scoped3A : memref<!tpu.dma_semaphore, #tpu.memory_space<semaphore_mem>>) src(%dma_wait3A_31 : memref<80xi32, #tpu.memory_space<hbm>>) dst(%arg7 : memref<80xi32, #tpu.memory_space<vmem>>)
        tpu.yield
      }) : () -> ()
      "tpu.region"() ({
        %run_scoped3A = tpu.sem_alloc : memref<!tpu.dma_semaphore, #tpu.memory_space<semaphore_mem>>
        %dma_start3A_28 = tpu.memref_slice %arg4[%add3A_11] : memref<320000xi32, #tpu.memory_space<hbm>> -> memref<80xi32, #tpu.memory_space<hbm>>
        %dma_start3A_29 = tpu.memref_slice %arg4[%add3A_11] : memref<320000xi32, #tpu.memory_space<hbm>> -> memref<80xi32, #tpu.memory_space<hbm>>
        tpu.enqueue_dma source(%dma_start3A_29 : memref<80xi32, #tpu.memory_space<hbm>>) target(%arg8 : memref<80xi32, #tpu.memory_space<vmem>>) target_semaphore(%run_scoped3A : memref<!tpu.dma_semaphore, #tpu.memory_space<semaphore_mem>>)
        %dma_wait3A_30 = tpu.memref_slice %arg4[%add3A_11] : memref<320000xi32, #tpu.memory_space<hbm>> -> memref<80xi32, #tpu.memory_space<hbm>>
        %dma_wait3A_31 = tpu.memref_slice %arg4[%add3A_11] : memref<320000xi32, #tpu.memory_space<hbm>> -> memref<80xi32, #tpu.memory_space<hbm>>
        tpu.wait_dma2 semaphore(%run_scoped3A : memref<!tpu.dma_semaphore, #tpu.memory_space<semaphore_mem>>) src(%dma_wait3A_31 : memref<80xi32, #tpu.memory_space<hbm>>) dst(%arg8 : memref<80xi32, #tpu.memory_space<vmem>>)
        tpu.yield
      }) : () -> ()
      %dma_start3A = arith.constant 0 : i32
      %dma_start3A_12 = arith.constant 0 : i32
      %dma_start3A_13 = tpu.memref_slice %arg2[%dma_start3A, %dma_start3A_12] : memref<10000x128xf32, #tpu.memory_space<hbm>> -> memref<10000x128xf32, #tpu.memory_space<hbm>>
      tpu.enqueue_indirect_dma source(%dma_start3A_13 : memref<10000x128xf32, #tpu.memory_space<hbm>>) target(%arg9 : memref<80x128xf32, #tpu.memory_space<vmem>>) offsets(%arg7 : memref<80xi32, #tpu.memory_space<vmem>>) semaphore(%arg11 : memref<!tpu.dma_semaphore, #tpu.memory_space<semaphore_mem>>)
      %dma_start3A_14 = arith.constant 0 : i32
      %dma_start3A_15 = arith.constant 0 : i32
      %dma_start3A_16 = tpu.memref_slice %arg3[%dma_start3A_14, %dma_start3A_15] : memref<10000x128xf32, #tpu.memory_space<hbm>> -> memref<10000x128xf32, #tpu.memory_space<hbm>>
      tpu.enqueue_indirect_dma source(%dma_start3A_16 : memref<10000x128xf32, #tpu.memory_space<hbm>>) target(%arg10 : memref<80x128xf32, #tpu.memory_space<vmem>>) offsets(%arg8 : memref<80xi32, #tpu.memory_space<vmem>>) semaphore(%arg12 : memref<!tpu.dma_semaphore, #tpu.memory_space<semaphore_mem>>)
      %dma_wait3A = arith.constant 0 : i32
      %dma_wait3A_17 = arith.constant 0 : i32
      %dma_wait3A_18 = tpu.memref_slice %arg2[%dma_wait3A, %dma_wait3A_17] : memref<10000x128xf32, #tpu.memory_space<hbm>> -> memref<10000x128xf32, #tpu.memory_space<hbm>>
      tpu.wait_indirect_dma semaphore(%arg11 : memref<!tpu.dma_semaphore, #tpu.memory_space<semaphore_mem>>) src(%dma_wait3A_18 : memref<10000x128xf32, #tpu.memory_space<hbm>>) dst(%arg9 : memref<80x128xf32, #tpu.memory_space<vmem>>)
      %dma_wait3A_19 = arith.constant 0 : i32
      %dma_wait3A_20 = arith.constant 0 : i32
      %dma_wait3A_21 = tpu.memref_slice %arg3[%dma_wait3A_19, %dma_wait3A_20] : memref<10000x128xf32, #tpu.memory_space<hbm>> -> memref<10000x128xf32, #tpu.memory_space<hbm>>
      tpu.wait_indirect_dma semaphore(%arg12 : memref<!tpu.dma_semaphore, #tpu.memory_space<semaphore_mem>>) src(%dma_wait3A_21 : memref<10000x128xf32, #tpu.memory_space<hbm>>) dst(%arg10 : memref<80x128xf32, #tpu.memory_space<vmem>>)
      %scan3A_22 = arith.constant 0 : i32
      %scan3A_23 = arith.constant 0 : i32
      %scan3A_24 = arith.constant 80 : i32
      %scan3A_25 = arith.addi %scan3A_23, %scan3A_24 : i32
      %scan3A_26 = arith.constant 1 : i32
      scf.for %scan3A_28 = %scan3A_23 to %scan3A_25 step %scan3A_26  : i32 {
        %get3A = arith.index_cast %scan3A_28 : i32 to index
        %get3A_29 = arith.constant 0 : index
        %get3A_30 = tpu.vector_load %arg9[%get3A, %get3A_29] {strides = array<i32>} : memref<80x128xf32, #tpu.memory_space<vmem>>, vector<16xf32>,
        %get3A_31 = arith.index_cast %scan3A_28 : i32 to index
        %get3A_32 = arith.constant 0 : index
        %get3A_33 = tpu.vector_load %arg10[%get3A_31, %get3A_32] {strides = array<i32>} : memref<80x128xf32, #tpu.memory_space<vmem>>, vector<16xf32>,
        %add3A_34 = arith.addf %get3A_30, %get3A_33 : vector<16xf32>
        %max3A = arith.constant 0.000000e+00 : f32
        %max3A_35 = vector.broadcast %max3A : f32 to vector<16xf32>
        %max3A_36 = arith.maximumf %add3A_34, %max3A_35 : vector<16xf32>
        %swap3A = arith.index_cast %scan3A_28 : i32 to index
        %swap3A_37 = arith.constant 0 : index
        %swap3A_38 = tpu.vector_load %arg9[%swap3A, %swap3A_37] {strides = array<i32>} : memref<80x128xf32, #tpu.memory_space<vmem>>, vector<16xf32>,
        tpu.vector_store %arg9[%swap3A, %swap3A_37], %max3A_36 {strides = array<i32>} : memref<80x128xf32, #tpu.memory_space<vmem>>, vector<16xf32>,
        %get3A_39 = arith.index_cast %scan3A_28 : i32 to index
        %get3A_40 = arith.constant 16 : index
        %get3A_41 = tpu.vector_load %arg9[%get3A_39, %get3A_40] {strides = array<i32>} : memref<80x128xf32, #tpu.memory_space<vmem>>, vector<16xf32>,
        %get3A_42 = arith.index_cast %scan3A_28 : i32 to index
        %get3A_43 = arith.constant 16 : index
        %get3A_44 = tpu.vector_load %arg10[%get3A_42, %get3A_43] {strides = array<i32>} : memref<80x128xf32, #tpu.memory_space<vmem>>, vector<16xf32>,
        %add3A_45 = arith.addf %get3A_41, %get3A_44 : vector<16xf32>
        %max3A_46 = arith.constant 0.000000e+00 : f32
        %max3A_47 = vector.broadcast %max3A_46 : f32 to vector<16xf32>
        %max3A_48 = arith.maximumf %add3A_45, %max3A_47 : vector<16xf32>
        %swap3A_49 = arith.index_cast %scan3A_28 : i32 to index
        %swap3A_50 = arith.constant 16 : index
        %swap3A_51 = tpu.vector_load %arg9[%swap3A_49, %swap3A_50] {strides = array<i32>} : memref<80x128xf32, #tpu.memory_space<vmem>>, vector<16xf32>,
        tpu.vector_store %arg9[%swap3A_49, %swap3A_50], %max3A_48 {strides = array<i32>} : memref<80x128xf32, #tpu.memory_space<vmem>>, vector<16xf32>,
        %get3A_52 = arith.index_cast %scan3A_28 : i32 to index
        %get3A_53 = arith.constant 32 : index
        %get3A_54 = tpu.vector_load %arg9[%get3A_52, %get3A_53] {strides = array<i32>} : memref<80x128xf32, #tpu.memory_space<vmem>>, vector<16xf32>,
        %get3A_55 = arith.index_cast %scan3A_28 : i32 to index
        %get3A_56 = arith.constant 32 : index
        %get3A_57 = tpu.vector_load %arg10[%get3A_55, %get3A_56] {strides = array<i32>} : memref<80x128xf32, #tpu.memory_space<vmem>>, vector<16xf32>,
        %add3A_58 = arith.addf %get3A_54, %get3A_57 : vector<16xf32>
        %max3A_59 = arith.constant 0.000000e+00 : f32
        %max3A_60 = vector.broadcast %max3A_59 : f32 to vector<16xf32>
        %max3A_61 = arith.maximumf %add3A_58, %max3A_60 : vector<16xf32>
        %swap3A_62 = arith.index_cast %scan3A_28 : i32 to index
        %swap3A_63 = arith.constant 32 : index
        %swap3A_64 = tpu.vector_load %arg9[%swap3A_62, %swap3A_63] {strides = array<i32>} : memref<80x128xf32, #tpu.memory_space<vmem>>, vector<16xf32>,
        tpu.vector_store %arg9[%swap3A_62, %swap3A_63], %max3A_61 {strides = array<i32>} : memref<80x128xf32, #tpu.memory_space<vmem>>, vector<16xf32>,
        %get3A_65 = arith.index_cast %scan3A_28 : i32 to index
        %get3A_66 = arith.constant 48 : index
        %get3A_67 = tpu.vector_load %arg9[%get3A_65, %get3A_66] {strides = array<i32>} : memref<80x128xf32, #tpu.memory_space<vmem>>, vector<16xf32>,
        %get3A_68 = arith.index_cast %scan3A_28 : i32 to index
        %get3A_69 = arith.constant 48 : index
        %get3A_70 = tpu.vector_load %arg10[%get3A_68, %get3A_69] {strides = array<i32>} : memref<80x128xf32, #tpu.memory_space<vmem>>, vector<16xf32>,
        %add3A_71 = arith.addf %get3A_67, %get3A_70 : vector<16xf32>
        %max3A_72 = arith.constant 0.000000e+00 : f32
        %max3A_73 = vector.broadcast %max3A_72 : f32 to vector<16xf32>
        %max3A_74 = arith.maximumf %add3A_71, %max3A_73 : vector<16xf32>
        %swap3A_75 = arith.index_cast %scan3A_28 : i32 to index
        %swap3A_76 = arith.constant 48 : index
        %swap3A_77 = tpu.vector_load %arg9[%swap3A_75, %swap3A_76] {strides = array<i32>} : memref<80x128xf32, #tpu.memory_space<vmem>>, vector<16xf32>,
        tpu.vector_store %arg9[%swap3A_75, %swap3A_76], %max3A_74 {strides = array<i32>} : memref<80x128xf32, #tpu.memory_space<vmem>>, vector<16xf32>,
        %get3A_78 = arith.index_cast %scan3A_28 : i32 to index
        %get3A_79 = arith.constant 64 : index
        %get3A_80 = tpu.vector_load %arg9[%get3A_78, %get3A_79] {strides = array<i32>} : memref<80x128xf32, #tpu.memory_space<vmem>>, vector<16xf32>,
        %get3A_81 = arith.index_cast %scan3A_28 : i32 to index
        %get3A_82 = arith.constant 64 : index
        %get3A_83 = tpu.vector_load %arg10[%get3A_81, %get3A_82] {strides = array<i32>} : memref<80x128xf32, #tpu.memory_space<vmem>>, vector<16xf32>,
        %add3A_84 = arith.addf %get3A_80, %get3A_83 : vector<16xf32>
        %max3A_85 = arith.constant 0.000000e+00 : f32
        %max3A_86 = vector.broadcast %max3A_85 : f32 to vector<16xf32>
        %max3A_87 = arith.maximumf %add3A_84, %max3A_86 : vector<16xf32>
        %swap3A_88 = arith.index_cast %scan3A_28 : i32 to index
        %swap3A_89 = arith.constant 64 : index
        %swap3A_90 = tpu.vector_load %arg9[%swap3A_88, %swap3A_89] {strides = array<i32>} : memref<80x128xf32, #tpu.memory_space<vmem>>, vector<16xf32>,
        tpu.vector_store %arg9[%swap3A_88, %swap3A_89], %max3A_87 {strides = array<i32>} : memref<80x128xf32, #tpu.memory_space<vmem>>, vector<16xf32>,
        %get3A_91 = arith.index_cast %scan3A_28 : i32 to index
        %get3A_92 = arith.constant 80 : index
        %get3A_93 = tpu.vector_load %arg9[%get3A_91, %get3A_92] {strides = array<i32>} : memref<80x128xf32, #tpu.memory_space<vmem>>, vector<16xf32>,
        %get3A_94 = arith.index_cast %scan3A_28 : i32 to index
        %get3A_95 = arith.constant 80 : index
        %get3A_96 = tpu.vector_load %arg10[%get3A_94, %get3A_95] {strides = array<i32>} : memref<80x128xf32, #tpu.memory_space<vmem>>, vector<16xf32>,
        %add3A_97 = arith.addf %get3A_93, %get3A_96 : vector<16xf32>
        %max3A_98 = arith.constant 0.000000e+00 : f32
        %max3A_99 = vector.broadcast %max3A_98 : f32 to vector<16xf32>
        %max3A_100 = arith.maximumf %add3A_97, %max3A_99 : vector<16xf32>
        %swap3A_101 = arith.index_cast %scan3A_28 : i32 to index
        %swap3A_102 = arith.constant 80 : index
        %swap3A_103 = tpu.vector_load %arg9[%swap3A_101, %swap3A_102] {strides = array<i32>} : memref<80x128xf32, #tpu.memory_space<vmem>>, vector<16xf32>,
        tpu.vector_store %arg9[%swap3A_101, %swap3A_102], %max3A_100 {strides = array<i32>} : memref<80x128xf32, #tpu.memory_space<vmem>>, vector<16xf32>,
        %get3A_104 = arith.index_cast %scan3A_28 : i32 to index
        %get3A_105 = arith.constant 96 : index
        %get3A_106 = tpu.vector_load %arg9[%get3A_104, %get3A_105] {strides = array<i32>} : memref<80x128xf32, #tpu.memory_space<vmem>>, vector<16xf32>,
        %get3A_107 = arith.index_cast %scan3A_28 : i32 to index
        %get3A_108 = arith.constant 96 : index
        %get3A_109 = tpu.vector_load %arg10[%get3A_107, %get3A_108] {strides = array<i32>} : memref<80x128xf32, #tpu.memory_space<vmem>>, vector<16xf32>,
        %add3A_110 = arith.addf %get3A_106, %get3A_109 : vector<16xf32>
        %max3A_111 = arith.constant 0.000000e+00 : f32
        %max3A_112 = vector.broadcast %max3A_111 : f32 to vector<16xf32>
        %max3A_113 = arith.maximumf %add3A_110, %max3A_112 : vector<16xf32>
        %swap3A_114 = arith.index_cast %scan3A_28 : i32 to index
        %swap3A_115 = arith.constant 96 : index
        %swap3A_116 = tpu.vector_load %arg9[%swap3A_114, %swap3A_115] {strides = array<i32>} : memref<80x128xf32, #tpu.memory_space<vmem>>, vector<16xf32>,
        tpu.vector_store %arg9[%swap3A_114, %swap3A_115], %max3A_113 {strides = array<i32>} : memref<80x128xf32, #tpu.memory_space<vmem>>, vector<16xf32>,
        %get3A_117 = arith.index_cast %scan3A_28 : i32 to index
        %get3A_118 = arith.constant 112 : index
        %get3A_119 = tpu.vector_load %arg9[%get3A_117, %get3A_118] {strides = array<i32>} : memref<80x128xf32, #tpu.memory_space<vmem>>, vector<16xf32>,
        %get3A_120 = arith.index_cast %scan3A_28 : i32 to index
        %get3A_121 = arith.constant 112 : index
        %get3A_122 = tpu.vector_load %arg10[%get3A_120, %get3A_121] {strides = array<i32>} : memref<80x128xf32, #tpu.memory_space<vmem>>, vector<16xf32>,
        %add3A_123 = arith.addf %get3A_119, %get3A_122 : vector<16xf32>
        %max3A_124 = arith.constant 0.000000e+00 : f32
        %max3A_125 = vector.broadcast %max3A_124 : f32 to vector<16xf32>
        %max3A_126 = arith.maximumf %add3A_123, %max3A_125 : vector<16xf32>
        %swap3A_127 = arith.index_cast %scan3A_28 : i32 to index
        %swap3A_128 = arith.constant 112 : index
        %swap3A_129 = tpu.vector_load %arg9[%swap3A_127, %swap3A_128] {strides = array<i32>} : memref<80x128xf32, #tpu.memory_space<vmem>>, vector<16xf32>,
        tpu.vector_store %arg9[%swap3A_127, %swap3A_128], %max3A_126 {strides = array<i32>} : memref<80x128xf32, #tpu.memory_space<vmem>>, vector<16xf32>,
      }
      %scan3A_27 = arith.constant 80 : i32
      "tpu.region"() ({
        %run_scoped3A = tpu.sem_alloc : memref<!tpu.dma_semaphore, #tpu.memory_space<semaphore_mem>>
        %dma_start3A_28 = arith.constant 0 : i32
        %dma_start3A_29 = tpu.memref_slice %arg6[%add3A_11, %dma_start3A_28] : memref<320000x128xf32, #tpu.memory_space<hbm>> -> memref<80x128xf32, #tpu.memory_space<hbm>>
        %dma_start3A_30 = arith.constant 0 : i32
        %dma_start3A_31 = tpu.memref_slice %arg6[%add3A_11, %dma_start3A_30] : memref<320000x128xf32, #tpu.memory_space<hbm>> -> memref<80x128xf32, #tpu.memory_space<hbm>>
        tpu.enqueue_dma source(%arg9 : memref<80x128xf32, #tpu.memory_space<vmem>>) target(%dma_start3A_31 : memref<80x128xf32, #tpu.memory_space<hbm>>) target_semaphore(%run_scoped3A : memref<!tpu.dma_semaphore, #tpu.memory_space<semaphore_mem>>)
        %dma_wait3A_32 = arith.constant 0 : i32
        %dma_wait3A_33 = tpu.memref_slice %arg6[%add3A_11, %dma_wait3A_32] : memref<320000x128xf32, #tpu.memory_space<hbm>> -> memref<80x128xf32, #tpu.memory_space<hbm>>
        %dma_wait3A_34 = arith.constant 0 : i32
        %dma_wait3A_35 = tpu.memref_slice %arg6[%add3A_11, %dma_wait3A_34] : memref<320000x128xf32, #tpu.memory_space<hbm>> -> memref<80x128xf32, #tpu.memory_space<hbm>>
        tpu.wait_dma2 semaphore(%run_scoped3A : memref<!tpu.dma_semaphore, #tpu.memory_space<semaphore_mem>>) src(%arg9 : memref<80x128xf32, #tpu.memory_space<vmem>>) dst(%dma_wait3A_35 : memref<80x128xf32, #tpu.memory_space<hbm>>)
        tpu.yield
      }) : () -> ()
    }
    %scan3A_7 = arith.constant 125 : i32
    return
  }
}

#map = affine_map<(d0, d1) -> (0)>
#map1 = affine_map<(d0, d1) -> (0, 0)>
module attributes {stable_mosaic.version = 14 : i64} {
  func.func @_bin_body(%arg0: i32, %arg1: i32, %arg2: memref<320000xi32, #tpu.memory_space<hbm>>, %arg3: memref<32x320000xi32, #tpu.memory_space<hbm>>, %arg4: memref<256xi32, #tpu.memory_space<hbm>>, %arg5: memref<2000xi32, #tpu.memory_space<vmem>>, %arg6: memref<128xi32, #tpu.memory_space<vmem>>, %arg7: memref<16xi32, #tpu.memory_space<vmem>>) attributes {dimension_semantics = [#tpu.dimension_semantics<core_parallel>, #tpu.dimension_semantics<subcore_parallel>], iteration_bounds = array<i64: 2, 16>, scalar_prefetch = 0 : i64, scratch_operands = 3 : i64, tpu.core_type = #tpu.core_type<sc_vector_subcore>, window_params = [{transform_indices = #map}, {transform_indices = #map1}, {transform_indices = #map}]} {
    %mul3A = arith.constant 2 : i32
    %mul3A_0 = arith.muli %arg1, %mul3A : i32
    %add3A = arith.addi %mul3A_0, %arg0 : i32
    %mul3A_1 = arith.constant 320 : i32
    %mul3A_2 = arith.muli %add3A, %mul3A_1 : i32
    %add3A_3 = arith.constant 320 : i32
    %add3A_4 = arith.addi %mul3A_2, %add3A_3 : i32
    %iota3A = tpu.iota {dimensions = array<i32: 0>} : vector<16xi32>
    %broadcast_in_dim3A = arith.constant 320 : i32
    %broadcast_in_dim3A_5 = vector.broadcast %broadcast_in_dim3A : i32 to vector<16xi32>
    %swap3A = arith.constant 0 : index
    %swap3A_6 = tpu.vector_load %arg6[%swap3A] {strides = array<i32>} : memref<128xi32, #tpu.memory_space<vmem>>, vector<16xi32>,
    tpu.vector_store %arg6[%swap3A], %broadcast_in_dim3A_5 {strides = array<i32>} : memref<128xi32, #tpu.memory_space<vmem>>, vector<16xi32>,
    %swap3A_7 = arith.constant 16 : index
    %swap3A_8 = tpu.vector_load %arg6[%swap3A_7] {strides = array<i32>} : memref<128xi32, #tpu.memory_space<vmem>>, vector<16xi32>,
    tpu.vector_store %arg6[%swap3A_7], %broadcast_in_dim3A_5 {strides = array<i32>} : memref<128xi32, #tpu.memory_space<vmem>>, vector<16xi32>,
    %swap3A_9 = arith.constant 32 : index
    %swap3A_10 = tpu.vector_load %arg6[%swap3A_9] {strides = array<i32>} : memref<128xi32, #tpu.memory_space<vmem>>, vector<16xi32>,
    tpu.vector_store %arg6[%swap3A_9], %broadcast_in_dim3A_5 {strides = array<i32>} : memref<128xi32, #tpu.memory_space<vmem>>, vector<16xi32>,
    %swap3A_11 = arith.constant 48 : index
    %swap3A_12 = tpu.vector_load %arg6[%swap3A_11] {strides = array<i32>} : memref<128xi32, #tpu.memory_space<vmem>>, vector<16xi32>,
    tpu.vector_store %arg6[%swap3A_11], %broadcast_in_dim3A_5 {strides = array<i32>} : memref<128xi32, #tpu.memory_space<vmem>>, vector<16xi32>,
    %swap3A_13 = arith.constant 64 : index
    %swap3A_14 = tpu.vector_load %arg6[%swap3A_13] {strides = array<i32>} : memref<128xi32, #tpu.memory_space<vmem>>, vector<16xi32>,
    tpu.vector_store %arg6[%swap3A_13], %broadcast_in_dim3A_5 {strides = array<i32>} : memref<128xi32, #tpu.memory_space<vmem>>, vector<16xi32>,
    %swap3A_15 = arith.constant 80 : index
    %swap3A_16 = tpu.vector_load %arg6[%swap3A_15] {strides = array<i32>} : memref<128xi32, #tpu.memory_space<vmem>>, vector<16xi32>,
    tpu.vector_store %arg6[%swap3A_15], %broadcast_in_dim3A_5 {strides = array<i32>} : memref<128xi32, #tpu.memory_space<vmem>>, vector<16xi32>,
    %swap3A_17 = arith.constant 96 : index
    %swap3A_18 = tpu.vector_load %arg6[%swap3A_17] {strides = array<i32>} : memref<128xi32, #tpu.memory_space<vmem>>, vector<16xi32>,
    tpu.vector_store %arg6[%swap3A_17], %broadcast_in_dim3A_5 {strides = array<i32>} : memref<128xi32, #tpu.memory_space<vmem>>, vector<16xi32>,
    %swap3A_19 = arith.constant 112 : index
    %swap3A_20 = tpu.vector_load %arg6[%swap3A_19] {strides = array<i32>} : memref<128xi32, #tpu.memory_space<vmem>>, vector<16xi32>,
    tpu.vector_store %arg6[%swap3A_19], %broadcast_in_dim3A_5 {strides = array<i32>} : memref<128xi32, #tpu.memory_space<vmem>>, vector<16xi32>,
    %scan3A = arith.constant 0 : i32
    %scan3A_21 = arith.constant 0 : i32
    %scan3A_22 = arith.constant 0 : i32
    %scan3A_23 = arith.constant 160 : i32
    %scan3A_24 = arith.addi %scan3A_22, %scan3A_23 : i32
    %scan3A_25 = arith.constant 1 : i32
    %scan3A_26:2 = scf.for %scan3A_37 = %scan3A_22 to %scan3A_24 step %scan3A_25 iter_args(%scan3A_38 = %scan3A, %scan3A_39 = %scan3A_21) -> (i32, i32)  : i32 {
      %mul3A_40 = arith.constant 2000 : i32
      %mul3A_41 = arith.muli %scan3A_37, %mul3A_40 : i32
      "tpu.region"() ({
        %run_scoped3A = tpu.sem_alloc : memref<!tpu.dma_semaphore, #tpu.memory_space<semaphore_mem>>
        %dma_start3A = tpu.memref_slice %arg2[%mul3A_41] : memref<320000xi32, #tpu.memory_space<hbm>> -> memref<2000xi32, #tpu.memory_space<hbm>>
        %dma_start3A_48 = tpu.memref_slice %arg2[%mul3A_41] : memref<320000xi32, #tpu.memory_space<hbm>> -> memref<2000xi32, #tpu.memory_space<hbm>>
        tpu.enqueue_dma source(%dma_start3A_48 : memref<2000xi32, #tpu.memory_space<hbm>>) target(%arg5 : memref<2000xi32, #tpu.memory_space<vmem>>) target_semaphore(%run_scoped3A : memref<!tpu.dma_semaphore, #tpu.memory_space<semaphore_mem>>)
        %dma_wait3A = tpu.memref_slice %arg2[%mul3A_41] : memref<320000xi32, #tpu.memory_space<hbm>> -> memref<2000xi32, #tpu.memory_space<hbm>>
        %dma_wait3A_49 = tpu.memref_slice %arg2[%mul3A_41] : memref<320000xi32, #tpu.memory_space<hbm>> -> memref<2000xi32, #tpu.memory_space<hbm>>
        tpu.wait_dma2 semaphore(%run_scoped3A : memref<!tpu.dma_semaphore, #tpu.memory_space<semaphore_mem>>) src(%dma_wait3A_49 : memref<2000xi32, #tpu.memory_space<hbm>>) dst(%arg5 : memref<2000xi32, #tpu.memory_space<vmem>>)
        tpu.yield
      }) : () -> ()
      %scan3A_42 = arith.constant 0 : i32
      %scan3A_43 = arith.constant 125 : i32
      %scan3A_44 = arith.addi %scan3A_42, %scan3A_43 : i32
      %scan3A_45 = arith.constant 1 : i32
      %scan3A_46:2 = scf.for %scan3A_48 = %scan3A_42 to %scan3A_44 step %scan3A_45 iter_args(%scan3A_49 = %scan3A_38, %scan3A_50 = %scan3A_39) -> (i32, i32)  : i32 {
        %mul3A_51 = arith.constant 16 : i32
        %mul3A_52 = arith.muli %scan3A_48, %mul3A_51 : i32
        %get3A = arith.index_cast %mul3A_52 : i32 to index
        %get3A_53 = tpu.vector_load %arg5[%get3A] {strides = array<i32>} : memref<2000xi32, #tpu.memory_space<vmem>>, vector<16xi32>,
        %ge3A = vector.broadcast %mul3A_2 : i32 to vector<16xi32>
        %ge3A_54 = arith.cmpi sge, %get3A_53, %ge3A : vector<16xi32>
        %lt3A = vector.broadcast %add3A_4 : i32 to vector<16xi32>
        %lt3A_55 = arith.cmpi slt, %get3A_53, %lt3A : vector<16xi32>
        %and3A = arith.andi %ge3A_54, %lt3A_55 : vector<16xi1>
        %mul3A_56 = arith.constant 2000 : i32
        %mul3A_57 = arith.muli %scan3A_37, %mul3A_56 : i32
        %mul3A_58 = arith.constant 16 : i32
        %mul3A_59 = arith.muli %scan3A_48, %mul3A_58 : i32
        %add3A_60 = arith.addi %mul3A_57, %mul3A_59 : i32
        %add3A_61 = vector.broadcast %add3A_60 : i32 to vector<16xi32>
        %add3A_62 = arith.addi %add3A_61, %iota3A : vector<16xi32>
        %mul3A_63 = arith.constant 512 : i32
        %mul3A_64 = vector.broadcast %mul3A_63 : i32 to vector<16xi32>
        %mul3A_65 = arith.muli %add3A_62, %mul3A_64 : vector<16xi32>
        %sub3A = vector.broadcast %mul3A_2 : i32 to vector<16xi32>
        %sub3A_66 = arith.subi %get3A_53, %sub3A : vector<16xi32>
        %add3A_67 = arith.addi %mul3A_65, %sub3A_66 : vector<16xi32>
        %select_n3A = arith.select %and3A, %add3A_67, %broadcast_in_dim3A_5 : vector<16xi1>, vector<16xi32>
        %jit3A = arith.constant 0 : i32
        %jit3A_68 = arith.constant 1 : i32
        %broadcast_in_dim3A_69 = vector.broadcast %jit3A : i32 to vector<16xi32>
        %broadcast_in_dim3A_70 = vector.broadcast %jit3A_68 : i32 to vector<16xi32>
        %select_n3A_71 = arith.select %and3A, %broadcast_in_dim3A_69, %broadcast_in_dim3A_70 : vector<16xi1>, vector<16xi32>
        %masked_sort3A = arith.constant dense<true> : vector<16xi1>
        %masked_sort3A_72 = arith.constant -2147483648 : i32
        %masked_sort3A_73 = vector.broadcast %masked_sort3A_72 : i32 to vector<16xi32>
        %masked_sort3A_74 = arith.xori %select_n3A_71, %masked_sort3A_73 : vector<16xi32>
        %masked_sort3A_75, %masked_sort3A_76, %masked_sort3A_77 = tpu.sort %masked_sort3A_74, %select_n3A masked %masked_sort3A : (vector<16xi32>, vector<16xi32>, vector<16xi1>) -> (vector<16xi1>, vector<16xi32>, vector<16xi32>)
        %masked_sort3A_78 = arith.xori %masked_sort3A_76, %masked_sort3A_73 : vector<16xi32>
        %swap3A_79 = arith.index_cast %scan3A_49 : i32 to index
        %swap3A_80 = tpu.vector_load %arg6[%swap3A_79] {strides = array<i32>} : memref<128xi32, #tpu.memory_space<vmem>>, vector<16xi32>,
        tpu.vector_store %arg6[%swap3A_79], %masked_sort3A_77 {strides = array<i32>} : memref<128xi32, #tpu.memory_space<vmem>>, vector<16xi32>,
        %convert_element_type3A = arith.extui %and3A : vector<16xi1> to vector<16xi32>
        %reduce_sum3A = arith.constant true
        %reduce_sum3A_81 = vector.broadcast %reduce_sum3A : i1 to vector<16xi1>
        %reduce_sum3A_82 = tpu.scan <sum>, %convert_element_type3A masked %reduce_sum3A_81 : vector<16xi32>, vector<16xi1> -> vector<16xi32>
        %reduce_sum3A_83 = vector.extract %reduce_sum3A_82[15] : i32 from vector<16xi32>
        %add3A_84 = arith.addi %scan3A_49, %reduce_sum3A_83 : i32
        %ge3A_85 = arith.constant 112 : i32
        %ge3A_86 = arith.cmpi sge, %add3A_84, %ge3A_85 : i32
        %convert_element_type3A_87 = arith.extui %ge3A_86 : i1 to i32
        %cond3A = arith.constant 0 : i32
        %cond3A_88 = arith.cmpi ne, %convert_element_type3A_87, %cond3A : i32
        %cond3A_89:2 = scf.if %cond3A_88 -> (i32, i32) {
          %mul3A_90 = arith.constant 128 : i32
          %mul3A_91 = arith.muli %scan3A_50, %mul3A_90 : i32
          "tpu.region"() ({
            %run_scoped3A = tpu.sem_alloc : memref<!tpu.dma_semaphore, #tpu.memory_space<semaphore_mem>>
            %dma_start3A = tpu.memref_slice %arg3[%add3A, %mul3A_91] : memref<32x320000xi32, #tpu.memory_space<hbm>> -> memref<1x128xi32, #tpu.memory_space<hbm>>
            %dma_start3A_95 = tpu.memref_squeeze %dma_start3A : memref<1x128xi32, #tpu.memory_space<hbm>> -> memref<128xi32, #tpu.memory_space<hbm>>
            %dma_start3A_96 = tpu.memref_slice %arg3[%add3A, %mul3A_91] : memref<32x320000xi32, #tpu.memory_space<hbm>> -> memref<1x128xi32, #tpu.memory_space<hbm>>
            %dma_start3A_97 = tpu.memref_squeeze %dma_start3A_96 : memref<1x128xi32, #tpu.memory_space<hbm>> -> memref<128xi32, #tpu.memory_space<hbm>>
            tpu.enqueue_dma source(%arg6 : memref<128xi32, #tpu.memory_space<vmem>>) target(%dma_start3A_97 : memref<128xi32, #tpu.memory_space<hbm>>) target_semaphore(%run_scoped3A : memref<!tpu.dma_semaphore, #tpu.memory_space<semaphore_mem>>)
            %dma_wait3A = tpu.memref_slice %arg3[%add3A, %mul3A_91] : memref<32x320000xi32, #tpu.memory_space<hbm>> -> memref<1x128xi32, #tpu.memory_space<hbm>>
            %dma_wait3A_98 = tpu.memref_squeeze %dma_wait3A : memref<1x128xi32, #tpu.memory_space<hbm>> -> memref<128xi32, #tpu.memory_space<hbm>>
            %dma_wait3A_99 = tpu.memref_slice %arg3[%add3A, %mul3A_91] : memref<32x320000xi32, #tpu.memory_space<hbm>> -> memref<1x128xi32, #tpu.memory_space<hbm>>
            %dma_wait3A_100 = tpu.memref_squeeze %dma_wait3A_99 : memref<1x128xi32, #tpu.memory_space<hbm>> -> memref<128xi32, #tpu.memory_space<hbm>>
            tpu.wait_dma2 semaphore(%run_scoped3A : memref<!tpu.dma_semaphore, #tpu.memory_space<semaphore_mem>>) src(%arg6 : memref<128xi32, #tpu.memory_space<vmem>>) dst(%dma_wait3A_100 : memref<128xi32, #tpu.memory_space<hbm>>)
            tpu.yield
          }) : () -> ()
          %add3A_92 = arith.constant 1 : i32
          %add3A_93 = arith.addi %scan3A_50, %add3A_92 : i32
          %cond3A_94 = arith.constant 0 : i32
          scf.yield %cond3A_94, %add3A_93 : i32, i32
        } else {
          scf.yield %add3A_84, %scan3A_50 : i32, i32
        }
        scf.yield %cond3A_89#0, %cond3A_89#1 : i32, i32
      }
      %scan3A_47 = arith.constant 125 : i32
      scf.yield %scan3A_46#0, %scan3A_46#1 : i32, i32
    }
    %scan3A_27 = arith.constant 160 : i32
    %mul3A_28 = arith.constant 128 : i32
    %mul3A_29 = arith.muli %scan3A_26#1, %mul3A_28 : i32
    "tpu.region"() ({
      %run_scoped3A = tpu.sem_alloc : memref<!tpu.dma_semaphore, #tpu.memory_space<semaphore_mem>>
      %dma_start3A = tpu.memref_slice %arg3[%add3A, %mul3A_29] : memref<32x320000xi32, #tpu.memory_space<hbm>> -> memref<1x128xi32, #tpu.memory_space<hbm>>
      %dma_start3A_37 = tpu.memref_squeeze %dma_start3A : memref<1x128xi32, #tpu.memory_space<hbm>> -> memref<128xi32, #tpu.memory_space<hbm>>
      %dma_start3A_38 = tpu.memref_slice %arg3[%add3A, %mul3A_29] : memref<32x320000xi32, #tpu.memory_space<hbm>> -> memref<1x128xi32, #tpu.memory_space<hbm>>
      %dma_start3A_39 = tpu.memref_squeeze %dma_start3A_38 : memref<1x128xi32, #tpu.memory_space<hbm>> -> memref<128xi32, #tpu.memory_space<hbm>>
      tpu.enqueue_dma source(%arg6 : memref<128xi32, #tpu.memory_space<vmem>>) target(%dma_start3A_39 : memref<128xi32, #tpu.memory_space<hbm>>) target_semaphore(%run_scoped3A : memref<!tpu.dma_semaphore, #tpu.memory_space<semaphore_mem>>)
      %dma_wait3A = tpu.memref_slice %arg3[%add3A, %mul3A_29] : memref<32x320000xi32, #tpu.memory_space<hbm>> -> memref<1x128xi32, #tpu.memory_space<hbm>>
      %dma_wait3A_40 = tpu.memref_squeeze %dma_wait3A : memref<1x128xi32, #tpu.memory_space<hbm>> -> memref<128xi32, #tpu.memory_space<hbm>>
      %dma_wait3A_41 = tpu.memref_slice %arg3[%add3A, %mul3A_29] : memref<32x320000xi32, #tpu.memory_space<hbm>> -> memref<1x128xi32, #tpu.memory_space<hbm>>
      %dma_wait3A_42 = tpu.memref_squeeze %dma_wait3A_41 : memref<1x128xi32, #tpu.memory_space<hbm>> -> memref<128xi32, #tpu.memory_space<hbm>>
      tpu.wait_dma2 semaphore(%run_scoped3A : memref<!tpu.dma_semaphore, #tpu.memory_space<semaphore_mem>>) src(%arg6 : memref<128xi32, #tpu.memory_space<vmem>>) dst(%dma_wait3A_42 : memref<128xi32, #tpu.memory_space<hbm>>)
      tpu.yield
    }) : () -> ()
    %add3A_30 = arith.constant 1 : i32
    %add3A_31 = arith.addi %scan3A_26#1, %add3A_30 : i32
    %broadcast_in_dim3A_32 = vector.broadcast %add3A_31 : i32 to vector<16xi32>
    %swap3A_33 = arith.constant 0 : index
    %swap3A_34 = tpu.vector_load %arg7[%swap3A_33] {strides = array<i32>} : memref<16xi32, #tpu.memory_space<vmem>>, vector<16xi32>,
    tpu.vector_store %arg7[%swap3A_33], %broadcast_in_dim3A_32 {strides = array<i32>} : memref<16xi32, #tpu.memory_space<vmem>>, vector<16xi32>,
    %mul3A_35 = arith.constant 8 : i32
    %mul3A_36 = arith.muli %add3A, %mul3A_35 : i32
    "tpu.region"() ({
      %run_scoped3A = tpu.sem_alloc : memref<!tpu.dma_semaphore, #tpu.memory_space<semaphore_mem>>
      %dma_start3A = arith.constant 0 : i32
      %dma_start3A_37 = tpu.memref_slice %arg7[%dma_start3A] : memref<16xi32, #tpu.memory_space<vmem>> -> memref<8xi32, #tpu.memory_space<vmem>>
      %dma_start3A_38 = tpu.memref_slice %arg4[%mul3A_36] : memref<256xi32, #tpu.memory_space<hbm>> -> memref<8xi32, #tpu.memory_space<hbm>>
      %dma_start3A_39 = tpu.memref_slice %arg4[%mul3A_36] : memref<256xi32, #tpu.memory_space<hbm>> -> memref<8xi32, #tpu.memory_space<hbm>>
      %dma_start3A_40 = arith.constant 0 : i32
      %dma_start3A_41 = tpu.memref_slice %arg7[%dma_start3A_40] : memref<16xi32, #tpu.memory_space<vmem>> -> memref<8xi32, #tpu.memory_space<vmem>>
      tpu.enqueue_dma source(%dma_start3A_41 : memref<8xi32, #tpu.memory_space<vmem>>) target(%dma_start3A_39 : memref<8xi32, #tpu.memory_space<hbm>>) target_semaphore(%run_scoped3A : memref<!tpu.dma_semaphore, #tpu.memory_space<semaphore_mem>>)
      %dma_wait3A = arith.constant 0 : i32
      %dma_wait3A_42 = tpu.memref_slice %arg7[%dma_wait3A] : memref<16xi32, #tpu.memory_space<vmem>> -> memref<8xi32, #tpu.memory_space<vmem>>
      %dma_wait3A_43 = tpu.memref_slice %arg4[%mul3A_36] : memref<256xi32, #tpu.memory_space<hbm>> -> memref<8xi32, #tpu.memory_space<hbm>>
      %dma_wait3A_44 = tpu.memref_slice %arg4[%mul3A_36] : memref<256xi32, #tpu.memory_space<hbm>> -> memref<8xi32, #tpu.memory_space<hbm>>
      %dma_wait3A_45 = arith.constant 0 : i32
      %dma_wait3A_46 = tpu.memref_slice %arg7[%dma_wait3A_45] : memref<16xi32, #tpu.memory_space<vmem>> -> memref<8xi32, #tpu.memory_space<vmem>>
      tpu.wait_dma2 semaphore(%run_scoped3A : memref<!tpu.dma_semaphore, #tpu.memory_space<semaphore_mem>>) src(%dma_wait3A_46 : memref<8xi32, #tpu.memory_space<vmem>>) dst(%dma_wait3A_44 : memref<8xi32, #tpu.memory_space<hbm>>)
      tpu.yield
    }) : () -> ()
    return
  }
}

#map = affine_map<(d0, d1) -> (0, 0)>
#map1 = affine_map<(d0, d1) -> (0)>
module attributes {stable_mosaic.version = 14 : i64} {
  func.func @_scatter_body(%arg0: i32, %arg1: i32, %arg2: memref<320000x128xf32, #tpu.memory_space<hbm>>, %arg3: memref<32x320000xi32, #tpu.memory_space<hbm>>, %arg4: memref<256xi32, #tpu.memory_space<hbm>>, %arg5: memref<10240x128xf32, #tpu.memory_space<hbm>>, %arg6: memref<321x128xf32, #tpu.memory_space<vmem>>, %arg7: memref<128x128xf32, #tpu.memory_space<vmem>>, %arg8: memref<128xi32, #tpu.memory_space<vmem>>, %arg9: memref<144xi32, #tpu.memory_space<vmem>>, %arg10: memref<128xi32, #tpu.memory_space<vmem>>, %arg11: memref<16xi32, #tpu.memory_space<vmem>>, %arg12: memref<!tpu.dma_semaphore, #tpu.memory_space<semaphore_mem>>) attributes {dimension_semantics = [#tpu.dimension_semantics<core_parallel>, #tpu.dimension_semantics<subcore_parallel>], iteration_bounds = array<i64: 2, 16>, scalar_prefetch = 0 : i64, scratch_operands = 7 : i64, tpu.core_type = #tpu.core_type<sc_vector_subcore>, window_params = [{transform_indices = #map}, {transform_indices = #map}, {transform_indices = #map1}, {transform_indices = #map}]} {
    %mul3A = arith.constant 2 : i32
    %mul3A_0 = arith.muli %arg1, %mul3A : i32
    %add3A = arith.addi %mul3A_0, %arg0 : i32
    %broadcast_in_dim3A = arith.constant 0xFF800000 : f32
    %broadcast_in_dim3A_1 = vector.broadcast %broadcast_in_dim3A : f32 to vector<16xf32>
    %scan3A = arith.constant 0 : i32
    %scan3A_2 = arith.constant 0 : i32
    %scan3A_3 = arith.constant 321 : i32
    %scan3A_4 = arith.addi %scan3A_2, %scan3A_3 : i32
    %scan3A_5 = arith.constant 1 : i32
    scf.for %scan3A_27 = %scan3A_2 to %scan3A_4 step %scan3A_5  : i32 {
      %swap3A = arith.index_cast %scan3A_27 : i32 to index
      %swap3A_28 = arith.constant 0 : index
      %swap3A_29 = tpu.vector_load %arg6[%swap3A, %swap3A_28] {strides = array<i32>} : memref<321x128xf32, #tpu.memory_space<vmem>>, vector<16xf32>,
      tpu.vector_store %arg6[%swap3A, %swap3A_28], %broadcast_in_dim3A_1 {strides = array<i32>} : memref<321x128xf32, #tpu.memory_space<vmem>>, vector<16xf32>,
      %swap3A_30 = arith.index_cast %scan3A_27 : i32 to index
      %swap3A_31 = arith.constant 16 : index
      %swap3A_32 = tpu.vector_load %arg6[%swap3A_30, %swap3A_31] {strides = array<i32>} : memref<321x128xf32, #tpu.memory_space<vmem>>, vector<16xf32>,
      tpu.vector_store %arg6[%swap3A_30, %swap3A_31], %broadcast_in_dim3A_1 {strides = array<i32>} : memref<321x128xf32, #tpu.memory_space<vmem>>, vector<16xf32>,
      %swap3A_33 = arith.index_cast %scan3A_27 : i32 to index
      %swap3A_34 = arith.constant 32 : index
      %swap3A_35 = tpu.vector_load %arg6[%swap3A_33, %swap3A_34] {strides = array<i32>} : memref<321x128xf32, #tpu.memory_space<vmem>>, vector<16xf32>,
      tpu.vector_store %arg6[%swap3A_33, %swap3A_34], %broadcast_in_dim3A_1 {strides = array<i32>} : memref<321x128xf32, #tpu.memory_space<vmem>>, vector<16xf32>,
      %swap3A_36 = arith.index_cast %scan3A_27 : i32 to index
      %swap3A_37 = arith.constant 48 : index
      %swap3A_38 = tpu.vector_load %arg6[%swap3A_36, %swap3A_37] {strides = array<i32>} : memref<321x128xf32, #tpu.memory_space<vmem>>, vector<16xf32>,
      tpu.vector_store %arg6[%swap3A_36, %swap3A_37], %broadcast_in_dim3A_1 {strides = array<i32>} : memref<321x128xf32, #tpu.memory_space<vmem>>, vector<16xf32>,
      %swap3A_39 = arith.index_cast %scan3A_27 : i32 to index
      %swap3A_40 = arith.constant 64 : index
      %swap3A_41 = tpu.vector_load %arg6[%swap3A_39, %swap3A_40] {strides = array<i32>} : memref<321x128xf32, #tpu.memory_space<vmem>>, vector<16xf32>,
      tpu.vector_store %arg6[%swap3A_39, %swap3A_40], %broadcast_in_dim3A_1 {strides = array<i32>} : memref<321x128xf32, #tpu.memory_space<vmem>>, vector<16xf32>,
      %swap3A_42 = arith.index_cast %scan3A_27 : i32 to index
      %swap3A_43 = arith.constant 80 : index
      %swap3A_44 = tpu.vector_load %arg6[%swap3A_42, %swap3A_43] {strides = array<i32>} : memref<321x128xf32, #tpu.memory_space<vmem>>, vector<16xf32>,
      tpu.vector_store %arg6[%swap3A_42, %swap3A_43], %broadcast_in_dim3A_1 {strides = array<i32>} : memref<321x128xf32, #tpu.memory_space<vmem>>, vector<16xf32>,
      %swap3A_45 = arith.index_cast %scan3A_27 : i32 to index
      %swap3A_46 = arith.constant 96 : index
      %swap3A_47 = tpu.vector_load %arg6[%swap3A_45, %swap3A_46] {strides = array<i32>} : memref<321x128xf32, #tpu.memory_space<vmem>>, vector<16xf32>,
      tpu.vector_store %arg6[%swap3A_45, %swap3A_46], %broadcast_in_dim3A_1 {strides = array<i32>} : memref<321x128xf32, #tpu.memory_space<vmem>>, vector<16xf32>,
      %swap3A_48 = arith.index_cast %scan3A_27 : i32 to index
      %swap3A_49 = arith.constant 112 : index
      %swap3A_50 = tpu.vector_load %arg6[%swap3A_48, %swap3A_49] {strides = array<i32>} : memref<321x128xf32, #tpu.memory_space<vmem>>, vector<16xf32>,
      tpu.vector_store %arg6[%swap3A_48, %swap3A_49], %broadcast_in_dim3A_1 {strides = array<i32>} : memref<321x128xf32, #tpu.memory_space<vmem>>, vector<16xf32>,
    }
    %scan3A_6 = arith.constant 321 : i32
    %mul3A_7 = arith.constant 8 : i32
    %mul3A_8 = arith.muli %add3A, %mul3A_7 : i32
    "tpu.region"() ({
      %run_scoped3A = tpu.sem_alloc : memref<!tpu.dma_semaphore, #tpu.memory_space<semaphore_mem>>
      %dma_start3A = arith.constant 0 : i32
      %dma_start3A_27 = tpu.memref_slice %arg11[%dma_start3A] : memref<16xi32, #tpu.memory_space<vmem>> -> memref<8xi32, #tpu.memory_space<vmem>>
      %dma_start3A_28 = tpu.memref_slice %arg4[%mul3A_8] : memref<256xi32, #tpu.memory_space<hbm>> -> memref<8xi32, #tpu.memory_space<hbm>>
      %dma_start3A_29 = arith.constant 0 : i32
      %dma_start3A_30 = tpu.memref_slice %arg11[%dma_start3A_29] : memref<16xi32, #tpu.memory_space<vmem>> -> memref<8xi32, #tpu.memory_space<vmem>>
      %dma_start3A_31 = tpu.memref_slice %arg4[%mul3A_8] : memref<256xi32, #tpu.memory_space<hbm>> -> memref<8xi32, #tpu.memory_space<hbm>>
      tpu.enqueue_dma source(%dma_start3A_31 : memref<8xi32, #tpu.memory_space<hbm>>) target(%dma_start3A_30 : memref<8xi32, #tpu.memory_space<vmem>>) target_semaphore(%run_scoped3A : memref<!tpu.dma_semaphore, #tpu.memory_space<semaphore_mem>>)
      %dma_wait3A = arith.constant 0 : i32
      %dma_wait3A_32 = tpu.memref_slice %arg11[%dma_wait3A] : memref<16xi32, #tpu.memory_space<vmem>> -> memref<8xi32, #tpu.memory_space<vmem>>
      %dma_wait3A_33 = tpu.memref_slice %arg4[%mul3A_8] : memref<256xi32, #tpu.memory_space<hbm>> -> memref<8xi32, #tpu.memory_space<hbm>>
      %dma_wait3A_34 = arith.constant 0 : i32
      %dma_wait3A_35 = tpu.memref_slice %arg11[%dma_wait3A_34] : memref<16xi32, #tpu.memory_space<vmem>> -> memref<8xi32, #tpu.memory_space<vmem>>
      %dma_wait3A_36 = tpu.memref_slice %arg4[%mul3A_8] : memref<256xi32, #tpu.memory_space<hbm>> -> memref<8xi32, #tpu.memory_space<hbm>>
      tpu.wait_dma2 semaphore(%run_scoped3A : memref<!tpu.dma_semaphore, #tpu.memory_space<semaphore_mem>>) src(%dma_wait3A_36 : memref<8xi32, #tpu.memory_space<hbm>>) dst(%dma_wait3A_35 : memref<8xi32, #tpu.memory_space<vmem>>)
      tpu.yield
    }) : () -> ()
    %get3A = arith.constant 0 : index
    %get3A_9 = tpu.vector_load %arg11[%get3A] {strides = array<i32>} : memref<16xi32, #tpu.memory_space<vmem>>, vector<16xi32>,
    %slice3A = vector.extract_strided_slice %get3A_9 {offsets = [0], sizes = [1], strides = [1]} : vector<16xi32> to vector<1xi32>
    %squeeze3A = vector.extract %slice3A[0] : i32 from vector<1xi32>
    %while3A = arith.constant 0 : i32
    %while3A_10 = arith.constant 0 : i32
    %while3A_11 = arith.subi %squeeze3A, %while3A_10 : i32
    %while3A_12 = arith.addi %while3A_10, %while3A_11 : i32
    %while3A_13 = arith.constant 1 : i32
    %while3A_14 = arith.divsi %while3A_11, %while3A_13 : i32
    %while3A_15 = arith.muli %while3A_14, %while3A_13 : i32
    %while3A_16 = arith.addi %while3A_10, %while3A_15 : i32
    %while3A_17 = arith.constant 1 : i32
    scf.for %while3A_27 = %while3A_10 to %while3A_16 step %while3A_17  : i32 {
      %mul3A_28 = arith.constant 128 : i32
      %mul3A_29 = arith.muli %while3A_27, %mul3A_28 : i32
      "tpu.region"() ({
        %run_scoped3A = tpu.sem_alloc : memref<!tpu.dma_semaphore, #tpu.memory_space<semaphore_mem>>
        %dma_start3A_133 = tpu.memref_slice %arg3[%add3A, %mul3A_29] : memref<32x320000xi32, #tpu.memory_space<hbm>> -> memref<1x128xi32, #tpu.memory_space<hbm>>
        %dma_start3A_134 = tpu.memref_squeeze %dma_start3A_133 : memref<1x128xi32, #tpu.memory_space<hbm>> -> memref<128xi32, #tpu.memory_space<hbm>>
        %dma_start3A_135 = tpu.memref_slice %arg3[%add3A, %mul3A_29] : memref<32x320000xi32, #tpu.memory_space<hbm>> -> memref<1x128xi32, #tpu.memory_space<hbm>>
        %dma_start3A_136 = tpu.memref_squeeze %dma_start3A_135 : memref<1x128xi32, #tpu.memory_space<hbm>> -> memref<128xi32, #tpu.memory_space<hbm>>
        tpu.enqueue_dma source(%dma_start3A_136 : memref<128xi32, #tpu.memory_space<hbm>>) target(%arg10 : memref<128xi32, #tpu.memory_space<vmem>>) target_semaphore(%run_scoped3A : memref<!tpu.dma_semaphore, #tpu.memory_space<semaphore_mem>>)
        %dma_wait3A_137 = tpu.memref_slice %arg3[%add3A, %mul3A_29] : memref<32x320000xi32, #tpu.memory_space<hbm>> -> memref<1x128xi32, #tpu.memory_space<hbm>>
        %dma_wait3A_138 = tpu.memref_squeeze %dma_wait3A_137 : memref<1x128xi32, #tpu.memory_space<hbm>> -> memref<128xi32, #tpu.memory_space<hbm>>
        %dma_wait3A_139 = tpu.memref_slice %arg3[%add3A, %mul3A_29] : memref<32x320000xi32, #tpu.memory_space<hbm>> -> memref<1x128xi32, #tpu.memory_space<hbm>>
        %dma_wait3A_140 = tpu.memref_squeeze %dma_wait3A_139 : memref<1x128xi32, #tpu.memory_space<hbm>> -> memref<128xi32, #tpu.memory_space<hbm>>
        tpu.wait_dma2 semaphore(%run_scoped3A : memref<!tpu.dma_semaphore, #tpu.memory_space<semaphore_mem>>) src(%dma_wait3A_140 : memref<128xi32, #tpu.memory_space<hbm>>) dst(%arg10 : memref<128xi32, #tpu.memory_space<vmem>>)
        tpu.yield
      }) : () -> ()
      %get3A_30 = arith.constant 0 : index
      %get3A_31 = tpu.vector_load %arg10[%get3A_30] {strides = array<i32>} : memref<128xi32, #tpu.memory_space<vmem>>, vector<16xi32>,
      %shift_right_arithmetic3A = arith.constant 9 : i32
      %shift_right_arithmetic3A_32 = vector.broadcast %shift_right_arithmetic3A : i32 to vector<16xi32>
      %shift_right_arithmetic3A_33 = arith.shrsi %get3A_31, %shift_right_arithmetic3A_32 : vector<16xi32>
      %swap3A = arith.constant 0 : index
      %swap3A_34 = tpu.vector_load %arg8[%swap3A] {strides = array<i32>} : memref<128xi32, #tpu.memory_space<vmem>>, vector<16xi32>,
      tpu.vector_store %arg8[%swap3A], %shift_right_arithmetic3A_33 {strides = array<i32>} : memref<128xi32, #tpu.memory_space<vmem>>, vector<16xi32>,
      %and3A = arith.constant 511 : i32
      %and3A_35 = vector.broadcast %and3A : i32 to vector<16xi32>
      %and3A_36 = arith.andi %get3A_31, %and3A_35 : vector<16xi32>
      %swap3A_37 = arith.constant 0 : index
      %swap3A_38 = tpu.vector_load %arg9[%swap3A_37] {strides = array<i32>} : memref<144xi32, #tpu.memory_space<vmem>>, vector<16xi32>,
      tpu.vector_store %arg9[%swap3A_37], %and3A_36 {strides = array<i32>} : memref<144xi32, #tpu.memory_space<vmem>>, vector<16xi32>,
      %get3A_39 = arith.constant 16 : index
      %get3A_40 = tpu.vector_load %arg10[%get3A_39] {strides = array<i32>} : memref<128xi32, #tpu.memory_space<vmem>>, vector<16xi32>,
      %shift_right_arithmetic3A_41 = arith.constant 9 : i32
      %shift_right_arithmetic3A_42 = vector.broadcast %shift_right_arithmetic3A_41 : i32 to vector<16xi32>
      %shift_right_arithmetic3A_43 = arith.shrsi %get3A_40, %shift_right_arithmetic3A_42 : vector<16xi32>
      %swap3A_44 = arith.constant 16 : index
      %swap3A_45 = tpu.vector_load %arg8[%swap3A_44] {strides = array<i32>} : memref<128xi32, #tpu.memory_space<vmem>>, vector<16xi32>,
      tpu.vector_store %arg8[%swap3A_44], %shift_right_arithmetic3A_43 {strides = array<i32>} : memref<128xi32, #tpu.memory_space<vmem>>, vector<16xi32>,
      %and3A_46 = arith.constant 511 : i32
      %and3A_47 = vector.broadcast %and3A_46 : i32 to vector<16xi32>
      %and3A_48 = arith.andi %get3A_40, %and3A_47 : vector<16xi32>
      %swap3A_49 = arith.constant 16 : index
      %swap3A_50 = tpu.vector_load %arg9[%swap3A_49] {strides = array<i32>} : memref<144xi32, #tpu.memory_space<vmem>>, vector<16xi32>,
      tpu.vector_store %arg9[%swap3A_49], %and3A_48 {strides = array<i32>} : memref<144xi32, #tpu.memory_space<vmem>>, vector<16xi32>,
      %get3A_51 = arith.constant 32 : index
      %get3A_52 = tpu.vector_load %arg10[%get3A_51] {strides = array<i32>} : memref<128xi32, #tpu.memory_space<vmem>>, vector<16xi32>,
      %shift_right_arithmetic3A_53 = arith.constant 9 : i32
      %shift_right_arithmetic3A_54 = vector.broadcast %shift_right_arithmetic3A_53 : i32 to vector<16xi32>
      %shift_right_arithmetic3A_55 = arith.shrsi %get3A_52, %shift_right_arithmetic3A_54 : vector<16xi32>
      %swap3A_56 = arith.constant 32 : index
      %swap3A_57 = tpu.vector_load %arg8[%swap3A_56] {strides = array<i32>} : memref<128xi32, #tpu.memory_space<vmem>>, vector<16xi32>,
      tpu.vector_store %arg8[%swap3A_56], %shift_right_arithmetic3A_55 {strides = array<i32>} : memref<128xi32, #tpu.memory_space<vmem>>, vector<16xi32>,
      %and3A_58 = arith.constant 511 : i32
      %and3A_59 = vector.broadcast %and3A_58 : i32 to vector<16xi32>
      %and3A_60 = arith.andi %get3A_52, %and3A_59 : vector<16xi32>
      %swap3A_61 = arith.constant 32 : index
      %swap3A_62 = tpu.vector_load %arg9[%swap3A_61] {strides = array<i32>} : memref<144xi32, #tpu.memory_space<vmem>>, vector<16xi32>,
      tpu.vector_store %arg9[%swap3A_61], %and3A_60 {strides = array<i32>} : memref<144xi32, #tpu.memory_space<vmem>>, vector<16xi32>,
      %get3A_63 = arith.constant 48 : index
      %get3A_64 = tpu.vector_load %arg10[%get3A_63] {strides = array<i32>} : memref<128xi32, #tpu.memory_space<vmem>>, vector<16xi32>,
      %shift_right_arithmetic3A_65 = arith.constant 9 : i32
      %shift_right_arithmetic3A_66 = vector.broadcast %shift_right_arithmetic3A_65 : i32 to vector<16xi32>
      %shift_right_arithmetic3A_67 = arith.shrsi %get3A_64, %shift_right_arithmetic3A_66 : vector<16xi32>
      %swap3A_68 = arith.constant 48 : index
      %swap3A_69 = tpu.vector_load %arg8[%swap3A_68] {strides = array<i32>} : memref<128xi32, #tpu.memory_space<vmem>>, vector<16xi32>,
      tpu.vector_store %arg8[%swap3A_68], %shift_right_arithmetic3A_67 {strides = array<i32>} : memref<128xi32, #tpu.memory_space<vmem>>, vector<16xi32>,
      %and3A_70 = arith.constant 511 : i32
      %and3A_71 = vector.broadcast %and3A_70 : i32 to vector<16xi32>
      %and3A_72 = arith.andi %get3A_64, %and3A_71 : vector<16xi32>
      %swap3A_73 = arith.constant 48 : index
      %swap3A_74 = tpu.vector_load %arg9[%swap3A_73] {strides = array<i32>} : memref<144xi32, #tpu.memory_space<vmem>>, vector<16xi32>,
      tpu.vector_store %arg9[%swap3A_73], %and3A_72 {strides = array<i32>} : memref<144xi32, #tpu.memory_space<vmem>>, vector<16xi32>,
      %get3A_75 = arith.constant 64 : index
      %get3A_76 = tpu.vector_load %arg10[%get3A_75] {strides = array<i32>} : memref<128xi32, #tpu.memory_space<vmem>>, vector<16xi32>,
      %shift_right_arithmetic3A_77 = arith.constant 9 : i32
      %shift_right_arithmetic3A_78 = vector.broadcast %shift_right_arithmetic3A_77 : i32 to vector<16xi32>
      %shift_right_arithmetic3A_79 = arith.shrsi %get3A_76, %shift_right_arithmetic3A_78 : vector<16xi32>
      %swap3A_80 = arith.constant 64 : index
      %swap3A_81 = tpu.vector_load %arg8[%swap3A_80] {strides = array<i32>} : memref<128xi32, #tpu.memory_space<vmem>>, vector<16xi32>,
      tpu.vector_store %arg8[%swap3A_80], %shift_right_arithmetic3A_79 {strides = array<i32>} : memref<128xi32, #tpu.memory_space<vmem>>, vector<16xi32>,
      %and3A_82 = arith.constant 511 : i32
      %and3A_83 = vector.broadcast %and3A_82 : i32 to vector<16xi32>
      %and3A_84 = arith.andi %get3A_76, %and3A_83 : vector<16xi32>
      %swap3A_85 = arith.constant 64 : index
      %swap3A_86 = tpu.vector_load %arg9[%swap3A_85] {strides = array<i32>} : memref<144xi32, #tpu.memory_space<vmem>>, vector<16xi32>,
      tpu.vector_store %arg9[%swap3A_85], %and3A_84 {strides = array<i32>} : memref<144xi32, #tpu.memory_space<vmem>>, vector<16xi32>,
      %get3A_87 = arith.constant 80 : index
      %get3A_88 = tpu.vector_load %arg10[%get3A_87] {strides = array<i32>} : memref<128xi32, #tpu.memory_space<vmem>>, vector<16xi32>,
      %shift_right_arithmetic3A_89 = arith.constant 9 : i32
      %shift_right_arithmetic3A_90 = vector.broadcast %shift_right_arithmetic3A_89 : i32 to vector<16xi32>
      %shift_right_arithmetic3A_91 = arith.shrsi %get3A_88, %shift_right_arithmetic3A_90 : vector<16xi32>
      %swap3A_92 = arith.constant 80 : index
      %swap3A_93 = tpu.vector_load %arg8[%swap3A_92] {strides = array<i32>} : memref<128xi32, #tpu.memory_space<vmem>>, vector<16xi32>,
      tpu.vector_store %arg8[%swap3A_92], %shift_right_arithmetic3A_91 {strides = array<i32>} : memref<128xi32, #tpu.memory_space<vmem>>, vector<16xi32>,
      %and3A_94 = arith.constant 511 : i32
      %and3A_95 = vector.broadcast %and3A_94 : i32 to vector<16xi32>
      %and3A_96 = arith.andi %get3A_88, %and3A_95 : vector<16xi32>
      %swap3A_97 = arith.constant 80 : index
      %swap3A_98 = tpu.vector_load %arg9[%swap3A_97] {strides = array<i32>} : memref<144xi32, #tpu.memory_space<vmem>>, vector<16xi32>,
      tpu.vector_store %arg9[%swap3A_97], %and3A_96 {strides = array<i32>} : memref<144xi32, #tpu.memory_space<vmem>>, vector<16xi32>,
      %get3A_99 = arith.constant 96 : index
      %get3A_100 = tpu.vector_load %arg10[%get3A_99] {strides = array<i32>} : memref<128xi32, #tpu.memory_space<vmem>>, vector<16xi32>,
      %shift_right_arithmetic3A_101 = arith.constant 9 : i32
      %shift_right_arithmetic3A_102 = vector.broadcast %shift_right_arithmetic3A_101 : i32 to vector<16xi32>
      %shift_right_arithmetic3A_103 = arith.shrsi %get3A_100, %shift_right_arithmetic3A_102 : vector<16xi32>
      %swap3A_104 = arith.constant 96 : index
      %swap3A_105 = tpu.vector_load %arg8[%swap3A_104] {strides = array<i32>} : memref<128xi32, #tpu.memory_space<vmem>>, vector<16xi32>,
      tpu.vector_store %arg8[%swap3A_104], %shift_right_arithmetic3A_103 {strides = array<i32>} : memref<128xi32, #tpu.memory_space<vmem>>, vector<16xi32>,
      %and3A_106 = arith.constant 511 : i32
      %and3A_107 = vector.broadcast %and3A_106 : i32 to vector<16xi32>
      %and3A_108 = arith.andi %get3A_100, %and3A_107 : vector<16xi32>
      %swap3A_109 = arith.constant 96 : index
      %swap3A_110 = tpu.vector_load %arg9[%swap3A_109] {strides = array<i32>} : memref<144xi32, #tpu.memory_space<vmem>>, vector<16xi32>,
      tpu.vector_store %arg9[%swap3A_109], %and3A_108 {strides = array<i32>} : memref<144xi32, #tpu.memory_space<vmem>>, vector<16xi32>,
      %get3A_111 = arith.constant 112 : index
      %get3A_112 = tpu.vector_load %arg10[%get3A_111] {strides = array<i32>} : memref<128xi32, #tpu.memory_space<vmem>>, vector<16xi32>,
      %shift_right_arithmetic3A_113 = arith.constant 9 : i32
      %shift_right_arithmetic3A_114 = vector.broadcast %shift_right_arithmetic3A_113 : i32 to vector<16xi32>
      %shift_right_arithmetic3A_115 = arith.shrsi %get3A_112, %shift_right_arithmetic3A_114 : vector<16xi32>
      %swap3A_116 = arith.constant 112 : index
      %swap3A_117 = tpu.vector_load %arg8[%swap3A_116] {strides = array<i32>} : memref<128xi32, #tpu.memory_space<vmem>>, vector<16xi32>,
      tpu.vector_store %arg8[%swap3A_116], %shift_right_arithmetic3A_115 {strides = array<i32>} : memref<128xi32, #tpu.memory_space<vmem>>, vector<16xi32>,
      %and3A_118 = arith.constant 511 : i32
      %and3A_119 = vector.broadcast %and3A_118 : i32 to vector<16xi32>
      %and3A_120 = arith.andi %get3A_112, %and3A_119 : vector<16xi32>
      %swap3A_121 = arith.constant 112 : index
      %swap3A_122 = tpu.vector_load %arg9[%swap3A_121] {strides = array<i32>} : memref<144xi32, #tpu.memory_space<vmem>>, vector<16xi32>,
      tpu.vector_store %arg9[%swap3A_121], %and3A_120 {strides = array<i32>} : memref<144xi32, #tpu.memory_space<vmem>>, vector<16xi32>,
      %dma_start3A = arith.constant 0 : i32
      %dma_start3A_123 = arith.constant 0 : i32
      %dma_start3A_124 = tpu.memref_slice %arg2[%dma_start3A, %dma_start3A_123] : memref<320000x128xf32, #tpu.memory_space<hbm>> -> memref<320000x128xf32, #tpu.memory_space<hbm>>
      tpu.enqueue_indirect_dma source(%dma_start3A_124 : memref<320000x128xf32, #tpu.memory_space<hbm>>) target(%arg7 : memref<128x128xf32, #tpu.memory_space<vmem>>) offsets(%arg8 : memref<128xi32, #tpu.memory_space<vmem>>) semaphore(%arg12 : memref<!tpu.dma_semaphore, #tpu.memory_space<semaphore_mem>>)
      %dma_wait3A = arith.constant 0 : i32
      %dma_wait3A_125 = arith.constant 0 : i32
      %dma_wait3A_126 = tpu.memref_slice %arg2[%dma_wait3A, %dma_wait3A_125] : memref<320000x128xf32, #tpu.memory_space<hbm>> -> memref<320000x128xf32, #tpu.memory_space<hbm>>
      tpu.wait_indirect_dma semaphore(%arg12 : memref<!tpu.dma_semaphore, #tpu.memory_space<semaphore_mem>>) src(%dma_wait3A_126 : memref<320000x128xf32, #tpu.memory_space<hbm>>) dst(%arg7 : memref<128x128xf32, #tpu.memory_space<vmem>>)
      %scan3A_127 = arith.constant 0 : i32
      %scan3A_128 = arith.constant 0 : i32
      %scan3A_129 = arith.constant 128 : i32
      %scan3A_130 = arith.addi %scan3A_128, %scan3A_129 : i32
      %scan3A_131 = arith.constant 1 : i32
      scf.for %scan3A_133 = %scan3A_128 to %scan3A_130 step %scan3A_131  : i32 {
        %get3A_134 = arith.index_cast %scan3A_133 : i32 to index
        %get3A_135 = tpu.vector_load %arg9[%get3A_134] {strides = array<i32>} : memref<144xi32, #tpu.memory_space<vmem>>, vector<16xi32>,
        %slice3A_136 = vector.extract_strided_slice %get3A_135 {offsets = [0], sizes = [1], strides = [1]} : vector<16xi32> to vector<1xi32>
        %squeeze3A_137 = vector.extract %slice3A_136[0] : i32 from vector<1xi32>
        %get3A_138 = arith.index_cast %squeeze3A_137 : i32 to index
        %get3A_139 = arith.constant 0 : index
        %get3A_140 = tpu.vector_load %arg6[%get3A_138, %get3A_139] {strides = array<i32>} : memref<321x128xf32, #tpu.memory_space<vmem>>, vector<16xf32>,
        %get3A_141 = arith.index_cast %scan3A_133 : i32 to index
        %get3A_142 = arith.constant 0 : index
        %get3A_143 = tpu.vector_load %arg7[%get3A_141, %get3A_142] {strides = array<i32>} : memref<128x128xf32, #tpu.memory_space<vmem>>, vector<16xf32>,
        %max3A = arith.maximumf %get3A_140, %get3A_143 : vector<16xf32>
        %swap3A_144 = arith.index_cast %squeeze3A_137 : i32 to index
        %swap3A_145 = arith.constant 0 : index
        %swap3A_146 = tpu.vector_load %arg6[%swap3A_144, %swap3A_145] {strides = array<i32>} : memref<321x128xf32, #tpu.memory_space<vmem>>, vector<16xf32>,
        tpu.vector_store %arg6[%swap3A_144, %swap3A_145], %max3A {strides = array<i32>} : memref<321x128xf32, #tpu.memory_space<vmem>>, vector<16xf32>,
        %get3A_147 = arith.index_cast %squeeze3A_137 : i32 to index
        %get3A_148 = arith.constant 16 : index
        %get3A_149 = tpu.vector_load %arg6[%get3A_147, %get3A_148] {strides = array<i32>} : memref<321x128xf32, #tpu.memory_space<vmem>>, vector<16xf32>,
        %get3A_150 = arith.index_cast %scan3A_133 : i32 to index
        %get3A_151 = arith.constant 16 : index
        %get3A_152 = tpu.vector_load %arg7[%get3A_150, %get3A_151] {strides = array<i32>} : memref<128x128xf32, #tpu.memory_space<vmem>>, vector<16xf32>,
        %max3A_153 = arith.maximumf %get3A_149, %get3A_152 : vector<16xf32>
        %swap3A_154 = arith.index_cast %squeeze3A_137 : i32 to index
        %swap3A_155 = arith.constant 16 : index
        %swap3A_156 = tpu.vector_load %arg6[%swap3A_154, %swap3A_155] {strides = array<i32>} : memref<321x128xf32, #tpu.memory_space<vmem>>, vector<16xf32>,
        tpu.vector_store %arg6[%swap3A_154, %swap3A_155], %max3A_153 {strides = array<i32>} : memref<321x128xf32, #tpu.memory_space<vmem>>, vector<16xf32>,
        %get3A_157 = arith.index_cast %squeeze3A_137 : i32 to index
        %get3A_158 = arith.constant 32 : index
        %get3A_159 = tpu.vector_load %arg6[%get3A_157, %get3A_158] {strides = array<i32>} : memref<321x128xf32, #tpu.memory_space<vmem>>, vector<16xf32>,
        %get3A_160 = arith.index_cast %scan3A_133 : i32 to index
        %get3A_161 = arith.constant 32 : index
        %get3A_162 = tpu.vector_load %arg7[%get3A_160, %get3A_161] {strides = array<i32>} : memref<128x128xf32, #tpu.memory_space<vmem>>, vector<16xf32>,
        %max3A_163 = arith.maximumf %get3A_159, %get3A_162 : vector<16xf32>
        %swap3A_164 = arith.index_cast %squeeze3A_137 : i32 to index
        %swap3A_165 = arith.constant 32 : index
        %swap3A_166 = tpu.vector_load %arg6[%swap3A_164, %swap3A_165] {strides = array<i32>} : memref<321x128xf32, #tpu.memory_space<vmem>>, vector<16xf32>,
        tpu.vector_store %arg6[%swap3A_164, %swap3A_165], %max3A_163 {strides = array<i32>} : memref<321x128xf32, #tpu.memory_space<vmem>>, vector<16xf32>,
        %get3A_167 = arith.index_cast %squeeze3A_137 : i32 to index
        %get3A_168 = arith.constant 48 : index
        %get3A_169 = tpu.vector_load %arg6[%get3A_167, %get3A_168] {strides = array<i32>} : memref<321x128xf32, #tpu.memory_space<vmem>>, vector<16xf32>,
        %get3A_170 = arith.index_cast %scan3A_133 : i32 to index
        %get3A_171 = arith.constant 48 : index
        %get3A_172 = tpu.vector_load %arg7[%get3A_170, %get3A_171] {strides = array<i32>} : memref<128x128xf32, #tpu.memory_space<vmem>>, vector<16xf32>,
        %max3A_173 = arith.maximumf %get3A_169, %get3A_172 : vector<16xf32>
        %swap3A_174 = arith.index_cast %squeeze3A_137 : i32 to index
        %swap3A_175 = arith.constant 48 : index
        %swap3A_176 = tpu.vector_load %arg6[%swap3A_174, %swap3A_175] {strides = array<i32>} : memref<321x128xf32, #tpu.memory_space<vmem>>, vector<16xf32>,
        tpu.vector_store %arg6[%swap3A_174, %swap3A_175], %max3A_173 {strides = array<i32>} : memref<321x128xf32, #tpu.memory_space<vmem>>, vector<16xf32>,
        %get3A_177 = arith.index_cast %squeeze3A_137 : i32 to index
        %get3A_178 = arith.constant 64 : index
        %get3A_179 = tpu.vector_load %arg6[%get3A_177, %get3A_178] {strides = array<i32>} : memref<321x128xf32, #tpu.memory_space<vmem>>, vector<16xf32>,
        %get3A_180 = arith.index_cast %scan3A_133 : i32 to index
        %get3A_181 = arith.constant 64 : index
        %get3A_182 = tpu.vector_load %arg7[%get3A_180, %get3A_181] {strides = array<i32>} : memref<128x128xf32, #tpu.memory_space<vmem>>, vector<16xf32>,
        %max3A_183 = arith.maximumf %get3A_179, %get3A_182 : vector<16xf32>
        %swap3A_184 = arith.index_cast %squeeze3A_137 : i32 to index
        %swap3A_185 = arith.constant 64 : index
        %swap3A_186 = tpu.vector_load %arg6[%swap3A_184, %swap3A_185] {strides = array<i32>} : memref<321x128xf32, #tpu.memory_space<vmem>>, vector<16xf32>,
        tpu.vector_store %arg6[%swap3A_184, %swap3A_185], %max3A_183 {strides = array<i32>} : memref<321x128xf32, #tpu.memory_space<vmem>>, vector<16xf32>,
        %get3A_187 = arith.index_cast %squeeze3A_137 : i32 to index
        %get3A_188 = arith.constant 80 : index
        %get3A_189 = tpu.vector_load %arg6[%get3A_187, %get3A_188] {strides = array<i32>} : memref<321x128xf32, #tpu.memory_space<vmem>>, vector<16xf32>,
        %get3A_190 = arith.index_cast %scan3A_133 : i32 to index
        %get3A_191 = arith.constant 80 : index
        %get3A_192 = tpu.vector_load %arg7[%get3A_190, %get3A_191] {strides = array<i32>} : memref<128x128xf32, #tpu.memory_space<vmem>>, vector<16xf32>,
        %max3A_193 = arith.maximumf %get3A_189, %get3A_192 : vector<16xf32>
        %swap3A_194 = arith.index_cast %squeeze3A_137 : i32 to index
        %swap3A_195 = arith.constant 80 : index
        %swap3A_196 = tpu.vector_load %arg6[%swap3A_194, %swap3A_195] {strides = array<i32>} : memref<321x128xf32, #tpu.memory_space<vmem>>, vector<16xf32>,
        tpu.vector_store %arg6[%swap3A_194, %swap3A_195], %max3A_193 {strides = array<i32>} : memref<321x128xf32, #tpu.memory_space<vmem>>, vector<16xf32>,
        %get3A_197 = arith.index_cast %squeeze3A_137 : i32 to index
        %get3A_198 = arith.constant 96 : index
        %get3A_199 = tpu.vector_load %arg6[%get3A_197, %get3A_198] {strides = array<i32>} : memref<321x128xf32, #tpu.memory_space<vmem>>, vector<16xf32>,
        %get3A_200 = arith.index_cast %scan3A_133 : i32 to index
        %get3A_201 = arith.constant 96 : index
        %get3A_202 = tpu.vector_load %arg7[%get3A_200, %get3A_201] {strides = array<i32>} : memref<128x128xf32, #tpu.memory_space<vmem>>, vector<16xf32>,
        %max3A_203 = arith.maximumf %get3A_199, %get3A_202 : vector<16xf32>
        %swap3A_204 = arith.index_cast %squeeze3A_137 : i32 to index
        %swap3A_205 = arith.constant 96 : index
        %swap3A_206 = tpu.vector_load %arg6[%swap3A_204, %swap3A_205] {strides = array<i32>} : memref<321x128xf32, #tpu.memory_space<vmem>>, vector<16xf32>,
        tpu.vector_store %arg6[%swap3A_204, %swap3A_205], %max3A_203 {strides = array<i32>} : memref<321x128xf32, #tpu.memory_space<vmem>>, vector<16xf32>,
        %get3A_207 = arith.index_cast %squeeze3A_137 : i32 to index
        %get3A_208 = arith.constant 112 : index
        %get3A_209 = tpu.vector_load %arg6[%get3A_207, %get3A_208] {strides = array<i32>} : memref<321x128xf32, #tpu.memory_space<vmem>>, vector<16xf32>,
        %get3A_210 = arith.index_cast %scan3A_133 : i32 to index
        %get3A_211 = arith.constant 112 : index
        %get3A_212 = tpu.vector_load %arg7[%get3A_210, %get3A_211] {strides = array<i32>} : memref<128x128xf32, #tpu.memory_space<vmem>>, vector<16xf32>,
        %max3A_213 = arith.maximumf %get3A_209, %get3A_212 : vector<16xf32>
        %swap3A_214 = arith.index_cast %squeeze3A_137 : i32 to index
        %swap3A_215 = arith.constant 112 : index
        %swap3A_216 = tpu.vector_load %arg6[%swap3A_214, %swap3A_215] {strides = array<i32>} : memref<321x128xf32, #tpu.memory_space<vmem>>, vector<16xf32>,
        tpu.vector_store %arg6[%swap3A_214, %swap3A_215], %max3A_213 {strides = array<i32>} : memref<321x128xf32, #tpu.memory_space<vmem>>, vector<16xf32>,
      }
      %scan3A_132 = arith.constant 128 : i32
    }
    %while3A_18 = arith.constant 1 : i32
    scf.for %while3A_27 = %while3A_16 to %while3A_12 step %while3A_18  : i32 {
      %mul3A_28 = arith.constant 128 : i32
      %mul3A_29 = arith.muli %while3A_27, %mul3A_28 : i32
      "tpu.region"() ({
        %run_scoped3A = tpu.sem_alloc : memref<!tpu.dma_semaphore, #tpu.memory_space<semaphore_mem>>
        %dma_start3A_133 = tpu.memref_slice %arg3[%add3A, %mul3A_29] : memref<32x320000xi32, #tpu.memory_space<hbm>> -> memref<1x128xi32, #tpu.memory_space<hbm>>
        %dma_start3A_134 = tpu.memref_squeeze %dma_start3A_133 : memref<1x128xi32, #tpu.memory_space<hbm>> -> memref<128xi32, #tpu.memory_space<hbm>>
        %dma_start3A_135 = tpu.memref_slice %arg3[%add3A, %mul3A_29] : memref<32x320000xi32, #tpu.memory_space<hbm>> -> memref<1x128xi32, #tpu.memory_space<hbm>>
        %dma_start3A_136 = tpu.memref_squeeze %dma_start3A_135 : memref<1x128xi32, #tpu.memory_space<hbm>> -> memref<128xi32, #tpu.memory_space<hbm>>
        tpu.enqueue_dma source(%dma_start3A_136 : memref<128xi32, #tpu.memory_space<hbm>>) target(%arg10 : memref<128xi32, #tpu.memory_space<vmem>>) target_semaphore(%run_scoped3A : memref<!tpu.dma_semaphore, #tpu.memory_space<semaphore_mem>>)
        %dma_wait3A_137 = tpu.memref_slice %arg3[%add3A, %mul3A_29] : memref<32x320000xi32, #tpu.memory_space<hbm>> -> memref<1x128xi32, #tpu.memory_space<hbm>>
        %dma_wait3A_138 = tpu.memref_squeeze %dma_wait3A_137 : memref<1x128xi32, #tpu.memory_space<hbm>> -> memref<128xi32, #tpu.memory_space<hbm>>
        %dma_wait3A_139 = tpu.memref_slice %arg3[%add3A, %mul3A_29] : memref<32x320000xi32, #tpu.memory_space<hbm>> -> memref<1x128xi32, #tpu.memory_space<hbm>>
        %dma_wait3A_140 = tpu.memref_squeeze %dma_wait3A_139 : memref<1x128xi32, #tpu.memory_space<hbm>> -> memref<128xi32, #tpu.memory_space<hbm>>
        tpu.wait_dma2 semaphore(%run_scoped3A : memref<!tpu.dma_semaphore, #tpu.memory_space<semaphore_mem>>) src(%dma_wait3A_140 : memref<128xi32, #tpu.memory_space<hbm>>) dst(%arg10 : memref<128xi32, #tpu.memory_space<vmem>>)
        tpu.yield
      }) : () -> ()
      %get3A_30 = arith.constant 0 : index
      %get3A_31 = tpu.vector_load %arg10[%get3A_30] {strides = array<i32>} : memref<128xi32, #tpu.memory_space<vmem>>, vector<16xi32>,
      %shift_right_arithmetic3A = arith.constant 9 : i32
      %shift_right_arithmetic3A_32 = vector.broadcast %shift_right_arithmetic3A : i32 to vector<16xi32>
      %shift_right_arithmetic3A_33 = arith.shrsi %get3A_31, %shift_right_arithmetic3A_32 : vector<16xi32>
      %swap3A = arith.constant 0 : index
      %swap3A_34 = tpu.vector_load %arg8[%swap3A] {strides = array<i32>} : memref<128xi32, #tpu.memory_space<vmem>>, vector<16xi32>,
      tpu.vector_store %arg8[%swap3A], %shift_right_arithmetic3A_33 {strides = array<i32>} : memref<128xi32, #tpu.memory_space<vmem>>, vector<16xi32>,
      %and3A = arith.constant 511 : i32
      %and3A_35 = vector.broadcast %and3A : i32 to vector<16xi32>
      %and3A_36 = arith.andi %get3A_31, %and3A_35 : vector<16xi32>
      %swap3A_37 = arith.constant 0 : index
      %swap3A_38 = tpu.vector_load %arg9[%swap3A_37] {strides = array<i32>} : memref<144xi32, #tpu.memory_space<vmem>>, vector<16xi32>,
      tpu.vector_store %arg9[%swap3A_37], %and3A_36 {strides = array<i32>} : memref<144xi32, #tpu.memory_space<vmem>>, vector<16xi32>,
      %get3A_39 = arith.constant 16 : index
      %get3A_40 = tpu.vector_load %arg10[%get3A_39] {strides = array<i32>} : memref<128xi32, #tpu.memory_space<vmem>>, vector<16xi32>,
      %shift_right_arithmetic3A_41 = arith.constant 9 : i32
      %shift_right_arithmetic3A_42 = vector.broadcast %shift_right_arithmetic3A_41 : i32 to vector<16xi32>
      %shift_right_arithmetic3A_43 = arith.shrsi %get3A_40, %shift_right_arithmetic3A_42 : vector<16xi32>
      %swap3A_44 = arith.constant 16 : index
      %swap3A_45 = tpu.vector_load %arg8[%swap3A_44] {strides = array<i32>} : memref<128xi32, #tpu.memory_space<vmem>>, vector<16xi32>,
      tpu.vector_store %arg8[%swap3A_44], %shift_right_arithmetic3A_43 {strides = array<i32>} : memref<128xi32, #tpu.memory_space<vmem>>, vector<16xi32>,
      %and3A_46 = arith.constant 511 : i32
      %and3A_47 = vector.broadcast %and3A_46 : i32 to vector<16xi32>
      %and3A_48 = arith.andi %get3A_40, %and3A_47 : vector<16xi32>
      %swap3A_49 = arith.constant 16 : index
      %swap3A_50 = tpu.vector_load %arg9[%swap3A_49] {strides = array<i32>} : memref<144xi32, #tpu.memory_space<vmem>>, vector<16xi32>,
      tpu.vector_store %arg9[%swap3A_49], %and3A_48 {strides = array<i32>} : memref<144xi32, #tpu.memory_space<vmem>>, vector<16xi32>,
      %get3A_51 = arith.constant 32 : index
      %get3A_52 = tpu.vector_load %arg10[%get3A_51] {strides = array<i32>} : memref<128xi32, #tpu.memory_space<vmem>>, vector<16xi32>,
      %shift_right_arithmetic3A_53 = arith.constant 9 : i32
      %shift_right_arithmetic3A_54 = vector.broadcast %shift_right_arithmetic3A_53 : i32 to vector<16xi32>
      %shift_right_arithmetic3A_55 = arith.shrsi %get3A_52, %shift_right_arithmetic3A_54 : vector<16xi32>
      %swap3A_56 = arith.constant 32 : index
      %swap3A_57 = tpu.vector_load %arg8[%swap3A_56] {strides = array<i32>} : memref<128xi32, #tpu.memory_space<vmem>>, vector<16xi32>,
      tpu.vector_store %arg8[%swap3A_56], %shift_right_arithmetic3A_55 {strides = array<i32>} : memref<128xi32, #tpu.memory_space<vmem>>, vector<16xi32>,
      %and3A_58 = arith.constant 511 : i32
      %and3A_59 = vector.broadcast %and3A_58 : i32 to vector<16xi32>
      %and3A_60 = arith.andi %get3A_52, %and3A_59 : vector<16xi32>
      %swap3A_61 = arith.constant 32 : index
      %swap3A_62 = tpu.vector_load %arg9[%swap3A_61] {strides = array<i32>} : memref<144xi32, #tpu.memory_space<vmem>>, vector<16xi32>,
      tpu.vector_store %arg9[%swap3A_61], %and3A_60 {strides = array<i32>} : memref<144xi32, #tpu.memory_space<vmem>>, vector<16xi32>,
      %get3A_63 = arith.constant 48 : index
      %get3A_64 = tpu.vector_load %arg10[%get3A_63] {strides = array<i32>} : memref<128xi32, #tpu.memory_space<vmem>>, vector<16xi32>,
      %shift_right_arithmetic3A_65 = arith.constant 9 : i32
      %shift_right_arithmetic3A_66 = vector.broadcast %shift_right_arithmetic3A_65 : i32 to vector<16xi32>
      %shift_right_arithmetic3A_67 = arith.shrsi %get3A_64, %shift_right_arithmetic3A_66 : vector<16xi32>
      %swap3A_68 = arith.constant 48 : index
      %swap3A_69 = tpu.vector_load %arg8[%swap3A_68] {strides = array<i32>} : memref<128xi32, #tpu.memory_space<vmem>>, vector<16xi32>,
      tpu.vector_store %arg8[%swap3A_68], %shift_right_arithmetic3A_67 {strides = array<i32>} : memref<128xi32, #tpu.memory_space<vmem>>, vector<16xi32>,
      %and3A_70 = arith.constant 511 : i32
      %and3A_71 = vector.broadcast %and3A_70 : i32 to vector<16xi32>
      %and3A_72 = arith.andi %get3A_64, %and3A_71 : vector<16xi32>
      %swap3A_73 = arith.constant 48 : index
      %swap3A_74 = tpu.vector_load %arg9[%swap3A_73] {strides = array<i32>} : memref<144xi32, #tpu.memory_space<vmem>>, vector<16xi32>,
      tpu.vector_store %arg9[%swap3A_73], %and3A_72 {strides = array<i32>} : memref<144xi32, #tpu.memory_space<vmem>>, vector<16xi32>,
      %get3A_75 = arith.constant 64 : index
      %get3A_76 = tpu.vector_load %arg10[%get3A_75] {strides = array<i32>} : memref<128xi32, #tpu.memory_space<vmem>>, vector<16xi32>,
      %shift_right_arithmetic3A_77 = arith.constant 9 : i32
      %shift_right_arithmetic3A_78 = vector.broadcast %shift_right_arithmetic3A_77 : i32 to vector<16xi32>
      %shift_right_arithmetic3A_79 = arith.shrsi %get3A_76, %shift_right_arithmetic3A_78 : vector<16xi32>
      %swap3A_80 = arith.constant 64 : index
      %swap3A_81 = tpu.vector_load %arg8[%swap3A_80] {strides = array<i32>} : memref<128xi32, #tpu.memory_space<vmem>>, vector<16xi32>,
      tpu.vector_store %arg8[%swap3A_80], %shift_right_arithmetic3A_79 {strides = array<i32>} : memref<128xi32, #tpu.memory_space<vmem>>, vector<16xi32>,
      %and3A_82 = arith.constant 511 : i32
      %and3A_83 = vector.broadcast %and3A_82 : i32 to vector<16xi32>
      %and3A_84 = arith.andi %get3A_76, %and3A_83 : vector<16xi32>
      %swap3A_85 = arith.constant 64 : index
      %swap3A_86 = tpu.vector_load %arg9[%swap3A_85] {strides = array<i32>} : memref<144xi32, #tpu.memory_space<vmem>>, vector<16xi32>,
      tpu.vector_store %arg9[%swap3A_85], %and3A_84 {strides = array<i32>} : memref<144xi32, #tpu.memory_space<vmem>>, vector<16xi32>,
      %get3A_87 = arith.constant 80 : index
      %get3A_88 = tpu.vector_load %arg10[%get3A_87] {strides = array<i32>} : memref<128xi32, #tpu.memory_space<vmem>>, vector<16xi32>,
      %shift_right_arithmetic3A_89 = arith.constant 9 : i32
      %shift_right_arithmetic3A_90 = vector.broadcast %shift_right_arithmetic3A_89 : i32 to vector<16xi32>
      %shift_right_arithmetic3A_91 = arith.shrsi %get3A_88, %shift_right_arithmetic3A_90 : vector<16xi32>
      %swap3A_92 = arith.constant 80 : index
      %swap3A_93 = tpu.vector_load %arg8[%swap3A_92] {strides = array<i32>} : memref<128xi32, #tpu.memory_space<vmem>>, vector<16xi32>,
      tpu.vector_store %arg8[%swap3A_92], %shift_right_arithmetic3A_91 {strides = array<i32>} : memref<128xi32, #tpu.memory_space<vmem>>, vector<16xi32>,
      %and3A_94 = arith.constant 511 : i32
      %and3A_95 = vector.broadcast %and3A_94 : i32 to vector<16xi32>
      %and3A_96 = arith.andi %get3A_88, %and3A_95 : vector<16xi32>
      %swap3A_97 = arith.constant 80 : index
      %swap3A_98 = tpu.vector_load %arg9[%swap3A_97] {strides = array<i32>} : memref<144xi32, #tpu.memory_space<vmem>>, vector<16xi32>,
      tpu.vector_store %arg9[%swap3A_97], %and3A_96 {strides = array<i32>} : memref<144xi32, #tpu.memory_space<vmem>>, vector<16xi32>,
      %get3A_99 = arith.constant 96 : index
      %get3A_100 = tpu.vector_load %arg10[%get3A_99] {strides = array<i32>} : memref<128xi32, #tpu.memory_space<vmem>>, vector<16xi32>,
      %shift_right_arithmetic3A_101 = arith.constant 9 : i32
      %shift_right_arithmetic3A_102 = vector.broadcast %shift_right_arithmetic3A_101 : i32 to vector<16xi32>
      %shift_right_arithmetic3A_103 = arith.shrsi %get3A_100, %shift_right_arithmetic3A_102 : vector<16xi32>
      %swap3A_104 = arith.constant 96 : index
      %swap3A_105 = tpu.vector_load %arg8[%swap3A_104] {strides = array<i32>} : memref<128xi32, #tpu.memory_space<vmem>>, vector<16xi32>,
      tpu.vector_store %arg8[%swap3A_104], %shift_right_arithmetic3A_103 {strides = array<i32>} : memref<128xi32, #tpu.memory_space<vmem>>, vector<16xi32>,
      %and3A_106 = arith.constant 511 : i32
      %and3A_107 = vector.broadcast %and3A_106 : i32 to vector<16xi32>
      %and3A_108 = arith.andi %get3A_100, %and3A_107 : vector<16xi32>
      %swap3A_109 = arith.constant 96 : index
      %swap3A_110 = tpu.vector_load %arg9[%swap3A_109] {strides = array<i32>} : memref<144xi32, #tpu.memory_space<vmem>>, vector<16xi32>,
      tpu.vector_store %arg9[%swap3A_109], %and3A_108 {strides = array<i32>} : memref<144xi32, #tpu.memory_space<vmem>>, vector<16xi32>,
      %get3A_111 = arith.constant 112 : index
      %get3A_112 = tpu.vector_load %arg10[%get3A_111] {strides = array<i32>} : memref<128xi32, #tpu.memory_space<vmem>>, vector<16xi32>,
      %shift_right_arithmetic3A_113 = arith.constant 9 : i32
      %shift_right_arithmetic3A_114 = vector.broadcast %shift_right_arithmetic3A_113 : i32 to vector<16xi32>
      %shift_right_arithmetic3A_115 = arith.shrsi %get3A_112, %shift_right_arithmetic3A_114 : vector<16xi32>
      %swap3A_116 = arith.constant 112 : index
      %swap3A_117 = tpu.vector_load %arg8[%swap3A_116] {strides = array<i32>} : memref<128xi32, #tpu.memory_space<vmem>>, vector<16xi32>,
      tpu.vector_store %arg8[%swap3A_116], %shift_right_arithmetic3A_115 {strides = array<i32>} : memref<128xi32, #tpu.memory_space<vmem>>, vector<16xi32>,
      %and3A_118 = arith.constant 511 : i32
      %and3A_119 = vector.broadcast %and3A_118 : i32 to vector<16xi32>
      %and3A_120 = arith.andi %get3A_112, %and3A_119 : vector<16xi32>
      %swap3A_121 = arith.constant 112 : index
      %swap3A_122 = tpu.vector_load %arg9[%swap3A_121] {strides = array<i32>} : memref<144xi32, #tpu.memory_space<vmem>>, vector<16xi32>,
      tpu.vector_store %arg9[%swap3A_121], %and3A_120 {strides = array<i32>} : memref<144xi32, #tpu.memory_space<vmem>>, vector<16xi32>,
      %dma_start3A = arith.constant 0 : i32
      %dma_start3A_123 = arith.constant 0 : i32
      %dma_start3A_124 = tpu.memref_slice %arg2[%dma_start3A, %dma_start3A_123] : memref<320000x128xf32, #tpu.memory_space<hbm>> -> memref<320000x128xf32, #tpu.memory_space<hbm>>
      tpu.enqueue_indirect_dma source(%dma_start3A_124 : memref<320000x128xf32, #tpu.memory_space<hbm>>) target(%arg7 : memref<128x128xf32, #tpu.memory_space<vmem>>) offsets(%arg8 : memref<128xi32, #tpu.memory_space<vmem>>) semaphore(%arg12 : memref<!tpu.dma_semaphore, #tpu.memory_space<semaphore_mem>>)
      %dma_wait3A = arith.constant 0 : i32
      %dma_wait3A_125 = arith.constant 0 : i32
      %dma_wait3A_126 = tpu.memref_slice %arg2[%dma_wait3A, %dma_wait3A_125] : memref<320000x128xf32, #tpu.memory_space<hbm>> -> memref<320000x128xf32, #tpu.memory_space<hbm>>
      tpu.wait_indirect_dma semaphore(%arg12 : memref<!tpu.dma_semaphore, #tpu.memory_space<semaphore_mem>>) src(%dma_wait3A_126 : memref<320000x128xf32, #tpu.memory_space<hbm>>) dst(%arg7 : memref<128x128xf32, #tpu.memory_space<vmem>>)
      %scan3A_127 = arith.constant 0 : i32
      %scan3A_128 = arith.constant 0 : i32
      %scan3A_129 = arith.constant 128 : i32
      %scan3A_130 = arith.addi %scan3A_128, %scan3A_129 : i32
      %scan3A_131 = arith.constant 1 : i32
      scf.for %scan3A_133 = %scan3A_128 to %scan3A_130 step %scan3A_131  : i32 {
        %get3A_134 = arith.index_cast %scan3A_133 : i32 to index
        %get3A_135 = tpu.vector_load %arg9[%get3A_134] {strides = array<i32>} : memref<144xi32, #tpu.memory_space<vmem>>, vector<16xi32>,
        %slice3A_136 = vector.extract_strided_slice %get3A_135 {offsets = [0], sizes = [1], strides = [1]} : vector<16xi32> to vector<1xi32>
        %squeeze3A_137 = vector.extract %slice3A_136[0] : i32 from vector<1xi32>
        %get3A_138 = arith.index_cast %squeeze3A_137 : i32 to index
        %get3A_139 = arith.constant 0 : index
        %get3A_140 = tpu.vector_load %arg6[%get3A_138, %get3A_139] {strides = array<i32>} : memref<321x128xf32, #tpu.memory_space<vmem>>, vector<16xf32>,
        %get3A_141 = arith.index_cast %scan3A_133 : i32 to index
        %get3A_142 = arith.constant 0 : index
        %get3A_143 = tpu.vector_load %arg7[%get3A_141, %get3A_142] {strides = array<i32>} : memref<128x128xf32, #tpu.memory_space<vmem>>, vector<16xf32>,
        %max3A = arith.maximumf %get3A_140, %get3A_143 : vector<16xf32>
        %swap3A_144 = arith.index_cast %squeeze3A_137 : i32 to index
        %swap3A_145 = arith.constant 0 : index
        %swap3A_146 = tpu.vector_load %arg6[%swap3A_144, %swap3A_145] {strides = array<i32>} : memref<321x128xf32, #tpu.memory_space<vmem>>, vector<16xf32>,
        tpu.vector_store %arg6[%swap3A_144, %swap3A_145], %max3A {strides = array<i32>} : memref<321x128xf32, #tpu.memory_space<vmem>>, vector<16xf32>,
        %get3A_147 = arith.index_cast %squeeze3A_137 : i32 to index
        %get3A_148 = arith.constant 16 : index
        %get3A_149 = tpu.vector_load %arg6[%get3A_147, %get3A_148] {strides = array<i32>} : memref<321x128xf32, #tpu.memory_space<vmem>>, vector<16xf32>,
        %get3A_150 = arith.index_cast %scan3A_133 : i32 to index
        %get3A_151 = arith.constant 16 : index
        %get3A_152 = tpu.vector_load %arg7[%get3A_150, %get3A_151] {strides = array<i32>} : memref<128x128xf32, #tpu.memory_space<vmem>>, vector<16xf32>,
        %max3A_153 = arith.maximumf %get3A_149, %get3A_152 : vector<16xf32>
        %swap3A_154 = arith.index_cast %squeeze3A_137 : i32 to index
        %swap3A_155 = arith.constant 16 : index
        %swap3A_156 = tpu.vector_load %arg6[%swap3A_154, %swap3A_155] {strides = array<i32>} : memref<321x128xf32, #tpu.memory_space<vmem>>, vector<16xf32>,
        tpu.vector_store %arg6[%swap3A_154, %swap3A_155], %max3A_153 {strides = array<i32>} : memref<321x128xf32, #tpu.memory_space<vmem>>, vector<16xf32>,
        %get3A_157 = arith.index_cast %squeeze3A_137 : i32 to index
        %get3A_158 = arith.constant 32 : index
        %get3A_159 = tpu.vector_load %arg6[%get3A_157, %get3A_158] {strides = array<i32>} : memref<321x128xf32, #tpu.memory_space<vmem>>, vector<16xf32>,
        %get3A_160 = arith.index_cast %scan3A_133 : i32 to index
        %get3A_161 = arith.constant 32 : index
        %get3A_162 = tpu.vector_load %arg7[%get3A_160, %get3A_161] {strides = array<i32>} : memref<128x128xf32, #tpu.memory_space<vmem>>, vector<16xf32>,
        %max3A_163 = arith.maximumf %get3A_159, %get3A_162 : vector<16xf32>
        %swap3A_164 = arith.index_cast %squeeze3A_137 : i32 to index
        %swap3A_165 = arith.constant 32 : index
        %swap3A_166 = tpu.vector_load %arg6[%swap3A_164, %swap3A_165] {strides = array<i32>} : memref<321x128xf32, #tpu.memory_space<vmem>>, vector<16xf32>,
        tpu.vector_store %arg6[%swap3A_164, %swap3A_165], %max3A_163 {strides = array<i32>} : memref<321x128xf32, #tpu.memory_space<vmem>>, vector<16xf32>,
        %get3A_167 = arith.index_cast %squeeze3A_137 : i32 to index
        %get3A_168 = arith.constant 48 : index
        %get3A_169 = tpu.vector_load %arg6[%get3A_167, %get3A_168] {strides = array<i32>} : memref<321x128xf32, #tpu.memory_space<vmem>>, vector<16xf32>,
        %get3A_170 = arith.index_cast %scan3A_133 : i32 to index
        %get3A_171 = arith.constant 48 : index
        %get3A_172 = tpu.vector_load %arg7[%get3A_170, %get3A_171] {strides = array<i32>} : memref<128x128xf32, #tpu.memory_space<vmem>>, vector<16xf32>,
        %max3A_173 = arith.maximumf %get3A_169, %get3A_172 : vector<16xf32>
        %swap3A_174 = arith.index_cast %squeeze3A_137 : i32 to index
        %swap3A_175 = arith.constant 48 : index
        %swap3A_176 = tpu.vector_load %arg6[%swap3A_174, %swap3A_175] {strides = array<i32>} : memref<321x128xf32, #tpu.memory_space<vmem>>, vector<16xf32>,
        tpu.vector_store %arg6[%swap3A_174, %swap3A_175], %max3A_173 {strides = array<i32>} : memref<321x128xf32, #tpu.memory_space<vmem>>, vector<16xf32>,
        %get3A_177 = arith.index_cast %squeeze3A_137 : i32 to index
        %get3A_178 = arith.constant 64 : index
        %get3A_179 = tpu.vector_load %arg6[%get3A_177, %get3A_178] {strides = array<i32>} : memref<321x128xf32, #tpu.memory_space<vmem>>, vector<16xf32>,
        %get3A_180 = arith.index_cast %scan3A_133 : i32 to index
        %get3A_181 = arith.constant 64 : index
        %get3A_182 = tpu.vector_load %arg7[%get3A_180, %get3A_181] {strides = array<i32>} : memref<128x128xf32, #tpu.memory_space<vmem>>, vector<16xf32>,
        %max3A_183 = arith.maximumf %get3A_179, %get3A_182 : vector<16xf32>
        %swap3A_184 = arith.index_cast %squeeze3A_137 : i32 to index
        %swap3A_185 = arith.constant 64 : index
        %swap3A_186 = tpu.vector_load %arg6[%swap3A_184, %swap3A_185] {strides = array<i32>} : memref<321x128xf32, #tpu.memory_space<vmem>>, vector<16xf32>,
        tpu.vector_store %arg6[%swap3A_184, %swap3A_185], %max3A_183 {strides = array<i32>} : memref<321x128xf32, #tpu.memory_space<vmem>>, vector<16xf32>,
        %get3A_187 = arith.index_cast %squeeze3A_137 : i32 to index
        %get3A_188 = arith.constant 80 : index
        %get3A_189 = tpu.vector_load %arg6[%get3A_187, %get3A_188] {strides = array<i32>} : memref<321x128xf32, #tpu.memory_space<vmem>>, vector<16xf32>,
        %get3A_190 = arith.index_cast %scan3A_133 : i32 to index
        %get3A_191 = arith.constant 80 : index
        %get3A_192 = tpu.vector_load %arg7[%get3A_190, %get3A_191] {strides = array<i32>} : memref<128x128xf32, #tpu.memory_space<vmem>>, vector<16xf32>,
        %max3A_193 = arith.maximumf %get3A_189, %get3A_192 : vector<16xf32>
        %swap3A_194 = arith.index_cast %squeeze3A_137 : i32 to index
        %swap3A_195 = arith.constant 80 : index
        %swap3A_196 = tpu.vector_load %arg6[%swap3A_194, %swap3A_195] {strides = array<i32>} : memref<321x128xf32, #tpu.memory_space<vmem>>, vector<16xf32>,
        tpu.vector_store %arg6[%swap3A_194, %swap3A_195], %max3A_193 {strides = array<i32>} : memref<321x128xf32, #tpu.memory_space<vmem>>, vector<16xf32>,
        %get3A_197 = arith.index_cast %squeeze3A_137 : i32 to index
        %get3A_198 = arith.constant 96 : index
        %get3A_199 = tpu.vector_load %arg6[%get3A_197, %get3A_198] {strides = array<i32>} : memref<321x128xf32, #tpu.memory_space<vmem>>, vector<16xf32>,
        %get3A_200 = arith.index_cast %scan3A_133 : i32 to index
        %get3A_201 = arith.constant 96 : index
        %get3A_202 = tpu.vector_load %arg7[%get3A_200, %get3A_201] {strides = array<i32>} : memref<128x128xf32, #tpu.memory_space<vmem>>, vector<16xf32>,
        %max3A_203 = arith.maximumf %get3A_199, %get3A_202 : vector<16xf32>
        %swap3A_204 = arith.index_cast %squeeze3A_137 : i32 to index
        %swap3A_205 = arith.constant 96 : index
        %swap3A_206 = tpu.vector_load %arg6[%swap3A_204, %swap3A_205] {strides = array<i32>} : memref<321x128xf32, #tpu.memory_space<vmem>>, vector<16xf32>,
        tpu.vector_store %arg6[%swap3A_204, %swap3A_205], %max3A_203 {strides = array<i32>} : memref<321x128xf32, #tpu.memory_space<vmem>>, vector<16xf32>,
        %get3A_207 = arith.index_cast %squeeze3A_137 : i32 to index
        %get3A_208 = arith.constant 112 : index
        %get3A_209 = tpu.vector_load %arg6[%get3A_207, %get3A_208] {strides = array<i32>} : memref<321x128xf32, #tpu.memory_space<vmem>>, vector<16xf32>,
        %get3A_210 = arith.index_cast %scan3A_133 : i32 to index
        %get3A_211 = arith.constant 112 : index
        %get3A_212 = tpu.vector_load %arg7[%get3A_210, %get3A_211] {strides = array<i32>} : memref<128x128xf32, #tpu.memory_space<vmem>>, vector<16xf32>,
        %max3A_213 = arith.maximumf %get3A_209, %get3A_212 : vector<16xf32>
        %swap3A_214 = arith.index_cast %squeeze3A_137 : i32 to index
        %swap3A_215 = arith.constant 112 : index
        %swap3A_216 = tpu.vector_load %arg6[%swap3A_214, %swap3A_215] {strides = array<i32>} : memref<321x128xf32, #tpu.memory_space<vmem>>, vector<16xf32>,
        tpu.vector_store %arg6[%swap3A_214, %swap3A_215], %max3A_213 {strides = array<i32>} : memref<321x128xf32, #tpu.memory_space<vmem>>, vector<16xf32>,
      }
      %scan3A_132 = arith.constant 128 : i32
    }
    %scan3A_19 = arith.constant 0 : i32
    %scan3A_20 = arith.constant 0 : i32
    %scan3A_21 = arith.constant 320 : i32
    %scan3A_22 = arith.addi %scan3A_20, %scan3A_21 : i32
    %scan3A_23 = arith.constant 1 : i32
    scf.for %scan3A_27 = %scan3A_20 to %scan3A_22 step %scan3A_23  : i32 {
      %get3A_28 = arith.index_cast %scan3A_27 : i32 to index
      %get3A_29 = arith.constant 0 : index
      %get3A_30 = tpu.vector_load %arg6[%get3A_28, %get3A_29] {strides = array<i32>} : memref<321x128xf32, #tpu.memory_space<vmem>>, vector<16xf32>,
      %eq3A = arith.constant 0xFF800000 : f32
      %eq3A_31 = vector.broadcast %eq3A : f32 to vector<16xf32>
      %eq3A_32 = arith.cmpf oeq, %get3A_30, %eq3A_31 : vector<16xf32>
      %jit3A = arith.constant 0.000000e+00 : f32
      %broadcast_in_dim3A_33 = vector.broadcast %jit3A : f32 to vector<16xf32>
      %select_n3A = arith.select %eq3A_32, %broadcast_in_dim3A_33, %get3A_30 : vector<16xi1>, vector<16xf32>
      %swap3A = arith.index_cast %scan3A_27 : i32 to index
      %swap3A_34 = arith.constant 0 : index
      %swap3A_35 = tpu.vector_load %arg6[%swap3A, %swap3A_34] {strides = array<i32>} : memref<321x128xf32, #tpu.memory_space<vmem>>, vector<16xf32>,
      tpu.vector_store %arg6[%swap3A, %swap3A_34], %select_n3A {strides = array<i32>} : memref<321x128xf32, #tpu.memory_space<vmem>>, vector<16xf32>,
      %get3A_36 = arith.index_cast %scan3A_27 : i32 to index
      %get3A_37 = arith.constant 16 : index
      %get3A_38 = tpu.vector_load %arg6[%get3A_36, %get3A_37] {strides = array<i32>} : memref<321x128xf32, #tpu.memory_space<vmem>>, vector<16xf32>,
      %eq3A_39 = arith.constant 0xFF800000 : f32
      %eq3A_40 = vector.broadcast %eq3A_39 : f32 to vector<16xf32>
      %eq3A_41 = arith.cmpf oeq, %get3A_38, %eq3A_40 : vector<16xf32>
      %jit3A_42 = arith.constant 0.000000e+00 : f32
      %broadcast_in_dim3A_43 = vector.broadcast %jit3A_42 : f32 to vector<16xf32>
      %select_n3A_44 = arith.select %eq3A_41, %broadcast_in_dim3A_43, %get3A_38 : vector<16xi1>, vector<16xf32>
      %swap3A_45 = arith.index_cast %scan3A_27 : i32 to index
      %swap3A_46 = arith.constant 16 : index
      %swap3A_47 = tpu.vector_load %arg6[%swap3A_45, %swap3A_46] {strides = array<i32>} : memref<321x128xf32, #tpu.memory_space<vmem>>, vector<16xf32>,
      tpu.vector_store %arg6[%swap3A_45, %swap3A_46], %select_n3A_44 {strides = array<i32>} : memref<321x128xf32, #tpu.memory_space<vmem>>, vector<16xf32>,
      %get3A_48 = arith.index_cast %scan3A_27 : i32 to index
      %get3A_49 = arith.constant 32 : index
      %get3A_50 = tpu.vector_load %arg6[%get3A_48, %get3A_49] {strides = array<i32>} : memref<321x128xf32, #tpu.memory_space<vmem>>, vector<16xf32>,
      %eq3A_51 = arith.constant 0xFF800000 : f32
      %eq3A_52 = vector.broadcast %eq3A_51 : f32 to vector<16xf32>
      %eq3A_53 = arith.cmpf oeq, %get3A_50, %eq3A_52 : vector<16xf32>
      %jit3A_54 = arith.constant 0.000000e+00 : f32
      %broadcast_in_dim3A_55 = vector.broadcast %jit3A_54 : f32 to vector<16xf32>
      %select_n3A_56 = arith.select %eq3A_53, %broadcast_in_dim3A_55, %get3A_50 : vector<16xi1>, vector<16xf32>
      %swap3A_57 = arith.index_cast %scan3A_27 : i32 to index
      %swap3A_58 = arith.constant 32 : index
      %swap3A_59 = tpu.vector_load %arg6[%swap3A_57, %swap3A_58] {strides = array<i32>} : memref<321x128xf32, #tpu.memory_space<vmem>>, vector<16xf32>,
      tpu.vector_store %arg6[%swap3A_57, %swap3A_58], %select_n3A_56 {strides = array<i32>} : memref<321x128xf32, #tpu.memory_space<vmem>>, vector<16xf32>,
      %get3A_60 = arith.index_cast %scan3A_27 : i32 to index
      %get3A_61 = arith.constant 48 : index
      %get3A_62 = tpu.vector_load %arg6[%get3A_60, %get3A_61] {strides = array<i32>} : memref<321x128xf32, #tpu.memory_space<vmem>>, vector<16xf32>,
      %eq3A_63 = arith.constant 0xFF800000 : f32
      %eq3A_64 = vector.broadcast %eq3A_63 : f32 to vector<16xf32>
      %eq3A_65 = arith.cmpf oeq, %get3A_62, %eq3A_64 : vector<16xf32>
      %jit3A_66 = arith.constant 0.000000e+00 : f32
      %broadcast_in_dim3A_67 = vector.broadcast %jit3A_66 : f32 to vector<16xf32>
      %select_n3A_68 = arith.select %eq3A_65, %broadcast_in_dim3A_67, %get3A_62 : vector<16xi1>, vector<16xf32>
      %swap3A_69 = arith.index_cast %scan3A_27 : i32 to index
      %swap3A_70 = arith.constant 48 : index
      %swap3A_71 = tpu.vector_load %arg6[%swap3A_69, %swap3A_70] {strides = array<i32>} : memref<321x128xf32, #tpu.memory_space<vmem>>, vector<16xf32>,
      tpu.vector_store %arg6[%swap3A_69, %swap3A_70], %select_n3A_68 {strides = array<i32>} : memref<321x128xf32, #tpu.memory_space<vmem>>, vector<16xf32>,
      %get3A_72 = arith.index_cast %scan3A_27 : i32 to index
      %get3A_73 = arith.constant 64 : index
      %get3A_74 = tpu.vector_load %arg6[%get3A_72, %get3A_73] {strides = array<i32>} : memref<321x128xf32, #tpu.memory_space<vmem>>, vector<16xf32>,
      %eq3A_75 = arith.constant 0xFF800000 : f32
      %eq3A_76 = vector.broadcast %eq3A_75 : f32 to vector<16xf32>
      %eq3A_77 = arith.cmpf oeq, %get3A_74, %eq3A_76 : vector<16xf32>
      %jit3A_78 = arith.constant 0.000000e+00 : f32
      %broadcast_in_dim3A_79 = vector.broadcast %jit3A_78 : f32 to vector<16xf32>
      %select_n3A_80 = arith.select %eq3A_77, %broadcast_in_dim3A_79, %get3A_74 : vector<16xi1>, vector<16xf32>
      %swap3A_81 = arith.index_cast %scan3A_27 : i32 to index
      %swap3A_82 = arith.constant 64 : index
      %swap3A_83 = tpu.vector_load %arg6[%swap3A_81, %swap3A_82] {strides = array<i32>} : memref<321x128xf32, #tpu.memory_space<vmem>>, vector<16xf32>,
      tpu.vector_store %arg6[%swap3A_81, %swap3A_82], %select_n3A_80 {strides = array<i32>} : memref<321x128xf32, #tpu.memory_space<vmem>>, vector<16xf32>,
      %get3A_84 = arith.index_cast %scan3A_27 : i32 to index
      %get3A_85 = arith.constant 80 : index
      %get3A_86 = tpu.vector_load %arg6[%get3A_84, %get3A_85] {strides = array<i32>} : memref<321x128xf32, #tpu.memory_space<vmem>>, vector<16xf32>,
      %eq3A_87 = arith.constant 0xFF800000 : f32
      %eq3A_88 = vector.broadcast %eq3A_87 : f32 to vector<16xf32>
      %eq3A_89 = arith.cmpf oeq, %get3A_86, %eq3A_88 : vector<16xf32>
      %jit3A_90 = arith.constant 0.000000e+00 : f32
      %broadcast_in_dim3A_91 = vector.broadcast %jit3A_90 : f32 to vector<16xf32>
      %select_n3A_92 = arith.select %eq3A_89, %broadcast_in_dim3A_91, %get3A_86 : vector<16xi1>, vector<16xf32>
      %swap3A_93 = arith.index_cast %scan3A_27 : i32 to index
      %swap3A_94 = arith.constant 80 : index
      %swap3A_95 = tpu.vector_load %arg6[%swap3A_93, %swap3A_94] {strides = array<i32>} : memref<321x128xf32, #tpu.memory_space<vmem>>, vector<16xf32>,
      tpu.vector_store %arg6[%swap3A_93, %swap3A_94], %select_n3A_92 {strides = array<i32>} : memref<321x128xf32, #tpu.memory_space<vmem>>, vector<16xf32>,
      %get3A_96 = arith.index_cast %scan3A_27 : i32 to index
      %get3A_97 = arith.constant 96 : index
      %get3A_98 = tpu.vector_load %arg6[%get3A_96, %get3A_97] {strides = array<i32>} : memref<321x128xf32, #tpu.memory_space<vmem>>, vector<16xf32>,
      %eq3A_99 = arith.constant 0xFF800000 : f32
      %eq3A_100 = vector.broadcast %eq3A_99 : f32 to vector<16xf32>
      %eq3A_101 = arith.cmpf oeq, %get3A_98, %eq3A_100 : vector<16xf32>
      %jit3A_102 = arith.constant 0.000000e+00 : f32
      %broadcast_in_dim3A_103 = vector.broadcast %jit3A_102 : f32 to vector<16xf32>
      %select_n3A_104 = arith.select %eq3A_101, %broadcast_in_dim3A_103, %get3A_98 : vector<16xi1>, vector<16xf32>
      %swap3A_105 = arith.index_cast %scan3A_27 : i32 to index
      %swap3A_106 = arith.constant 96 : index
      %swap3A_107 = tpu.vector_load %arg6[%swap3A_105, %swap3A_106] {strides = array<i32>} : memref<321x128xf32, #tpu.memory_space<vmem>>, vector<16xf32>,
      tpu.vector_store %arg6[%swap3A_105, %swap3A_106], %select_n3A_104 {strides = array<i32>} : memref<321x128xf32, #tpu.memory_space<vmem>>, vector<16xf32>,
      %get3A_108 = arith.index_cast %scan3A_27 : i32 to index
      %get3A_109 = arith.constant 112 : index
      %get3A_110 = tpu.vector_load %arg6[%get3A_108, %get3A_109] {strides = array<i32>} : memref<321x128xf32, #tpu.memory_space<vmem>>, vector<16xf32>,
      %eq3A_111 = arith.constant 0xFF800000 : f32
      %eq3A_112 = vector.broadcast %eq3A_111 : f32 to vector<16xf32>
      %eq3A_113 = arith.cmpf oeq, %get3A_110, %eq3A_112 : vector<16xf32>
      %jit3A_114 = arith.constant 0.000000e+00 : f32
      %broadcast_in_dim3A_115 = vector.broadcast %jit3A_114 : f32 to vector<16xf32>
      %select_n3A_116 = arith.select %eq3A_113, %broadcast_in_dim3A_115, %get3A_110 : vector<16xi1>, vector<16xf32>
      %swap3A_117 = arith.index_cast %scan3A_27 : i32 to index
      %swap3A_118 = arith.constant 112 : index
      %swap3A_119 = tpu.vector_load %arg6[%swap3A_117, %swap3A_118] {strides = array<i32>} : memref<321x128xf32, #tpu.memory_space<vmem>>, vector<16xf32>,
      tpu.vector_store %arg6[%swap3A_117, %swap3A_118], %select_n3A_116 {strides = array<i32>} : memref<321x128xf32, #tpu.memory_space<vmem>>, vector<16xf32>,
    }
    %scan3A_24 = arith.constant 320 : i32
    %mul3A_25 = arith.constant 320 : i32
    %mul3A_26 = arith.muli %add3A, %mul3A_25 : i32
    "tpu.region"() ({
      %run_scoped3A = tpu.sem_alloc : memref<!tpu.dma_semaphore, #tpu.memory_space<semaphore_mem>>
      %dma_start3A = arith.constant 0 : i32
      %dma_start3A_27 = arith.constant 0 : i32
      %dma_start3A_28 = tpu.memref_slice %arg6[%dma_start3A, %dma_start3A_27] : memref<321x128xf32, #tpu.memory_space<vmem>> -> memref<320x128xf32, #tpu.memory_space<vmem>>
      %dma_start3A_29 = arith.constant 0 : i32
      %dma_start3A_30 = tpu.memref_slice %arg5[%mul3A_26, %dma_start3A_29] : memref<10240x128xf32, #tpu.memory_space<hbm>> -> memref<320x128xf32, #tpu.memory_space<hbm>>
      %dma_start3A_31 = arith.constant 0 : i32
      %dma_start3A_32 = tpu.memref_slice %arg5[%mul3A_26, %dma_start3A_31] : memref<10240x128xf32, #tpu.memory_space<hbm>> -> memref<320x128xf32, #tpu.memory_space<hbm>>
      %dma_start3A_33 = arith.constant 0 : i32
      %dma_start3A_34 = arith.constant 0 : i32
      %dma_start3A_35 = tpu.memref_slice %arg6[%dma_start3A_33, %dma_start3A_34] : memref<321x128xf32, #tpu.memory_space<vmem>> -> memref<320x128xf32, #tpu.memory_space<vmem>>
      tpu.enqueue_dma source(%dma_start3A_35 : memref<320x128xf32, #tpu.memory_space<vmem>>) target(%dma_start3A_32 : memref<320x128xf32, #tpu.memory_space<hbm>>) target_semaphore(%run_scoped3A : memref<!tpu.dma_semaphore, #tpu.memory_space<semaphore_mem>>)
      %dma_wait3A = arith.constant 0 : i32
      %dma_wait3A_36 = arith.constant 0 : i32
      %dma_wait3A_37 = tpu.memref_slice %arg6[%dma_wait3A, %dma_wait3A_36] : memref<321x128xf32, #tpu.memory_space<vmem>> -> memref<320x128xf32, #tpu.memory_space<vmem>>
      %dma_wait3A_38 = arith.constant 0 : i32
      %dma_wait3A_39 = tpu.memref_slice %arg5[%mul3A_26, %dma_wait3A_38] : memref<10240x128xf32, #tpu.memory_space<hbm>> -> memref<320x128xf32, #tpu.memory_space<hbm>>
      %dma_wait3A_40 = arith.constant 0 : i32
      %dma_wait3A_41 = tpu.memref_slice %arg5[%mul3A_26, %dma_wait3A_40] : memref<10240x128xf32, #tpu.memory_space<hbm>> -> memref<320x128xf32, #tpu.memory_space<hbm>>
      %dma_wait3A_42 = arith.constant 0 : i32
      %dma_wait3A_43 = arith.constant 0 : i32
      %dma_wait3A_44 = tpu.memref_slice %arg6[%dma_wait3A_42, %dma_wait3A_43] : memref<321x128xf32, #tpu.memory_space<vmem>> -> memref<320x128xf32, #tpu.memory_space<vmem>>
      tpu.wait_dma2 semaphore(%run_scoped3A : memref<!tpu.dma_semaphore, #tpu.memory_space<semaphore_mem>>) src(%dma_wait3A_44 : memref<320x128xf32, #tpu.memory_space<vmem>>) dst(%dma_wait3A_41 : memref<320x128xf32, #tpu.memory_space<hbm>>)
      tpu.yield
    }) : () -> ()
    return
  }
}

module attributes {stable_mosaic.version = 14 : i64} {
  func.func @_mm_pre_body(%arg0: memref<10000x128xf32, #tpu.memory_space<vmem>>, %arg1: memref<256x128xf32, #tpu.memory_space<vmem>>, %arg2: memref<1x128xf32, #tpu.memory_space<vmem>>, %arg3: memref<10000x128xf32, #tpu.memory_space<vmem>>, %arg4: memref<10000x128xf32, #tpu.memory_space<vmem>>) attributes {dimension_semantics = [], scalar_prefetch = 0 : i64, scratch_operands = 0 : i64, tpu.core_type = #tpu.core_type<tc>} {
    %get3A = arith.constant 0 : index
    %get3A_0 = arith.constant 0 : index
    %get3A_1 = vector.load %arg0[%get3A, %get3A_0] : memref<10000x128xf32, #tpu.memory_space<vmem>>, vector<10000x128xf32>
    %get3A_2 = arith.constant 0 : index
    %get3A_3 = arith.constant 0 : index
    %get3A_4 = vector.load %arg1[%get3A_2, %get3A_3] : memref<256x128xf32, #tpu.memory_space<vmem>>, vector<128x128xf32>
    %get3A_5 = arith.constant 128 : index
    %get3A_6 = arith.constant 0 : index
    %get3A_7 = vector.load %arg1[%get3A_5, %get3A_6] : memref<256x128xf32, #tpu.memory_space<vmem>>, vector<128x128xf32>
    %sub3A = arith.subf %get3A_4, %get3A_7 : vector<128x128xf32>
    %dot_general3A = arith.constant dense<0.000000e+00> : vector<10000x128xf32>
    %dot_general3A_8 = tpu.matmul %get3A_1, %sub3A, %dot_general3A {dimension_numbers = #tpu.dot_dimension_numbers<[1], [0], [0], [1], [0, 0, 1, 1], [], []>, transpose_lhs_hint = false} : vector<10000x128xf32>, vector<128x128xf32>, vector<10000x128xf32> -> vector<10000x128xf32>
    %get3A_9 = arith.constant 0 : index
    %get3A_10 = arith.constant 0 : index
    %get3A_11 = vector.load %arg2[%get3A_9, %get3A_10] : memref<1x128xf32, #tpu.memory_space<vmem>>, vector<1x128xf32>
    %add3A = vector.broadcast %get3A_11 : vector<1x128xf32> to vector<10000x128xf32>
    %add3A_12 = arith.addf %dot_general3A_8, %add3A : vector<10000x128xf32>
    %swap3A = arith.constant 0 : index
    %swap3A_13 = arith.constant 0 : index
    %swap3A_14 = vector.load %arg3[%swap3A, %swap3A_13] : memref<10000x128xf32, #tpu.memory_space<vmem>>, vector<10000x128xf32>
    tpu.vector_store %arg3[%swap3A, %swap3A_13], %add3A_12 {strides = array<i32>} : memref<10000x128xf32, #tpu.memory_space<vmem>>, vector<10000x128xf32>,
    %dot_general3A_15 = arith.constant dense<0.000000e+00> : vector<10000x128xf32>
    %dot_general3A_16 = tpu.matmul %get3A_1, %get3A_7, %dot_general3A_15 {dimension_numbers = #tpu.dot_dimension_numbers<[1], [0], [0], [1], [0, 0, 1, 1], [], []>, transpose_lhs_hint = false} : vector<10000x128xf32>, vector<128x128xf32>, vector<10000x128xf32> -> vector<10000x128xf32>
    %swap3A_17 = arith.constant 0 : index
    %swap3A_18 = arith.constant 0 : index
    %swap3A_19 = vector.load %arg4[%swap3A_17, %swap3A_18] : memref<10000x128xf32, #tpu.memory_space<vmem>>, vector<10000x128xf32>
    tpu.vector_store %arg4[%swap3A_17, %swap3A_18], %dot_general3A_16 {strides = array<i32>} : memref<10000x128xf32, #tpu.memory_space<vmem>>, vector<10000x128xf32>,
    return
  }
}

module attributes {stable_mosaic.version = 14 : i64} {
  func.func @_mm_edge_body(%arg0: i32, %arg1: memref<2560x128xf32, #tpu.memory_space<vmem>>, %arg2: memref<128x128xf32, #tpu.memory_space<vmem>>, %arg3: memref<1x128xf32, #tpu.memory_space<vmem>>, %arg4: memref<2560x128xf32, #tpu.memory_space<vmem>>) attributes {dimension_semantics = [#tpu.dimension_semantics<arbitrary>], iteration_bounds = array<i64: 125>, scalar_prefetch = 0 : i64, scratch_operands = 0 : i64, tpu.core_type = #tpu.core_type<tc>, window_params = [{transform_indices = @transform_0, window_bounds = array<i64: 2560, 128>}, {pipeline_mode = #tpu.pipeline_mode<synchronous>, transform_indices = @transform_1, window_bounds = array<i64: 128, 128>}, {pipeline_mode = #tpu.pipeline_mode<synchronous>, transform_indices = @transform_2, window_bounds = array<i64: 1, 128>}, {transform_indices = @transform_3, window_bounds = array<i64: 2560, 128>}]} {
    %get3A = arith.constant 0 : index
    %get3A_0 = arith.constant 0 : index
    %get3A_1 = vector.load %arg1[%get3A, %get3A_0] : memref<2560x128xf32, #tpu.memory_space<vmem>>, vector<2560x128xf32>
    %get3A_2 = arith.constant 0 : index
    %get3A_3 = arith.constant 0 : index
    %get3A_4 = vector.load %arg2[%get3A_2, %get3A_3] : memref<128x128xf32, #tpu.memory_space<vmem>>, vector<128x128xf32>
    %dot_general3A = arith.constant dense<0.000000e+00> : vector<2560x128xf32>
    %dot_general3A_5 = tpu.matmul %get3A_1, %get3A_4, %dot_general3A {dimension_numbers = #tpu.dot_dimension_numbers<[1], [0], [0], [1], [0, 0, 1, 1], [], []>, transpose_lhs_hint = false} : vector<2560x128xf32>, vector<128x128xf32>, vector<2560x128xf32> -> vector<2560x128xf32>
    %get3A_6 = arith.constant 0 : index
    %get3A_7 = arith.constant 0 : index
    %get3A_8 = vector.load %arg3[%get3A_6, %get3A_7] : memref<1x128xf32, #tpu.memory_space<vmem>>, vector<1x128xf32>
    %add3A = vector.broadcast %get3A_8 : vector<1x128xf32> to vector<2560x128xf32>
    %add3A_9 = arith.addf %dot_general3A_5, %add3A : vector<2560x128xf32>
    %swap3A = arith.constant 0 : index
    %swap3A_10 = arith.constant 0 : index
    %swap3A_11 = vector.load %arg4[%swap3A, %swap3A_10] : memref<2560x128xf32, #tpu.memory_space<vmem>>, vector<2560x128xf32>
    tpu.vector_store %arg4[%swap3A, %swap3A_10], %add3A_9 {strides = array<i32>} : memref<2560x128xf32, #tpu.memory_space<vmem>>, vector<2560x128xf32>,
    return
  }
  func.func @transform_0(%arg0: i32) -> (i32, i32) {
    %c0_i32 = arith.constant 0 : i32
    %c0_i32_0 = arith.constant 0 : i32
    return %arg0, %c0_i32 : i32, i32
  }
  func.func @transform_1(%arg0: i32) -> (i32, i32) {
    %c0_i32 = arith.constant 0 : i32
    %c0_i32_0 = arith.constant 0 : i32
    %c0_i32_1 = arith.constant 0 : i32
    return %c0_i32, %c0_i32_0 : i32, i32
  }
  func.func @transform_2(%arg0: i32) -> (i32, i32) {
    %c0_i32 = arith.constant 0 : i32
    %c0_i32_0 = arith.constant 0 : i32
    %c0_i32_1 = arith.constant 0 : i32
    return %c0_i32, %c0_i32_0 : i32, i32
  }
  func.func @transform_3(%arg0: i32) -> (i32, i32) {
    %c0_i32 = arith.constant 0 : i32
    %c0_i32_0 = arith.constant 0 : i32
    return %arg0, %c0_i32 : i32, i32
  }
}

module attributes {stable_mosaic.version = 14 : i64} {
  func.func @_mm_pre_body(%arg0: memref<10000x128xf32, #tpu.memory_space<vmem>>, %arg1: memref<256x128xf32, #tpu.memory_space<vmem>>, %arg2: memref<1x128xf32, #tpu.memory_space<vmem>>, %arg3: memref<10000x128xf32, #tpu.memory_space<vmem>>, %arg4: memref<10000x128xf32, #tpu.memory_space<vmem>>) attributes {dimension_semantics = [], scalar_prefetch = 0 : i64, scratch_operands = 0 : i64, tpu.core_type = #tpu.core_type<tc>} {
    %get3A = arith.constant 0 : index
    %get3A_0 = arith.constant 0 : index
    %get3A_1 = vector.load %arg0[%get3A, %get3A_0] : memref<10000x128xf32, #tpu.memory_space<vmem>>, vector<10000x128xf32>
    %max3A = arith.constant 0.000000e+00 : f32
    %max3A_2 = vector.broadcast %max3A : f32 to vector<10000x128xf32>
    %max3A_3 = arith.maximumf %get3A_1, %max3A_2 : vector<10000x128xf32>
    %get3A_4 = arith.constant 0 : index
    %get3A_5 = arith.constant 0 : index
    %get3A_6 = vector.load %arg1[%get3A_4, %get3A_5] : memref<256x128xf32, #tpu.memory_space<vmem>>, vector<128x128xf32>
    %get3A_7 = arith.constant 128 : index
    %get3A_8 = arith.constant 0 : index
    %get3A_9 = vector.load %arg1[%get3A_7, %get3A_8] : memref<256x128xf32, #tpu.memory_space<vmem>>, vector<128x128xf32>
    %sub3A = arith.subf %get3A_6, %get3A_9 : vector<128x128xf32>
    %dot_general3A = arith.constant dense<0.000000e+00> : vector<10000x128xf32>
    %dot_general3A_10 = tpu.matmul %max3A_3, %sub3A, %dot_general3A {dimension_numbers = #tpu.dot_dimension_numbers<[1], [0], [0], [1], [0, 0, 1, 1], [], []>, transpose_lhs_hint = false} : vector<10000x128xf32>, vector<128x128xf32>, vector<10000x128xf32> -> vector<10000x128xf32>
    %get3A_11 = arith.constant 0 : index
    %get3A_12 = arith.constant 0 : index
    %get3A_13 = vector.load %arg2[%get3A_11, %get3A_12] : memref<1x128xf32, #tpu.memory_space<vmem>>, vector<1x128xf32>
    %add3A = vector.broadcast %get3A_13 : vector<1x128xf32> to vector<10000x128xf32>
    %add3A_14 = arith.addf %dot_general3A_10, %add3A : vector<10000x128xf32>
    %swap3A = arith.constant 0 : index
    %swap3A_15 = arith.constant 0 : index
    %swap3A_16 = vector.load %arg3[%swap3A, %swap3A_15] : memref<10000x128xf32, #tpu.memory_space<vmem>>, vector<10000x128xf32>
    tpu.vector_store %arg3[%swap3A, %swap3A_15], %add3A_14 {strides = array<i32>} : memref<10000x128xf32, #tpu.memory_space<vmem>>, vector<10000x128xf32>,
    %dot_general3A_17 = arith.constant dense<0.000000e+00> : vector<10000x128xf32>
    %dot_general3A_18 = tpu.matmul %max3A_3, %get3A_9, %dot_general3A_17 {dimension_numbers = #tpu.dot_dimension_numbers<[1], [0], [0], [1], [0, 0, 1, 1], [], []>, transpose_lhs_hint = false} : vector<10000x128xf32>, vector<128x128xf32>, vector<10000x128xf32> -> vector<10000x128xf32>
    %swap3A_19 = arith.constant 0 : index
    %swap3A_20 = arith.constant 0 : index
    %swap3A_21 = vector.load %arg4[%swap3A_19, %swap3A_20] : memref<10000x128xf32, #tpu.memory_space<vmem>>, vector<10000x128xf32>
    tpu.vector_store %arg4[%swap3A_19, %swap3A_20], %dot_general3A_18 {strides = array<i32>} : memref<10000x128xf32, #tpu.memory_space<vmem>>, vector<10000x128xf32>,
    return
  }
}

module attributes {stable_mosaic.version = 14 : i64} {
  func.func @_mm_out_body(%arg0: memref<10000x128xf32, #tpu.memory_space<vmem>>, %arg1: memref<128x1xf32, #tpu.memory_space<vmem>>, %arg2: memref<1x1xf32, #tpu.memory_space<vmem>>, %arg3: memref<10000x1xf32, #tpu.memory_space<vmem>>) attributes {dimension_semantics = [], scalar_prefetch = 0 : i64, scratch_operands = 0 : i64, tpu.core_type = #tpu.core_type<tc>} {
    %get3A = arith.constant 0 : index
    %get3A_0 = arith.constant 0 : index
    %get3A_1 = vector.load %arg0[%get3A, %get3A_0] : memref<10000x128xf32, #tpu.memory_space<vmem>>, vector<10000x128xf32>
    %max3A = arith.constant 0.000000e+00 : f32
    %max3A_2 = vector.broadcast %max3A : f32 to vector<10000x128xf32>
    %max3A_3 = arith.maximumf %get3A_1, %max3A_2 : vector<10000x128xf32>
    %get3A_4 = arith.constant 0 : index
    %get3A_5 = arith.constant 0 : index
    %get3A_6 = vector.load %arg1[%get3A_4, %get3A_5] : memref<128x1xf32, #tpu.memory_space<vmem>>, vector<128x1xf32>
    %dot_general3A = arith.constant dense<0.000000e+00> : vector<10000x1xf32>
    %dot_general3A_7 = tpu.matmul %max3A_3, %get3A_6, %dot_general3A {dimension_numbers = #tpu.dot_dimension_numbers<[1], [0], [0], [1], [0, 0, 1, 1], [], []>, transpose_lhs_hint = false} : vector<10000x128xf32>, vector<128x1xf32>, vector<10000x1xf32> -> vector<10000x1xf32>
    %get3A_8 = arith.constant 0 : index
    %get3A_9 = arith.constant 0 : index
    %get3A_10 = vector.load %arg2[%get3A_8, %get3A_9] : memref<1x1xf32, #tpu.memory_space<vmem>>, vector<1x1xf32>
    %add3A = vector.broadcast %get3A_10 : vector<1x1xf32> to vector<10000x1xf32>
    %add3A_11 = arith.addf %dot_general3A_7, %add3A : vector<10000x1xf32>
    %swap3A = arith.constant 0 : index
    %swap3A_12 = arith.constant 0 : index
    %swap3A_13 = vector.load %arg3[%swap3A, %swap3A_12] : memref<10000x1xf32, #tpu.memory_space<vmem>>, vector<10000x1xf32>
    tpu.vector_store %arg3[%swap3A, %swap3A_12], %add3A_11 {strides = array<i32>} : memref<10000x1xf32, #tpu.memory_space<vmem>>, vector<10000x1xf32>,
    return
  }
}

</mosaic_0001>

<sc_bundles>
// kernel: kernel.12.cloned.1.call-start
scs
__scs_entry_jumppad:
0x0: {  	(pc) =	sbr.rel $0x88, $3  }
0x1: {  	(tag) =	ssettag $0x0;
	lr =	simm.s32 $0x1  }
0x2: {  	[smem:$0x3F95] =	sst lr;
	_ =	strace $0xD0000000  }
0x3: {  	_ = 	snop  }
0x4: {  	_ = 	snop  }
0x5: {  	_ = 	snop  }
0x6: {  	_ = 	snop  }
0x7: {  	_ = 	snop  }
__scs_overlays_trampoline_lowered:
0x8: {  	[smem:$0x3FA4] =	sst s0  }
0x9: {  	[smem:$0x3FA5] =	sst s1  }
0xa: {  	[smem:$0x3FA6] =	sst s2  }
0xb: {  	[smem:$0x3FA7] =	sst s3  }
0xc: {  	[smem:$0x3FA8] =	sst s4  }
0xd: {  	[smem:$0x3FA9] =	sst s5  }
0xe: {  	[smem:$0x3FAA] =	sst s6  }
0xf: {  	[smem:$0x3FAB] =	sst s7  }
0x10: {  	[smem:$0x3FAC] =	sst s8  }
0x11: {  	[smem:$0x3FAD] =	sst s9;
	s0 =	simm.s32 @!p0 $0x0  }
0x12: {  	s1 =	sld [smem:$0x3F93];
	s0 =	simm.s32 @p0 $0x1  }
0x13: {  	[smem:$0x3FAE] =	sst s0;
	s0 =	simm.s32 @!p1 $0x0  }
0x14: {  	s2 =	sld [smem:$0x3F92];
	s0 =	simm.s32 @p1 $0x1  }
0x15: {  	[smem:$0x3FAF] =	sst s0;
	s0 =	simm.s32 @!p2 $0x0  }
0x16: {  	s3 =	sld [smem:$0x3FDB];
	s0 =	simm.s32 @p2 $0x1  }
0x17: {  	s4 =	simm.s32 $0x1BF5;
	[smem:$0x3FB1] =	sst s0  }
0x18: {  	s0 =	sld [smem:$0x3F94];
	_ =	swait.ge [sflag:s4], $0x0  }
0x19: {  	s7 =	sld [smem:$0x3F95]  }
0x1a: {  	s8 =	sadd.s32 $0xFFFFE003, lr  }
0x1b: {  	s9 =	sadd.s32 $0xFFFFFEF7, lr;
	s5 =	simm.s32 $0xFFFFFFFF;
	p2 =	slt.u32 s8, $0xFFFFF086  }
0x1c: {  	p1 =	slt.u32 s9, $0xF7A;
	s5 =	simm.s32 @!p2 $0x0  }
0x1d: {  	s5 =	simm.s32 @p1 $0x1;
	p0 =	seq.s32 s7, s2  }
0x1e: {  	s7 =	smul.u32 @!p0 $0xF7A, s2;
	p2 =	seq.s32 @!p0 s5, $0x0  }
0x1f: {  	s9 =	smul.u32 $0xF7A, s1;
	s8 =	simm.s32 @!p0 $0x1BF5;
	p2 =	por !p2, p0  }
0x20: {  	[sflag:s8] =	ssyncset.s32 @!p0 $0xFFFFF086;
	s6 =	sadd.s32 @!p0 s3, s7;
	s7 =	simm.s32 @!p0 $0x108  }
0x21: {  	s3 =	sadd.s32 s3, s9;
	s6 =	sadd.s32 @!p0 $0x88, s6;
	s7 =	simm.s32 @p2 $0x1082  }
0x22: {  	[simem:s7], [sflag:s8] =	dma.local @!p0 [hbm:s6], $0xF7A  }
0x23: {  	s9 =	sor.u32 $0xD0000000, s2;
	s6 =	simm.s32 $0x108;
	_ =	swait.ge @!p0 [sflag:s8], $0x0  }
0x24: {  	s3 =	sadd.s32 $0x88, s3;
	s6 =	simm.s32 @!p1 $0x1082;
	[sflag:s4] =	ssyncset.s32 $0xFFFFF086  }
0x25: {  	[simem:s6], [sflag:s4] =	dma.local [hbm:s3], $0xF7A  }
0x26: {  	[smem:$0x3F95] =	sst s1;
	(tag) =	ssettag s2;
	_ =	strace s9  }
0x27: {  	s1 =	sld [smem:$0x3FA5]  }
0x28: {  	s2 =	sld [smem:$0x3FA6]  }
0x29: {  	s4 =	sld [smem:$0x3FA8]  }
0x2a: {  	p0 =	seq.s32 s5, $0x0;
	s5 =	sld [smem:$0x3FA9]  }
0x2b: {  	s6 =	sld [smem:$0x3FAA]  }
0x2c: {  	s7 =	sld [smem:$0x3FAB]  }
0x2d: {  	s3 =	simm.s32 $0x108;
	s8 =	sld [smem:$0x3FAC]  }
0x2e: {  	s3 =	simm.s32 @!p0 $0x1082;
	s9 =	sld [smem:$0x3FAD]  }
0x2f: {  	lr =	sadd.s32 s0, s3;
	s0 =	sld [smem:$0x3FA4]  }
0x30: {  	s3 =	sld [smem:$0x3FA7]  }
0x31: {  	[smem:$0x3FB0] =	sst s10  }
0x32: {  	s10 =	sld [smem:$0x3FAE];
	_ =	sdelay $0x3  }
0x33: {  	p0 =	seq.s32 s10, $0x1;
	s10 =	sld [smem:$0x3FB0];
	_ =	sdelay $0x3  }
0x34: {  	[smem:$0x3FB0] =	sst s10  }
0x35: {  	s10 =	sld [smem:$0x3FAF];
	_ =	sdelay $0x3  }
0x36: {  	p1 =	seq.s32 s10, $0x1;
	s10 =	sld [smem:$0x3FB0];
	_ =	sdelay $0x3  }
0x37: {  	[smem:$0x3FB0] =	sst s10  }
0x38: {  	s10 =	sld [smem:$0x3FB1]  }
0x39: {  	_ = 	snop;
	(pc) =	sbr.ind lr, $3  }
0x3a: {  	_ = 	snop  }
0x3b: {  	_ = 	snop  }
0x3c: {  	p2 =	seq.s32 s10, $0x1;
	s10 =	sld [smem:$0x3FB0]  }
0x3d: {  	_ =	shalt  }
0x3e: {  	_ =	shalt  }
0x3f: {  	_ =	shalt  }
0x40: {  	_ =	shalt  }
0x41: {  	_ =	shalt  }
0x42: {  	_ =	shalt  }
0x43: {  	_ =	shalt  }
0x44: {  	_ =	shalt  }
0x45: {  	_ =	shalt  }
0x46: {  	_ =	shalt  }
0x47: {  	_ =	shalt  }
0x48: {  	_ =	shalt  }
0x49: {  	_ =	shalt  }
0x4a: {  	_ =	shalt  }
0x4b: {  	_ =	shalt  }
0x4c: {  	_ =	shalt  }
0x4d: {  	_ =	shalt  }
0x4e: {  	_ =	shalt  }
0x4f: {  	_ =	shalt  }
0x50: {  	_ =	shalt  }
0x51: {  	_ =	shalt  }
0x52: {  	_ =	shalt  }
0x53: {  	_ =	shalt  }
0x54: {  	_ =	shalt  }
0x55: {  	_ =	shalt  }
0x56: {  	_ =	shalt  }
0x57: {  	_ =	shalt  }
0x58: {  	_ =	shalt  }
0x59: {  	_ =	shalt  }
0x5a: {  	_ =	shalt  }
0x5b: {  	_ =	shalt  }
0x5c: {  	_ =	shalt  }
0x5d: {  	_ =	shalt  }
0x5e: {  	_ =	shalt  }
0x5f: {  	_ =	shalt  }
0x60: {  	_ =	shalt  }
0x61: {  	_ =	shalt  }
0x62: {  	_ =	shalt  }
0x63: {  	_ =	shalt  }
0x64: {  	_ =	shalt  }
0x65: {  	_ =	shalt  }
0x66: {  	_ =	shalt  }
0x67: {  	_ =	shalt  }
0x68: {  	_ =	shalt  }
0x69: {  	_ =	shalt  }
0x6a: {  	_ =	shalt  }
0x6b: {  	_ =	shalt  }
0x6c: {  	_ =	shalt  }
0x6d: {  	_ =	shalt  }
0x6e: {  	_ =	shalt  }
0x6f: {  	_ =	shalt  }
0x70: {  	_ =	shalt  }
0x71: {  	_ =	shalt  }
0x72: {  	_ =	shalt  }
0x73: {  	_ =	shalt  }
0x74: {  	_ =	shalt  }
0x75: {  	_ =	shalt  }
0x76: {  	_ =	shalt  }
0x77: {  	_ =	shalt  }
0x78: {  	_ =	shalt  }
0x79: {  	_ =	shalt  }
0x7a: {  	_ =	shalt  }
0x7b: {  	_ =	shalt  }
0x7c: {  	_ =	shalt  }
0x7d: {  	_ =	shalt  }
0x7e: {  	_ =	shalt  }
0x7f: {  	_ =	shalt  }
0x80: {  	_ =	shalt  }
0x81: {  	_ =	shalt  }
0x82: {  	_ =	shalt  }
0x83: {  	_ =	shalt  }
0x84: {  	_ =	shalt  }
0x85: {  	_ =	shalt  }
0x86: {  	_ =	shalt  }
0x87: {  	_ =	shalt  }
.Lfunc_end0:
.L_simem_size_0:
called_computation_lowered:
.L_overlay_start_0:
0x88: {  	s2 =	sld [smem:$0x3FD9]  }
0x89: {  	s3 =	sld [smem:$0x3FFE];
	_ =	sdelay $0x1  }
0x8a: {  	s1 =	srdreg.scid  }
0x8b: {  	s0 =	sand.u32 $0x1, s1  }
0x8c: {  	s17 =	sshll.u32 s0, $0xA;
	s2 =	sadd.s32 s3, s2  }
0x8d: {  	s2 =	sadd.s32 s2, s17  }
0x8e: {  	[smem:$0x3FBC] =	sst s2  }
0x8f: {  	_ = 	snop  }
0x90: {  	s18 =	sld [smem:$0x3FD0];
	(tm) =	ssettm $0x1  }
0x91: {  	s19 =	sld [smem:$0x3FFB];
	_ =	sdelay $0x3  }
0x92: {  	_ =	strace s19  }
0x93: {  	s2 =	sld [smem:$0x3FFC];
	_ =	sdelay $0x3  }
0x94: {  	_ =	strace s2  }
0x95: {  	s2 =	sld [smem:$0x3FFD];
	_ =	sdelay $0x3  }
0x96: {  	_ =	strace s2  }
0x97: {  	_ =	strace $0x8FFFFFFF  }
0x98: {  	s20 =	sld [smem:$0x3FDB];
	_ =	sdelay $0x1  }
0x99: {  	s4 =	simm.s32 $_scs_section_size  }
0x9a: {  	s5 =	simm.s32 $_size__tile_overlayer_lowered;
	s6 =	simm.s32 $_tile_overlayer_lowered  }
0x9b: {  	s7 =	simm.s32 $0x1BFF;
	s21 =	sshll.u32 s6, $0x1;
	s4 =	sadd.s32 s4, s20  }
0x9c: {  	s22 =	simm.s32 $0x0;
	s5 =	sshll.u32 s5, $0x1;
	s6 =	sadd.s32 s21, s4  }
0x9d: {  	[timem:s22], [sflag:s7] =	dma.local [hbm:s6], s5  }
0x9e: {  	_ =	swait.ge [sflag:s7], s5  }
0x9f: {  	s5 =	ssub.s32 $0x0, s5;
	[sflag:s7] =	ssyncset.done $0x0  }
0xa0: {  	[sflag:s7] =	ssyncadd.s32 s5;
	_ =	sdelay $0x1  }
0xa1: {  	s23 =	simm.s32 $0x1B8B  }
0xa2: {  	_ =	swait.ge [sflag:s23], $0x1  }
0xa3: {  	[sflag:s23] =	ssyncset.done $0x0  }
0xa4: {  	[sflag:s23] =	ssyncadd.s32 $0xFFFFFFFF  }
0xa5: {  	s5 =	sld [smem:$0x0]  }
0xa6: {  	s6 =	sand.u32 $0xFFFFFFFE, s1  }
0xa7: {  	p0 =	sne.s32 s1, s6  }
0xa8: {  	s6 =	sshll.u32 @p0 s6, $0xE  }
0xa9: {  	s6 =	sadd.s32 @p0 $0x11B8D, s6;
	s7 =	sshll.u32 @p0 s5, $0x11  }
0xaa: {  	s6 =	sor.u32 @p0 s7, s6  }
0xab: {  	[sflag:s6] =	ssyncadd.remote.s32 @p0 $0x1;
	_ =	sdelay $0x1  }
0xac: {  	s6 =	simm.s32 @p0 $0x1B8D  }
0xad: {  	_ =	swait.eq @p0 [sflag:s6], $0x1  }
0xae: {  	[sflag:s6] =	ssyncadd.s32 @p0 $0xFFFFFFFF  }
0xaf: {  	s7 =	sshll.u32 @!p0 s1, $0xE  }
0xb0: {  	s7 =	sor.u32 @!p0 $0x4000, s7;
	s6 =	simm.s32 @!p0 $0x1B8D  }
0xb1: {  	s5 =	sshll.u32 @!p0 s5, $0x11;
	s7 =	sadd.s32 @!p0 $0x11B8D, s7;
	_ =	swait.eq @!p0 [sflag:s6], $0x1  }
0xb2: {  	s5 =	sor.u32 @!p0 s5, s7;
	[sflag:s6] =	ssyncadd.s32 @!p0 $0xFFFFFFFF  }
0xb3: {  	s25 =	simm.s32 $0x1B8E;
	s24 =	sld [smem:$0x3FFE];
	[sflag:s5] =	ssyncadd.remote.s32 @!p0 $0x1  }
0xb4: {  	s26 =	simm.s32 $execute0_lowered;
	[smem:$0x3FD2] =	sst s25  }
0xb5: {  	s6 =	sshll.u32 s26, $0x1;
	_ =	strace $0x80000049;
	[dreg:$0x1] =	wrdreg $0xFFFFFFFF  }
0xb6: {  	s28 =	simm.s32 $_size_execute0_lowered;
	s4 =	sadd.s32 s4, s6;
	[dreg:$0x0] =	wrdreg $0x0  }
0xb7: {  	s6 =	sshll.u32 s28, $0x1;
	[dreg:$0x2] =	wrdreg s4  }
0xb8: {  	[dreg:$0x3] =	wrdreg s6  }
0xb9: {  	[dreg:$0x4] =	wrdreg $0xC0  }
0xba: {  	_ =	task [dreg:s22], $0x5FFFF  }
0xbb: {  	[dreg:$0x1] =	wrdreg $0xFFFFFFFF  }
0xbc: {  	[dreg:$0x0] =	wrdreg $0x60  }
0xbd: {  	[dreg:$0x2] =	wrdreg s24  }
0xbe: {  	[dreg:$0x3] =	wrdreg s18  }
0xbf: {  	[dreg:$0x4] =	wrdreg $0x9  }
0xc0: {  	_ =	task.clear_ibuf [dreg:s22], $0x5FFFF;
	_ =	strace $0x90000049  }
0xc1: {  	s29 =	simm.s32 $0x9;
	_ =	strace $0x8000004B  }
0xc2: {  	_ =	swait.ge [sflag:s29], $0x1  }
0xc3: {  	[sflag:s29] =	ssyncadd.s32 $0xFFFFFFFF  }
0xc4: {  	_ =	strace $0x9000004B  }
0xc5: {  	_ =	sfence  }
0xc6: {  	s30 =	sld [smem:$0x0];
	_ =	sdelay $0x2  }
0xc7: {  	s31 =	sshll.u32 s1, $0xD;
	s1 =	sshrl.u32 s1, $0x2  }
0xc8: {  	s4 =	sand.u32 $0x4000, s31;
	s1 =	sadd.s32 s1, s30  }
0xc9: {  	s0 =	sor.u32 s4, s0;
	s1 =	sshll.u32 s1, $0x11  }
0xca: {  	s0 =	sor.u32 s1, s0  }
0xcb: {  	s0 =	sadd.s32 $0x8F2B, s0  }
0xcc: {  	[sflag:s0] =	ssyncadd.remote.s32 $0x1  }
0xcd: {  	_ =	sfence.sel $0xFFFF  }
0xce: {  	[dreg:$0x0] =	wrdreg $0xFFFFFFFF;
	(pc) =	sbr.abs _section_cstart, $3  }
0xcf: {  	[dreg:$0x1] =	wrdreg $0xFFFFFFFF  }
0xd0: {  	_ =	task.clear_ibuf [dreg:s22], $0x2FFFF;
	_ =	strace $0x9FFFFFFF  }
0xd1: {  	(tm) =	ssettm $0x7FFFFFFF  }
tec
execute0_lowered:
.L_overlay_start_1:
0x0: {  	(tag) =	ssettag $0x1  }
0x1: {  	s4 =	rddreg [dreg:$0x0]  }
0x2: {  	s6 =	rddreg [dreg:$0x1]  }
0x3: {  	s0 =	rddreg [dreg:$0x2];
	s2 =	simm.s32 $0x0;
	s3 =	srdreg.scid  }
0x4: {  	s1 =	stileid.u32;
	[smem:$0x7FF] =	sst s2;
	s5 =	sand.u32 $0x1, s3  }
0x5: {  	s31 =	sshll.u32 s1, $0x1;
	s3 =	sadd.s32 $0x2A00, s4;
	s9 =	sshrl.u32 s1, $0x2  }
0x6: {  	s4 =	sadd.s32 $0x546A00, s4;
	s7 =	sor.u32 s5, s31;
	s9 =	smul.u32 $0x271000, s9  }
0x7: {  	_ =	strace $0x8000004A;
	s5 =	ssub.s32 $0x2, s5;
	s8 =	smul.u32 $0x140, s7  }
0x8: {  	s10 =	sshll.u32 s7, $0x7;
	s11 =	sshrl.u32 s5, $0x1;
	s6 =	sadd.s32 s6, s7  }
0x9: {  	s10 =	sand.u32 $0x380, s10;
	s11 =	ssub.s32 s5, s11;
	s12 =	sadd.s32 $0x140, s8  }
0xa: {  	v3 =	vlaneseq.u32;
	v2 =	vimm.s32 $0x140;
	s5 =	sor.u32 s10, s9;
	v0 =	vmov s8;
	s7 =	smax.u32 s11, $0x1;
	s8 =	simm.s32 $0x1  }
0xb: {  	v4 =	vimm.s32 $0x0;
	v3 =	vmul.u32 $0x200, v3;
	s9 =	simm.s32 $0x800;
	s10 =	simm.s32 $0x880;
	s11 =	simm.s32 $0x0;
	v1 =	vmov s12  }
.LBB2_1:
0xc: {  	[tilespmem:$0x800] =	vst v2  }
0xd: {  	[tilespmem:$0x810] =	vst v2  }
0xe: {  	[tilespmem:$0x820] =	vst v2  }
0xf: {  	[tilespmem:$0x830] =	vst v2  }
0x10: {  	[tilespmem:$0x840] =	vst v2  }
0x11: {  	[tilespmem:$0x850] =	vst v2  }
0x12: {  	[tilespmem:$0x860] =	vst v2;
	s12 =	simm.s32 $0x0  }
0x13: {  	[tilespmem:$0x870] =	vst v2;
	s15 =	simm.s32 $0x0;
	s18 =	simm.s32 $0x0;
	s13 =	simm.s32 $0x0  }
.LBB2_2:
0x14: {  	s14 =	smul.u32 $0x7D0, s13;
	_ =	sdelay $0x1  }
0x15: {  	s14 =	sshrl.u32 s14, $0x3  }
0x16: {  	s16 =	simm.s32 $0x0;
	s14 =	sadd.s32 s3, s14  }
0x17: {  	[tilespmem:s16], [sflag:$0x1] =	stream.linear.gather [hbm4b:s14+s16], $0x7D0, $0x38;
	[tilespmem:$0x900] =	vst v63  }
0x18: {  	_ =	swait.ge [sflag:s8], $0x7D0  }
0x19: {  	[sflag:s8] =	ssyncset.done $0x0  }
0x1a: {  	s30 =	simm.s32 $0x0;
	[sflag:s8] =	ssyncadd.s32 $0xFFFFF830  }
0x1b: {  	v5 =	vld [tilespmem:s30+$0x0];
	_ =	sdelay $0x4  }
0x1c: {  	vm0 =	vge.s32 v5, v0;
	vm1 =	vlt.s32 v5, v1  }
0x1d: {  	vm0 =	vmand vm0, vm1  }
0x1e: {  	v6 =	vsel vm0, $0x1, v4  }
0x1f: {  	(xrf0) =	vadd.scan.msk.s32 $0xffff, v6;
	_ =	sdelay $0x5  }
0x20: {  	v7, _, _ =	vpop (xrf0)  }
0x21: {  	(v2sf) =	vpush v7, $0xF;
	v7 =	vmov s12  }
0x22: {  	v7 =	vshll.u32 v7, $0x9  }
0x23: {  	v7 =	vor.u32 v3, v7  }
0x24: {  	v7 =	vsub.s32 v7, v0  }
0x25: {  	v5 =	vadd.s32 v5, v7  }
0x26: {  	v6 =	vxor.u32 $0x80000001, v6;
	v5 =	vnsel vm0, $0x140, v5  }
0x27: {  	(xrf1) =	vsort.ascd.msk.u32 $0xffff, v6, v5;
	_ =	sdelay $0x8  }
0x28: {  	s31 =	spop (v2sf)  }
0x29: {  	s14 =	sadd.s32 s18, s31  }
0x2a: {  	p1 =	slt.s32 s14, $0x70  }
0x2b: {  	s17 =	simm.s32 $0x80;
	s19 =	sshll.u32 @!p1 s15, $0xA  }
0x2c: {  	s16 =	simm.s32 $0x40;
	p0 =	sgt.s32 s14, $0x6F;
	s19 =	sadd.s32 @!p1 s5, s19  }
0x2d: {  	s21 =	simm.s32 @!p1 $0x1;
	s20 =	simm.s32 @!p1 $0x800;
	_, v5, _ =	vpop (xrf1);
	s19 =	sshrl.u32 @!p1 s19, $0x3  }
0x2e: {  	s14 =	simm.s32 @p0 $0x0;
	[tilespmem:s18+$0x800] =	vst v5;
	s18 =	sadd.s32 @!p1 s4, s19;
	s19 =	simm.s32 @!p1 $0x0  }
0x2f: {  	[hbm4b:s18+s19] =	stream.linear.scatter @!p1 [tilespmem:s20], [sflag:$0x1], $0x80, $0x38;
	[tilespmem:$0x900] =	vst v63  }
0x30: {  	s19 =	sadd.s32 @!p1 $0x1, s15;
	s18 =	sadd.s32 $0x10, s12;
	_ =	swait.ge @!p1 [sflag:s21], $0x80  }
0x31: {  	s19 =	smov.u32 @p1 s15;
	s15 =	smov.u32 s14;
	[sflag:s21] =	ssyncset.done @!p1 $0x0  }
.LBB2_3:
0x32: {  	s20 =	smov.u32 s19;
	s19 =	sshra.s32 s16, $0x2  }
0x33: {  	s16 =	smov.u32 s17;
	s17 =	sadd.s32 $0x40, s17;
	[sflag:s21] =	ssyncadd.s32 @!p1 $0xFFFFFF80  }
0x34: {  	p0 =	sne.s32 s17, $0x1F40;
	v5 =	vld [tilespmem:s19+$0x0]  }
0x35: {  	v6 =	vmov s18  }
0x36: {  	v6 =	vshll.u32 v6, $0x9  }
0x37: {  	v6 =	vor.u32 v3, v6  }
0x38: {  	v6 =	vsub.s32 v6, v0  }
0x39: {  	vm0 =	vge.s32 v5, v0;
	vm1 =	vlt.s32 v5, v1;
	v5 =	vadd.s32 v5, v6  }
0x3a: {  	vm0 =	vmand vm0, vm1  }
0x3b: {  	v5 =	vnsel vm0, $0x140, v5;
	v6 =	vsel vm0, $0x1, v4  }
0x3c: {  	v7 =	vxor.u32 $0x80000001, v6;
	(xrf0) =	vadd.scan.msk.s32 $0xffff, v6  }
0x3d: {  	(xrf1) =	vsort.ascd.msk.u32 $0xffff, v7, v5;
	_ =	sdelay $0x4  }
0x3e: {  	v5, _, _ =	vpop (xrf0)  }
0x3f: {  	(v2sf) =	vpush v5, $0xF;
	_ =	sdelay $0x7  }
0x40: {  	_, v5, _ =	vpop (xrf1);
	_ =	sdelay $0x6  }
0x41: {  	s19 =	spop (v2sf)  }
0x42: {  	s14 =	sadd.s32 s14, s19  }
0x43: {  	p1 =	slt.s32 s14, $0x70;
	p2 =	sgt.s32 s14, $0x6F  }
0x44: {  	s14 =	simm.s32 @p2 $0x0;
	s21 =	sshll.u32 @!p1 s20, $0xA;
	s19 =	sadd.s32 @!p1 $0x1, s20  }
0x45: {  	s21 =	sadd.s32 @!p1 s5, s21;
	s19 =	smov.u32 @p1 s20  }
.Ltmp0:
0x46: {  	s20 =	sshrl.u32 @!p1 s21, $0x3;
	s21 =	simm.s32 @!p1 $0x1;
	(pc) =	sbr.rel @p0 .LBB2_3-.Ltmp0, $4  }
0x47: {  	s22 =	simm.s32 @!p1 $0x800;
	[tilespmem:s15+$0x800] =	vst v5;
	s15 =	sadd.s32 @!p1 s4, s20;
	s20 =	simm.s32 @!p1 $0x0  }
0x48: {  	[hbm4b:s15+s20] =	stream.linear.scatter @!p1 [tilespmem:s22], [sflag:$0x1], $0x80, $0x38;
	[tilespmem:$0x900] =	vst v63  }
0x49: {  	s15 =	smov.u32 s14;
	_ =	swait.ge @!p1 [sflag:s21], $0x80  }
0x4a: {  	s18 =	sadd.s32 $0x10, s18;
	[sflag:s21] =	ssyncset.done @!p1 $0x0  }
0x4b: {  	s16 =	sshra.s32 s16, $0x2;
	[sflag:s21] =	ssyncadd.s32 @!p1 $0xFFFFFF80  }
0x4c: {  	v5 =	vld [tilespmem:s16+$0x0];
	_ =	sdelay $0x4  }
0x4d: {  	vm0 =	vge.s32 v5, v0;
	vm1 =	vlt.s32 v5, v1  }
0x4e: {  	vm0 =	vmand vm0, vm1  }
0x4f: {  	v6 =	vsel vm0, $0x1, v4  }
0x50: {  	(xrf0) =	vadd.scan.msk.s32 $0xffff, v6;
	_ =	sdelay $0x5  }
0x51: {  	v7, _, _ =	vpop (xrf0)  }
0x52: {  	(v2sf) =	vpush v7, $0xF;
	v7 =	vmov s18  }
0x53: {  	v7 =	vshll.u32 v7, $0x9  }
0x54: {  	v7 =	vor.u32 v3, v7  }
0x55: {  	v7 =	vsub.s32 v7, v0  }
0x56: {  	v5 =	vadd.s32 v5, v7  }
0x57: {  	v6 =	vxor.u32 $0x80000001, v6;
	v5 =	vnsel vm0, $0x140, v5  }
0x58: {  	(xrf1) =	vsort.ascd.msk.u32 $0xffff, v6, v5;
	_ =	sdelay $0x8  }
0x59: {  	s31 =	spop (v2sf)  }
0x5a: {  	s18 =	sadd.s32 s14, s31  }
0x5b: {  	p0 =	slt.s32 s18, $0x70  }
0x5c: {  	s13 =	sadd.s32 $0x1, s13;
	p1 =	sgt.s32 s18, $0x6F;
	s14 =	sshll.u32 @!p0 s19, $0xA  }
0x5d: {  	s16 =	simm.s32 @!p0 $0x1;
	s17 =	simm.s32 @!p0 $0x800;
	s14 =	sadd.s32 @!p0 s5, s14  }
0x5e: {  	s18 =	simm.s32 @p1 $0x0;
	p1 =	sne.s32 s13, $0xA0;
	_, v5, _ =	vpop (xrf1);
	s14 =	sshrl.u32 @!p0 s14, $0x3  }
.Ltmp1:
0x5f: {  	[tilespmem:s15+$0x800] =	vst v5;
	s14 =	sadd.s32 @!p0 s4, s14;
	s15 =	simm.s32 @!p0 $0x0;
	(pc) =	sbr.rel @p1 .LBB2_2-.Ltmp1, $4  }
0x60: {  	[hbm4b:s14+s15] =	stream.linear.scatter @!p0 [tilespmem:s17], [sflag:$0x1], $0x80, $0x38;
	[tilespmem:$0x900] =	vst v63  }
0x61: {  	_ =	swait.ge @!p0 [sflag:s16], $0x80  }
0x62: {  	s15 =	sadd.s32 @!p0 $0x1, s19;
	[sflag:s16] =	ssyncset.done @!p0 $0x0  }
0x63: {  	s12 =	sadd.s32 $0x7D0, s12;
	s15 =	smov.u32 @p0 s19;
	[sflag:s16] =	ssyncadd.s32 @!p0 $0xFFFFFF80  }
0x64: {  	s12 =	sshll.u32 s15, $0xA  }
0x65: {  	s12 =	sadd.s32 s5, s12  }
0x66: {  	s12 =	sshrl.u32 s12, $0x3  }
0x67: {  	s12 =	sadd.s32 s4, s12  }
0x68: {  	[hbm4b:s12+s2] =	stream.linear.scatter [tilespmem:s9], [sflag:$0x1], $0x80, $0x38;
	[tilespmem:$0x900] =	vst v63  }
0x69: {  	_ =	swait.ge [sflag:s8], $0x80  }
0x6a: {  	s31 =	sadd.s32 $0x1, s15;
	s11 =	sadd.s32 $0x1, s11;
	[sflag:s8] =	ssyncset.done $0x0  }
0x6b: {  	v5 =	vmov s31;
	p0 =	sne.s32 s11, s7;
	[sflag:s8] =	ssyncadd.s32 $0xFFFFFF80  }
.Ltmp2:
0x6c: {  	[tilespmem:$0x880] =	vst v5;
	(pc) =	sbr.rel @p0 .LBB2_1-.Ltmp2, $4  }
0x6d: {  	[hbm4b:s6+s2] =	stream.linear.scatter [tilespmem:s10], [sflag:$0x1], $0x8, $0x38;
	[tilespmem:$0x900] =	vst v63  }
0x6e: {  	_ =	swait.ge [sflag:s8], $0x8  }
0x6f: {  	[sflag:s8] =	ssyncset.done $0x0  }
0x70: {  	[sflag:s8] =	ssyncadd.s32 $0xFFFFFFF8  }
0x71: {  	_ =	sfence.sel $0x180000  }
0x72: {  	[bflag:$0x0] =	sbarrier.arrive $0xFFFF  }
0x73: {  	p0 =	sne.s32 s1, $0x0;
	_ =	strace $0x9000004A  }
0x74: {  	s0 =	sadd.s32 @!p0 $0x100000, s0;
	[bflag:$0x2] =	sbarrier.arrive $0xFFFF  }
0x75: {  	[sflag:s0] =	ssyncadd.tile.s32 @!p0 $0x1;
	_ =	shalt  }
.Lfunc_end2:
_tile_overlayer_lowered:
.L_overlay_start_2:
0x76: {  	(tag) =	ssettag $0x2  }
0x77: {  	s0 =	rddreg [dreg:$0x0];
	s2 =	stileid.u32  }
0x78: {  	s1 =	rddreg [dreg:$0x1];
	p0 =	sne.s32 s2, $0x0  }
0x79: {  	s3 =	rddreg [dreg:$0x2];
	[bflag:$0x3] =	sbarrier.arrive $0xFFFF;
	s2 =	simm.s32 @!p0 $0x1C01  }
0x7a: {  	[timem:s3], [sflag:s2] =	dma.local @!p0 [hbm:s0], s1  }
0x7b: {  	s0 =	simm.s32 @!p0 $0x1  }
0x7c: {  	_ =	swait.ge @!p0 [sflag:s0], s1  }
0x7d: {  	s1 =	ssub.s32 @!p0 $0x0, s1;
	[sflag:s0] =	ssyncset.done @!p0 $0x0  }
0x7e: {  	[sflag:s0] =	ssyncadd.s32 @!p0 s1  }
0x7f: {  	[bflag:$0x3] =	sbarrier.arrive $0xFFFF  }
0x80: {  	_ =	shalt  }

// kernel: kernel.15.cloned.1.call-start
scs
__scs_entry_jumppad:
0x0: {  	(pc) =	sbr.rel $0x88, $3  }
0x1: {  	(tag) =	ssettag $0x0;
	lr =	simm.s32 $0x1  }
0x2: {  	[smem:$0x3F95] =	sst lr;
	_ =	strace $0xD0000000  }
0x3: {  	_ = 	snop  }
0x4: {  	_ = 	snop  }
0x5: {  	_ = 	snop  }
0x6: {  	_ = 	snop  }
0x7: {  	_ = 	snop  }
__scs_overlays_trampoline_lowered:
0x8: {  	[smem:$0x3FA4] =	sst s0  }
0x9: {  	[smem:$0x3FA5] =	sst s1  }
0xa: {  	[smem:$0x3FA6] =	sst s2  }
0xb: {  	[smem:$0x3FA7] =	sst s3  }
0xc: {  	[smem:$0x3FA8] =	sst s4  }
0xd: {  	[smem:$0x3FA9] =	sst s5  }
0xe: {  	[smem:$0x3FAA] =	sst s6  }
0xf: {  	[smem:$0x3FAB] =	sst s7  }
0x10: {  	[smem:$0x3FAC] =	sst s8  }
0x11: {  	[smem:$0x3FAD] =	sst s9;
	s0 =	simm.s32 @!p0 $0x0  }
0x12: {  	s1 =	sld [smem:$0x3F93];
	s0 =	simm.s32 @p0 $0x1  }
0x13: {  	[smem:$0x3FAE] =	sst s0;
	s0 =	simm.s32 @!p1 $0x0  }
0x14: {  	s2 =	sld [smem:$0x3F92];
	s0 =	simm.s32 @p1 $0x1  }
0x15: {  	[smem:$0x3FAF] =	sst s0;
	s0 =	simm.s32 @!p2 $0x0  }
0x16: {  	s3 =	sld [smem:$0x3FDB];
	s0 =	simm.s32 @p2 $0x1  }
0x17: {  	s4 =	simm.s32 $0x1BF5;
	[smem:$0x3FB1] =	sst s0  }
0x18: {  	s0 =	sld [smem:$0x3F94];
	_ =	swait.ge [sflag:s4], $0x0  }
0x19: {  	s7 =	sld [smem:$0x3F95]  }
0x1a: {  	s8 =	sadd.s32 $0xFFFFE003, lr  }
0x1b: {  	s9 =	sadd.s32 $0xFFFFFEF7, lr;
	s5 =	simm.s32 $0xFFFFFFFF;
	p2 =	slt.u32 s8, $0xFFFFF086  }
0x1c: {  	p1 =	slt.u32 s9, $0xF7A;
	s5 =	simm.s32 @!p2 $0x0  }
0x1d: {  	s5 =	simm.s32 @p1 $0x1;
	p0 =	seq.s32 s7, s2  }
0x1e: {  	s7 =	smul.u32 @!p0 $0xF7A, s2;
	p2 =	seq.s32 @!p0 s5, $0x0  }
0x1f: {  	s9 =	smul.u32 $0xF7A, s1;
	s8 =	simm.s32 @!p0 $0x1BF5;
	p2 =	por !p2, p0  }
0x20: {  	[sflag:s8] =	ssyncset.s32 @!p0 $0xFFFFF086;
	s6 =	sadd.s32 @!p0 s3, s7;
	s7 =	simm.s32 @!p0 $0x108  }
0x21: {  	s3 =	sadd.s32 s3, s9;
	s6 =	sadd.s32 @!p0 $0x88, s6;
	s7 =	simm.s32 @p2 $0x1082  }
0x22: {  	[simem:s7], [sflag:s8] =	dma.local @!p0 [hbm:s6], $0xF7A  }
0x23: {  	s9 =	sor.u32 $0xD0000000, s2;
	s6 =	simm.s32 $0x108;
	_ =	swait.ge @!p0 [sflag:s8], $0x0  }
0x24: {  	s3 =	sadd.s32 $0x88, s3;
	s6 =	simm.s32 @!p1 $0x1082;
	[sflag:s4] =	ssyncset.s32 $0xFFFFF086  }
0x25: {  	[simem:s6], [sflag:s4] =	dma.local [hbm:s3], $0xF7A  }
0x26: {  	[smem:$0x3F95] =	sst s1;
	(tag) =	ssettag s2;
	_ =	strace s9  }
0x27: {  	s1 =	sld [smem:$0x3FA5]  }
0x28: {  	s2 =	sld [smem:$0x3FA6]  }
0x29: {  	s4 =	sld [smem:$0x3FA8]  }
0x2a: {  	p0 =	seq.s32 s5, $0x0;
	s5 =	sld [smem:$0x3FA9]  }
0x2b: {  	s6 =	sld [smem:$0x3FAA]  }
0x2c: {  	s7 =	sld [smem:$0x3FAB]  }
0x2d: {  	s3 =	simm.s32 $0x108;
	s8 =	sld [smem:$0x3FAC]  }
0x2e: {  	s3 =	simm.s32 @!p0 $0x1082;
	s9 =	sld [smem:$0x3FAD]  }
0x2f: {  	lr =	sadd.s32 s0, s3;
	s0 =	sld [smem:$0x3FA4]  }
0x30: {  	s3 =	sld [smem:$0x3FA7]  }
0x31: {  	[smem:$0x3FB0] =	sst s10  }
0x32: {  	s10 =	sld [smem:$0x3FAE];
	_ =	sdelay $0x3  }
0x33: {  	p0 =	seq.s32 s10, $0x1;
	s10 =	sld [smem:$0x3FB0];
	_ =	sdelay $0x3  }
0x34: {  	[smem:$0x3FB0] =	sst s10  }
0x35: {  	s10 =	sld [smem:$0x3FAF];
	_ =	sdelay $0x3  }
0x36: {  	p1 =	seq.s32 s10, $0x1;
	s10 =	sld [smem:$0x3FB0];
	_ =	sdelay $0x3  }
0x37: {  	[smem:$0x3FB0] =	sst s10  }
0x38: {  	s10 =	sld [smem:$0x3FB1]  }
0x39: {  	_ = 	snop;
	(pc) =	sbr.ind lr, $3  }
0x3a: {  	_ = 	snop  }
0x3b: {  	_ = 	snop  }
0x3c: {  	p2 =	seq.s32 s10, $0x1;
	s10 =	sld [smem:$0x3FB0]  }
0x3d: {  	_ =	shalt  }
0x3e: {  	_ =	shalt  }
0x3f: {  	_ =	shalt  }
0x40: {  	_ =	shalt  }
0x41: {  	_ =	shalt  }
0x42: {  	_ =	shalt  }
0x43: {  	_ =	shalt  }
0x44: {  	_ =	shalt  }
0x45: {  	_ =	shalt  }
0x46: {  	_ =	shalt  }
0x47: {  	_ =	shalt  }
0x48: {  	_ =	shalt  }
0x49: {  	_ =	shalt  }
0x4a: {  	_ =	shalt  }
0x4b: {  	_ =	shalt  }
0x4c: {  	_ =	shalt  }
0x4d: {  	_ =	shalt  }
0x4e: {  	_ =	shalt  }
0x4f: {  	_ =	shalt  }
0x50: {  	_ =	shalt  }
0x51: {  	_ =	shalt  }
0x52: {  	_ =	shalt  }
0x53: {  	_ =	shalt  }
0x54: {  	_ =	shalt  }
0x55: {  	_ =	shalt  }
0x56: {  	_ =	shalt  }
0x57: {  	_ =	shalt  }
0x58: {  	_ =	shalt  }
0x59: {  	_ =	shalt  }
0x5a: {  	_ =	shalt  }
0x5b: {  	_ =	shalt  }
0x5c: {  	_ =	shalt  }
0x5d: {  	_ =	shalt  }
0x5e: {  	_ =	shalt  }
0x5f: {  	_ =	shalt  }
0x60: {  	_ =	shalt  }
0x61: {  	_ =	shalt  }
0x62: {  	_ =	shalt  }
0x63: {  	_ =	shalt  }
0x64: {  	_ =	shalt  }
0x65: {  	_ =	shalt  }
0x66: {  	_ =	shalt  }
0x67: {  	_ =	shalt  }
0x68: {  	_ =	shalt  }
0x69: {  	_ =	shalt  }
0x6a: {  	_ =	shalt  }
0x6b: {  	_ =	shalt  }
0x6c: {  	_ =	shalt  }
0x6d: {  	_ =	shalt  }
0x6e: {  	_ =	shalt  }
0x6f: {  	_ =	shalt  }
0x70: {  	_ =	shalt  }
0x71: {  	_ =	shalt  }
0x72: {  	_ =	shalt  }
0x73: {  	_ =	shalt  }
0x74: {  	_ =	shalt  }
0x75: {  	_ =	shalt  }
0x76: {  	_ =	shalt  }
0x77: {  	_ =	shalt  }
0x78: {  	_ =	shalt  }
0x79: {  	_ =	shalt  }
0x7a: {  	_ =	shalt  }
0x7b: {  	_ =	shalt  }
0x7c: {  	_ =	shalt  }
0x7d: {  	_ =	shalt  }
0x7e: {  	_ =	shalt  }
0x7f: {  	_ =	shalt  }
0x80: {  	_ =	shalt  }
0x81: {  	_ =	shalt  }
0x82: {  	_ =	shalt  }
0x83: {  	_ =	shalt  }
0x84: {  	_ =	shalt  }
0x85: {  	_ =	shalt  }
0x86: {  	_ =	shalt  }
0x87: {  	_ =	shalt  }
.Lfunc_end0:
.L_simem_size_0:
called_computation.1_lowered:
.L_overlay_start_0:
0x88: {  	s2 =	sld [smem:$0x3FD9]  }
0x89: {  	s3 =	sld [smem:$0x3FFE];
	_ =	sdelay $0x1  }
0x8a: {  	s1 =	srdreg.scid  }
0x8b: {  	s0 =	sand.u32 $0x1, s1  }
0x8c: {  	s16 =	sshll.u32 s0, $0xA;
	s2 =	sadd.s32 s3, s2  }
0x8d: {  	s2 =	sadd.s32 s2, s16  }
0x8e: {  	[smem:$0x3FBC] =	sst s2  }
0x8f: {  	_ = 	snop  }
0x90: {  	(tm) =	ssettm $0x1  }
0x91: {  	s17 =	sld [smem:$0x3FFB];
	_ =	sdelay $0x3  }
0x92: {  	_ =	strace s17  }
0x93: {  	s2 =	sld [smem:$0x3FFC];
	_ =	sdelay $0x3  }
0x94: {  	_ =	strace s2  }
0x95: {  	s2 =	sld [smem:$0x3FFD];
	_ =	sdelay $0x3  }
0x96: {  	_ =	strace s2  }
0x97: {  	_ =	strace $0x8FFFFFFF  }
0x98: {  	s18 =	sld [smem:$0x3FDB];
	_ =	sdelay $0x1  }
0x99: {  	s19 =	simm.s32 $_scs_section_size  }
0x9a: {  	s4 =	simm.s32 $_size__tile_overlayer_lowered;
	s5 =	simm.s32 $_tile_overlayer_lowered  }
0x9b: {  	s22 =	simm.s32 $0x1BFF;
	s21 =	sshll.u32 s5, $0x1;
	s2 =	sadd.s32 s19, s18  }
0x9c: {  	s6 =	simm.s32 $0x0;
	s20 =	sshll.u32 s4, $0x1;
	s4 =	sadd.s32 s21, s2  }
0x9d: {  	[timem:s6], [sflag:s22] =	dma.local [hbm:s4], s20  }
0x9e: {  	_ =	swait.ge [sflag:s22], s20  }
0x9f: {  	s3 =	ssub.s32 $0x0, s20;
	[sflag:s22] =	ssyncset.done $0x0  }
0xa0: {  	[sflag:s22] =	ssyncadd.s32 s3;
	_ =	sdelay $0x1  }
0xa1: {  	s23 =	simm.s32 $0x1B8B  }
0xa2: {  	_ =	swait.ge [sflag:s23], $0x1  }
0xa3: {  	[sflag:s23] =	ssyncset.done $0x0  }
0xa4: {  	s25 =	simm.s32 $0x1B8E;
	s24 =	sld [smem:$0x3FFE];
	[sflag:s23] =	ssyncadd.s32 $0xFFFFFFFF  }
0xa5: {  	s26 =	simm.s32 $execute0_lowered;
	[smem:$0x3FD2] =	sst s25  }
0xa6: {  	s4 =	sshll.u32 s26, $0x1;
	_ =	strace $0x80000046;
	[dreg:$0x1] =	wrdreg $0xFFFFFFFF  }
0xa7: {  	s28 =	simm.s32 $_size_execute0_lowered;
	s2 =	sadd.s32 s2, s4;
	[dreg:$0x0] =	wrdreg $0x0  }
0xa8: {  	s4 =	sshll.u32 s28, $0x1;
	[dreg:$0x2] =	wrdreg s2  }
0xa9: {  	[dreg:$0x3] =	wrdreg s4  }
0xaa: {  	[dreg:$0x4] =	wrdreg $0xC0  }
0xab: {  	_ =	task [dreg:s6], $0x5FFFF  }
0xac: {  	[dreg:$0x1] =	wrdreg $0xFFFFFFFF  }
0xad: {  	[dreg:$0x0] =	wrdreg $0x60  }
0xae: {  	[dreg:$0x2] =	wrdreg s24  }
0xaf: {  	[dreg:$0x3] =	wrdreg $0xA  }
0xb0: {  	_ =	task.clear_ibuf [dreg:s6], $0x4FFFF;
	_ =	strace $0x90000046  }
0xb1: {  	s29 =	simm.s32 $0xA;
	_ =	strace $0x80000048  }
0xb2: {  	_ =	swait.ge [sflag:s29], $0x1  }
0xb3: {  	[sflag:s29] =	ssyncadd.s32 $0xFFFFFFFF  }
0xb4: {  	_ =	strace $0x90000048  }
0xb5: {  	_ =	sfence  }
0xb6: {  	s30 =	sld [smem:$0x0];
	_ =	sdelay $0x2  }
0xb7: {  	s31 =	sshll.u32 s1, $0xD;
	s1 =	sshrl.u32 s1, $0x2  }
0xb8: {  	s3 =	sand.u32 $0x4000, s31;
	s1 =	sadd.s32 s1, s30  }
0xb9: {  	s0 =	sor.u32 s3, s0;
	s1 =	sshll.u32 s1, $0x11  }
0xba: {  	s0 =	sor.u32 s1, s0  }
0xbb: {  	s0 =	sadd.s32 $0x8F2B, s0  }
0xbc: {  	[sflag:s0] =	ssyncadd.remote.s32 $0x1  }
0xbd: {  	_ =	sfence.sel $0xFFFF  }
0xbe: {  	[dreg:$0x0] =	wrdreg $0xFFFFFFFF;
	(pc) =	sbr.abs _section_cstart, $3  }
0xbf: {  	[dreg:$0x1] =	wrdreg $0xFFFFFFFF  }
0xc0: {  	_ =	task.clear_ibuf [dreg:s6], $0x2FFFF;
	_ =	strace $0x9FFFFFFF  }
0xc1: {  	(tm) =	ssettm $0x7FFFFFFF  }
tec
execute0_lowered:
.L_overlay_start_1:
0x0: {  	(tag) =	ssettag $0x1  }
0x1: {  	s7 =	rddreg [dreg:$0x0]  }
0x2: {  	s0 =	rddreg [dreg:$0x1];
	s1 =	simm.s32 $0x0;
	s5 =	srdreg.scid  }
0x3: {  	s2 =	stileid.u32;
	s12 =	simm.s32 $0x50;
	s13 =	simm.s32 $0x100  }
0x4: {  	s14 =	simm.s32 $0x2900;
	s15 =	simm.s32 $0x1;
	s16 =	simm.s32 $0x2  }
0x5: {  	s17 =	simm.s32 $0x0;
	[smem:$0x7FF] =	sst s1;
	s3 =	sadd.s32 $0x16600, s7  }
0x6: {  	s4 =	sadd.s32 $0x3D800, s7;
	s8 =	sand.u32 $0x1, s5;
	s5 =	sadd.s32 $0xC800, s7  }
0x7: {  	s10 =	sshll.u32 s2, $0x1;
	s6 =	sadd.s32 $0x2A00, s7;
	s9 =	ssub.s32 $0x2, s8  }
0x8: {  	s7 =	sadd.s32 $0x64A00, s7;
	_ =	strace $0x80000047;
	s11 =	sshrl.u32 s9, $0x1  }
0x9: {  	s8 =	sor.u32 s8, s10;
	s10 =	simm.s32 $0x3;
	s9 =	ssub.s32 s9, s11  }
0xa: {  	s8 =	smul.u32 $0x2710, s8;
	s11 =	simm.s32 $0x80;
	s9 =	smax.u32 s9, $0x1  }
.LBB2_1:
0xb: {  	s18 =	simm.s32 $0x0  }
.LBB2_2:
0xc: {  	s19 =	smul.u32 $0x50, s18;
	_ =	sdelay $0x1  }
0xd: {  	s19 =	sadd.s32 s8, s19  }
0xe: {  	s20 =	sshrl.u32 s19, $0x3  }
0xf: {  	s22 =	simm.s32 $0x0;
	s21 =	sadd.s32 s6, s20  }
0x10: {  	[tilespmem:s22], [sflag:$0x3] =	stream.linear.gather [hbm4b:s21+s22], $0x50, $0x38;
	[tilespmem:$0x5100] =	vst v63  }
0x11: {  	_ =	swait.ge [sflag:s10], $0x50  }
0x12: {  	[sflag:s10] =	ssyncset.done $0x0  }
0x13: {  	s20 =	sadd.s32 s5, s20;
	[sflag:s10] =	ssyncadd.s32 $0xFFFFFFB0  }
0x14: {  	[tilespmem:s11], [sflag:$0x3] =	stream.linear.gather [hbm4b:s20+s22], $0x50, $0x38;
	[tilespmem:$0x5100] =	vst v63  }
0x15: {  	_ =	swait.ge [sflag:s10], $0x50  }
0x16: {  	[sflag:s10] =	ssyncset.done $0x0  }
0x17: {  	[sflag:s10] =	ssyncadd.s32 $0xFFFFFFB0  }
0x18: {  	[tilespmem:s13], [sflag:$0x1] =	stream.indirect.gather [hbm4b:s3+s12], $0x80, s22, s12, $0xb8;
	[tilespmem:$0x5100] =	vst v63  }
0x19: {  	_ = 	snop  }
0x1a: {  	[tilespmem:s14], [sflag:$0x2] =	stream.indirect.gather [hbm4b:s4+s12], $0x80, s11, s12, $0xb8;
	[tilespmem:$0x5100] =	vst v63  }
0x1b: {  	_ =	swait.ge [sflag:s15], $0x2800  }
0x1c: {  	[sflag:s15] =	ssyncset.done $0x0  }
0x1d: {  	[sflag:s15] =	ssyncadd.s32 $0xFFFFD800  }
0x1e: {  	_ =	swait.ge [sflag:s16], $0x2800  }
0x1f: {  	[sflag:s16] =	ssyncset.done $0x0  }
0x20: {  	s20 =	simm.s32 $0x0;
	[sflag:s16] =	ssyncadd.s32 $0xFFFFD800  }
0x21: {  	v6 =	vld [tilespmem:s20+$0x2900]  }
0x22: {  	v11 =	vld [tilespmem:s20+$0x2910]  }
0x23: {  	v5 =	vld [tilespmem:s20+$0x2920]  }
0x24: {  	v4 =	vld [tilespmem:s20+$0x2930]  }
0x25: {  	v3 =	vld [tilespmem:s20+$0x2940]  }
0x26: {  	v2 =	vld [tilespmem:s20+$0x2950]  }
0x27: {  	v1 =	vld [tilespmem:s20+$0x2960]  }
0x28: {  	v0 =	vld [tilespmem:s20+$0x2970]  }
0x29: {  	v12 =	vld [tilespmem:s20+$0x100]  }
0x2a: {  	v13 =	vld [tilespmem:s20+$0x110]  }
0x2b: {  	v10 =	vld [tilespmem:s20+$0x120]  }
0x2c: {  	v9 =	vld [tilespmem:s20+$0x130]  }
0x2d: {  	v8 =	vld [tilespmem:s20+$0x140]  }
0x2e: {  	v7 =	vld [tilespmem:s20+$0x150];
	v12 =	vadd.f32 v6, v12  }
0x2f: {  	s21 =	simm.s32 $0x200;
	v11 =	vadd.f32 v11, v13;
	v6 =	vld [tilespmem:s20+$0x160]  }
.LBB2_3:
0x30: {  	s22 =	sshra.s32 s21, $0x2;
	p0 =	sne.s32 s21, $0x9E00;
	v12 =	vmax.f32 v12, $0.0e+00;
	v5 =	vadd.f32 v5, v10;
	v10 =	vld [tilespmem:s20+$0x170]  }
0x31: {  	v13 =	vld [tilespmem:s22+$0x2900];
	[tilespmem:s20+$0x100] =	vst v12;
	v11 =	vmax.f32 v11, $0.0e+00;
	v4 =	vadd.f32 v4, v9  }
0x32: {  	v14 =	vld [tilespmem:s22+$0x2910];
	[tilespmem:s20+$0x110] =	vst v11;
	v9 =	vmax.f32 v5, $0.0e+00;
	v3 =	vadd.f32 v3, v8  }
0x33: {  	v5 =	vld [tilespmem:s22+$0x2920];
	[tilespmem:s20+$0x120] =	vst v9;
	v8 =	vmax.f32 v4, $0.0e+00;
	v2 =	vadd.f32 v2, v7  }
0x34: {  	v4 =	vld [tilespmem:s22+$0x2930];
	[tilespmem:s20+$0x130] =	vst v8;
	v7 =	vmax.f32 v3, $0.0e+00;
	v1 =	vadd.f32 v1, v6  }
0x35: {  	v3 =	vld [tilespmem:s22+$0x2940];
	[tilespmem:s20+$0x140] =	vst v7;
	v6 =	vmax.f32 v2, $0.0e+00;
	v0 =	vadd.f32 v0, v10  }
0x36: {  	v2 =	vld [tilespmem:s22+$0x2950];
	[tilespmem:s20+$0x150] =	vst v6;
	v6 =	vmax.f32 v1, $0.0e+00  }
0x37: {  	v1 =	vld [tilespmem:s22+$0x2960];
	[tilespmem:s20+$0x160] =	vst v6;
	v6 =	vmax.f32 v0, $0.0e+00  }
0x38: {  	v0 =	vld [tilespmem:s22+$0x2970];
	[tilespmem:s20+$0x170] =	vst v6;
	s20 =	smov.u32 s22  }
0x39: {  	v6 =	vld [tilespmem:s20+$0x100]  }
0x3a: {  	v11 =	vld [tilespmem:s20+$0x110]  }
.Ltmp0:
0x3b: {  	v10 =	vld [tilespmem:s20+$0x120];
	(pc) =	sbr.rel @p0 .LBB2_3-.Ltmp0, $4  }
0x3c: {  	v9 =	vld [tilespmem:s20+$0x130]  }
0x3d: {  	v8 =	vld [tilespmem:s20+$0x140]  }
0x3e: {  	v12 =	vadd.f32 v13, v6;
	v7 =	vld [tilespmem:s20+$0x150]  }
0x3f: {  	s21 =	sadd.s32 $0x200, s21;
	v11 =	vadd.f32 v14, v11;
	v6 =	vld [tilespmem:s20+$0x160]  }
0x40: {  	v12 =	vmax.f32 v12, $0.0e+00;
	v5 =	vadd.f32 v5, v10;
	v63 =	vld [tilespmem:s20+$0x170]  }
0x41: {  	[tilespmem:s20+$0x100] =	vst v12;
	v11 =	vmax.f32 v11, $0.0e+00;
	v4 =	vadd.f32 v4, v9  }
0x42: {  	[tilespmem:s20+$0x110] =	vst v11;
	v5 =	vmax.f32 v5, $0.0e+00;
	v3 =	vadd.f32 v3, v8  }
0x43: {  	[tilespmem:s20+$0x120] =	vst v5;
	v4 =	vmax.f32 v4, $0.0e+00;
	v2 =	vadd.f32 v2, v7  }
0x44: {  	[tilespmem:s20+$0x130] =	vst v4;
	v3 =	vmax.f32 v3, $0.0e+00;
	v1 =	vadd.f32 v1, v6  }
0x45: {  	[tilespmem:s20+$0x140] =	vst v3;
	v2 =	vmax.f32 v2, $0.0e+00;
	v0 =	vadd.f32 v0, v63  }
0x46: {  	s18 =	sadd.s32 $0x1, s18;
	[tilespmem:s20+$0x150] =	vst v2;
	v1 =	vmax.f32 v1, $0.0e+00  }
0x47: {  	s19 =	sshll.u32 s19, $0x4;
	p0 =	sne.s32 s18, $0x7D;
	[tilespmem:s20+$0x160] =	vst v1;
	v0 =	vmax.f32 v0, $0.0e+00  }
.Ltmp1:
0x48: {  	s19 =	sadd.s32 s7, s19;
	[tilespmem:s20+$0x170] =	vst v0;
	(pc) =	sbr.rel @p0 .LBB2_2-.Ltmp1, $4  }
0x49: {  	[hbm4b:s19+s1] =	stream.linear.scatter [tilespmem:s13], [sflag:$0x3], $0x2800, $0x38;
	[tilespmem:$0x5100] =	vst v63  }
0x4a: {  	_ =	swait.ge [sflag:s10], $0x2800  }
0x4b: {  	[sflag:s10] =	ssyncset.done $0x0  }
0x4c: {  	[sflag:s10] =	ssyncadd.s32 $0xFFFFD800  }
0x4d: {  	s17 =	sadd.s32 $0x1, s17  }
0x4e: {  	p0 =	sne.s32 s17, s9  }
.Ltmp2:
0x4f: {  	_ = 	snop;
	(pc) =	sbr.rel @p0 .LBB2_1-.Ltmp2, $1  }
0x50: {  	_ =	sdelay $0x3  }
0x51: {  	_ =	sfence.sel $0x180000  }
0x52: {  	[bflag:$0x0] =	sbarrier.arrive $0xFFFF  }
0x53: {  	p0 =	sne.s32 s2, $0x0;
	_ =	strace $0x90000047  }
0x54: {  	s0 =	sadd.s32 @!p0 $0x100000, s0;
	[bflag:$0x2] =	sbarrier.arrive $0xFFFF  }
0x55: {  	[sflag:s0] =	ssyncadd.tile.s32 @!p0 $0x1;
	_ =	shalt  }
.Lfunc_end2:
_tile_overlayer_lowered:
.L_overlay_start_2:
0x56: {  	(tag) =	ssettag $0x2  }
0x57: {  	s0 =	rddreg [dreg:$0x0];
	s2 =	stileid.u32  }
0x58: {  	s1 =	rddreg [dreg:$0x1];
	p0 =	sne.s32 s2, $0x0  }
0x59: {  	s3 =	rddreg [dreg:$0x2];
	[bflag:$0x3] =	sbarrier.arrive $0xFFFF;
	s2 =	simm.s32 @!p0 $0x1C03  }
0x5a: {  	[timem:s3], [sflag:s2] =	dma.local @!p0 [hbm:s0], s1  }
0x5b: {  	s0 =	simm.s32 @!p0 $0x3  }
0x5c: {  	_ =	swait.ge @!p0 [sflag:s0], s1  }
0x5d: {  	s1 =	ssub.s32 @!p0 $0x0, s1;
	[sflag:s0] =	ssyncset.done @!p0 $0x0  }
0x5e: {  	[sflag:s0] =	ssyncadd.s32 @!p0 s1  }
0x5f: {  	[bflag:$0x3] =	sbarrier.arrive $0xFFFF  }
0x60: {  	_ =	shalt  }

// kernel: kernel.18.cloned.1.call-start
scs
__scs_entry_jumppad:
0x0: {  	(pc) =	sbr.rel $0x88, $3  }
0x1: {  	(tag) =	ssettag $0x0;
	lr =	simm.s32 $0x1  }
0x2: {  	[smem:$0x3F95] =	sst lr;
	_ =	strace $0xD0000000  }
0x3: {  	_ = 	snop  }
0x4: {  	_ = 	snop  }
0x5: {  	_ = 	snop  }
0x6: {  	_ = 	snop  }
0x7: {  	_ = 	snop  }
__scs_overlays_trampoline_lowered:
0x8: {  	[smem:$0x3FA4] =	sst s0  }
0x9: {  	[smem:$0x3FA5] =	sst s1  }
0xa: {  	[smem:$0x3FA6] =	sst s2  }
0xb: {  	[smem:$0x3FA7] =	sst s3  }
0xc: {  	[smem:$0x3FA8] =	sst s4  }
0xd: {  	[smem:$0x3FA9] =	sst s5  }
0xe: {  	[smem:$0x3FAA] =	sst s6  }
0xf: {  	[smem:$0x3FAB] =	sst s7  }
0x10: {  	[smem:$0x3FAC] =	sst s8  }
0x11: {  	[smem:$0x3FAD] =	sst s9;
	s0 =	simm.s32 @!p0 $0x0  }
0x12: {  	s1 =	sld [smem:$0x3F93];
	s0 =	simm.s32 @p0 $0x1  }
0x13: {  	[smem:$0x3FAE] =	sst s0;
	s0 =	simm.s32 @!p1 $0x0  }
0x14: {  	s2 =	sld [smem:$0x3F92];
	s0 =	simm.s32 @p1 $0x1  }
0x15: {  	[smem:$0x3FAF] =	sst s0;
	s0 =	simm.s32 @!p2 $0x0  }
0x16: {  	s3 =	sld [smem:$0x3FDB];
	s0 =	simm.s32 @p2 $0x1  }
0x17: {  	s4 =	simm.s32 $0x1BF5;
	[smem:$0x3FB1] =	sst s0  }
0x18: {  	s0 =	sld [smem:$0x3F94];
	_ =	swait.ge [sflag:s4], $0x0  }
0x19: {  	s7 =	sld [smem:$0x3F95]  }
0x1a: {  	s8 =	sadd.s32 $0xFFFFE003, lr  }
0x1b: {  	s9 =	sadd.s32 $0xFFFFFEF7, lr;
	s5 =	simm.s32 $0xFFFFFFFF;
	p2 =	slt.u32 s8, $0xFFFFF086  }
0x1c: {  	p1 =	slt.u32 s9, $0xF7A;
	s5 =	simm.s32 @!p2 $0x0  }
0x1d: {  	s5 =	simm.s32 @p1 $0x1;
	p0 =	seq.s32 s7, s2  }
0x1e: {  	s7 =	smul.u32 @!p0 $0xF7A, s2;
	p2 =	seq.s32 @!p0 s5, $0x0  }
0x1f: {  	s9 =	smul.u32 $0xF7A, s1;
	s8 =	simm.s32 @!p0 $0x1BF5;
	p2 =	por !p2, p0  }
0x20: {  	[sflag:s8] =	ssyncset.s32 @!p0 $0xFFFFF086;
	s6 =	sadd.s32 @!p0 s3, s7;
	s7 =	simm.s32 @!p0 $0x108  }
0x21: {  	s3 =	sadd.s32 s3, s9;
	s6 =	sadd.s32 @!p0 $0x88, s6;
	s7 =	simm.s32 @p2 $0x1082  }
0x22: {  	[simem:s7], [sflag:s8] =	dma.local @!p0 [hbm:s6], $0xF7A  }
0x23: {  	s9 =	sor.u32 $0xD0000000, s2;
	s6 =	simm.s32 $0x108;
	_ =	swait.ge @!p0 [sflag:s8], $0x0  }
0x24: {  	s3 =	sadd.s32 $0x88, s3;
	s6 =	simm.s32 @!p1 $0x1082;
	[sflag:s4] =	ssyncset.s32 $0xFFFFF086  }
0x25: {  	[simem:s6], [sflag:s4] =	dma.local [hbm:s3], $0xF7A  }
0x26: {  	[smem:$0x3F95] =	sst s1;
	(tag) =	ssettag s2;
	_ =	strace s9  }
0x27: {  	s1 =	sld [smem:$0x3FA5]  }
0x28: {  	s2 =	sld [smem:$0x3FA6]  }
0x29: {  	s4 =	sld [smem:$0x3FA8]  }
0x2a: {  	p0 =	seq.s32 s5, $0x0;
	s5 =	sld [smem:$0x3FA9]  }
0x2b: {  	s6 =	sld [smem:$0x3FAA]  }
0x2c: {  	s7 =	sld [smem:$0x3FAB]  }
0x2d: {  	s3 =	simm.s32 $0x108;
	s8 =	sld [smem:$0x3FAC]  }
0x2e: {  	s3 =	simm.s32 @!p0 $0x1082;
	s9 =	sld [smem:$0x3FAD]  }
0x2f: {  	lr =	sadd.s32 s0, s3;
	s0 =	sld [smem:$0x3FA4]  }
0x30: {  	s3 =	sld [smem:$0x3FA7]  }
0x31: {  	[smem:$0x3FB0] =	sst s10  }
0x32: {  	s10 =	sld [smem:$0x3FAE];
	_ =	sdelay $0x3  }
0x33: {  	p0 =	seq.s32 s10, $0x1;
	s10 =	sld [smem:$0x3FB0];
	_ =	sdelay $0x3  }
0x34: {  	[smem:$0x3FB0] =	sst s10  }
0x35: {  	s10 =	sld [smem:$0x3FAF];
	_ =	sdelay $0x3  }
0x36: {  	p1 =	seq.s32 s10, $0x1;
	s10 =	sld [smem:$0x3FB0];
	_ =	sdelay $0x3  }
0x37: {  	[smem:$0x3FB0] =	sst s10  }
0x38: {  	s10 =	sld [smem:$0x3FB1]  }
0x39: {  	_ = 	snop;
	(pc) =	sbr.ind lr, $3  }
0x3a: {  	_ = 	snop  }
0x3b: {  	_ = 	snop  }
0x3c: {  	p2 =	seq.s32 s10, $0x1;
	s10 =	sld [smem:$0x3FB0]  }
0x3d: {  	_ =	shalt  }
0x3e: {  	_ =	shalt  }
0x3f: {  	_ =	shalt  }
0x40: {  	_ =	shalt  }
0x41: {  	_ =	shalt  }
0x42: {  	_ =	shalt  }
0x43: {  	_ =	shalt  }
0x44: {  	_ =	shalt  }
0x45: {  	_ =	shalt  }
0x46: {  	_ =	shalt  }
0x47: {  	_ =	shalt  }
0x48: {  	_ =	shalt  }
0x49: {  	_ =	shalt  }
0x4a: {  	_ =	shalt  }
0x4b: {  	_ =	shalt  }
0x4c: {  	_ =	shalt  }
0x4d: {  	_ =	shalt  }
0x4e: {  	_ =	shalt  }
0x4f: {  	_ =	shalt  }
0x50: {  	_ =	shalt  }
0x51: {  	_ =	shalt  }
0x52: {  	_ =	shalt  }
0x53: {  	_ =	shalt  }
0x54: {  	_ =	shalt  }
0x55: {  	_ =	shalt  }
0x56: {  	_ =	shalt  }
0x57: {  	_ =	shalt  }
0x58: {  	_ =	shalt  }
0x59: {  	_ =	shalt  }
0x5a: {  	_ =	shalt  }
0x5b: {  	_ =	shalt  }
0x5c: {  	_ =	shalt  }
0x5d: {  	_ =	shalt  }
0x5e: {  	_ =	shalt  }
0x5f: {  	_ =	shalt  }
0x60: {  	_ =	shalt  }
0x61: {  	_ =	shalt  }
0x62: {  	_ =	shalt  }
0x63: {  	_ =	shalt  }
0x64: {  	_ =	shalt  }
0x65: {  	_ =	shalt  }
0x66: {  	_ =	shalt  }
0x67: {  	_ =	shalt  }
0x68: {  	_ =	shalt  }
0x69: {  	_ =	shalt  }
0x6a: {  	_ =	shalt  }
0x6b: {  	_ =	shalt  }
0x6c: {  	_ =	shalt  }
0x6d: {  	_ =	shalt  }
0x6e: {  	_ =	shalt  }
0x6f: {  	_ =	shalt  }
0x70: {  	_ =	shalt  }
0x71: {  	_ =	shalt  }
0x72: {  	_ =	shalt  }
0x73: {  	_ =	shalt  }
0x74: {  	_ =	shalt  }
0x75: {  	_ =	shalt  }
0x76: {  	_ =	shalt  }
0x77: {  	_ =	shalt  }
0x78: {  	_ =	shalt  }
0x79: {  	_ =	shalt  }
0x7a: {  	_ =	shalt  }
0x7b: {  	_ =	shalt  }
0x7c: {  	_ =	shalt  }
0x7d: {  	_ =	shalt  }
0x7e: {  	_ =	shalt  }
0x7f: {  	_ =	shalt  }
0x80: {  	_ =	shalt  }
0x81: {  	_ =	shalt  }
0x82: {  	_ =	shalt  }
0x83: {  	_ =	shalt  }
0x84: {  	_ =	shalt  }
0x85: {  	_ =	shalt  }
0x86: {  	_ =	shalt  }
0x87: {  	_ =	shalt  }
.Lfunc_end0:
.L_simem_size_0:
called_computation.2_lowered:
.L_overlay_start_0:
0x88: {  	s2 =	sld [smem:$0x3FD9]  }
0x89: {  	s3 =	sld [smem:$0x3FFE];
	_ =	sdelay $0x1  }
0x8a: {  	s1 =	srdreg.scid  }
0x8b: {  	s0 =	sand.u32 $0x1, s1  }
0x8c: {  	s17 =	sshll.u32 s0, $0xA;
	s2 =	sadd.s32 s3, s2  }
0x8d: {  	s2 =	sadd.s32 s2, s17  }
0x8e: {  	[smem:$0x3FBC] =	sst s2  }
0x8f: {  	_ = 	snop  }
0x90: {  	s2 =	sld [smem:$0x3FD0];
	(tm) =	ssettm $0x1  }
0x91: {  	s18 =	sld [smem:$0x3FFB];
	_ =	sdelay $0x3  }
0x92: {  	_ =	strace s18  }
0x93: {  	s3 =	sld [smem:$0x3FFC];
	_ =	sdelay $0x3  }
0x94: {  	_ =	strace s3  }
0x95: {  	s3 =	sld [smem:$0x3FFD];
	_ =	sdelay $0x3  }
0x96: {  	_ =	strace s3  }
0x97: {  	_ =	strace $0x8FFFFFFF  }
0x98: {  	s19 =	sld [smem:$0x3FDB];
	_ =	sdelay $0x1  }
0x99: {  	s4 =	simm.s32 $_scs_section_size  }
0x9a: {  	s5 =	simm.s32 $_size__tile_overlayer_lowered;
	s6 =	simm.s32 $_tile_overlayer_lowered  }
0x9b: {  	s22 =	simm.s32 $0x1BFF;
	s21 =	sshll.u32 s6, $0x1;
	s3 =	sadd.s32 s4, s19  }
0x9c: {  	s7 =	simm.s32 $0x0;
	s20 =	sshll.u32 s5, $0x1;
	s5 =	sadd.s32 s21, s3  }
0x9d: {  	[timem:s7], [sflag:s22] =	dma.local [hbm:s5], s20  }
0x9e: {  	_ =	swait.ge [sflag:s22], s20  }
0x9f: {  	s4 =	ssub.s32 $0x0, s20;
	[sflag:s22] =	ssyncset.done $0x0  }
0xa0: {  	[sflag:s22] =	ssyncadd.s32 s4;
	_ =	sdelay $0x1  }
0xa1: {  	s23 =	simm.s32 $0x1B8B  }
0xa2: {  	_ =	swait.ge [sflag:s23], $0x1  }
0xa3: {  	[sflag:s23] =	ssyncset.done $0x0  }
0xa4: {  	s25 =	simm.s32 $0x1B8E;
	s24 =	sld [smem:$0x3FFE];
	[sflag:s23] =	ssyncadd.s32 $0xFFFFFFFF  }
0xa5: {  	s26 =	simm.s32 $execute0_lowered;
	[smem:$0x3FD2] =	sst s25  }
0xa6: {  	s5 =	sshll.u32 s26, $0x1;
	_ =	strace $0x8000004C;
	[dreg:$0x1] =	wrdreg $0xFFFFFFFF  }
0xa7: {  	s28 =	simm.s32 $_size_execute0_lowered;
	s3 =	sadd.s32 s3, s5;
	[dreg:$0x0] =	wrdreg $0x0  }
0xa8: {  	s5 =	sshll.u32 s28, $0x1;
	[dreg:$0x2] =	wrdreg s3  }
0xa9: {  	[dreg:$0x3] =	wrdreg s5  }
0xaa: {  	[dreg:$0x4] =	wrdreg $0xC0  }
0xab: {  	_ =	task [dreg:s7], $0x5FFFF  }
0xac: {  	[dreg:$0x1] =	wrdreg $0xFFFFFFFF  }
0xad: {  	[dreg:$0x0] =	wrdreg $0x60  }
0xae: {  	[dreg:$0x2] =	wrdreg s24  }
0xaf: {  	[dreg:$0x3] =	wrdreg s2  }
0xb0: {  	[dreg:$0x4] =	wrdreg $0x9  }
0xb1: {  	_ =	task.clear_ibuf [dreg:s7], $0x5FFFF;
	_ =	strace $0x9000004C  }
0xb2: {  	s29 =	simm.s32 $0x9;
	_ =	strace $0x8000004E  }
0xb3: {  	_ =	swait.ge [sflag:s29], $0x1  }
0xb4: {  	[sflag:s29] =	ssyncadd.s32 $0xFFFFFFFF  }
0xb5: {  	_ =	strace $0x9000004E  }
0xb6: {  	_ =	sfence  }
0xb7: {  	s30 =	sld [smem:$0x0];
	_ =	sdelay $0x2  }
0xb8: {  	s31 =	sshll.u32 s1, $0xD;
	s1 =	sshrl.u32 s1, $0x2  }
0xb9: {  	s3 =	sand.u32 $0x4000, s31;
	s1 =	sadd.s32 s1, s30  }
0xba: {  	s0 =	sor.u32 s3, s0;
	s1 =	sshll.u32 s1, $0x11  }
0xbb: {  	s0 =	sor.u32 s1, s0  }
0xbc: {  	s0 =	sadd.s32 $0x8F2B, s0  }
0xbd: {  	[sflag:s0] =	ssyncadd.remote.s32 $0x1  }
0xbe: {  	_ =	sfence.sel $0xFFFF  }
0xbf: {  	[dreg:$0x0] =	wrdreg $0xFFFFFFFF;
	(pc) =	sbr.abs _section_cstart, $3  }
0xc0: {  	[dreg:$0x1] =	wrdreg $0xFFFFFFFF  }
0xc1: {  	_ =	task.clear_ibuf [dreg:s7], $0x2FFFF;
	_ =	strace $0x9FFFFFFF  }
0xc2: {  	(tm) =	ssettm $0x7FFFFFFF  }
0xc3: {  	_ =	shalt  }
tec
execute0_lowered:
.L_overlay_start_1:
0x0: {  	(tag) =	ssettag $0x1  }
0x1: {  	s5 =	rddreg [dreg:$0x0]  }
0x2: {  	s6 =	rddreg [dreg:$0x1]  }
0x3: {  	s0 =	rddreg [dreg:$0x2];
	s2 =	simm.s32 $0x0  }
0x4: {  	s3 =	srdreg.scid;
	s1 =	stileid.u32;
	s13 =	simm.s32 $0xE400  }
0x5: {  	s14 =	simm.s32 $0xA400;
	s15 =	simm.s32 $0x1;
	s16 =	simm.s32 $0x0  }
0x6: {  	[smem:$0x7FF] =	sst s2;
	s7 =	sand.u32 $0x1, s3;
	s8 =	sshll.u32 s1, $0x1  }
0x7: {  	s3 =	sadd.s32 $0x67F200, s5;
	s4 =	sadd.s32 $0x546A00, s5;
	s10 =	sshrl.u32 s1, $0x2  }
0x8: {  	_ =	strace $0x8000004D;
	s8 =	sor.u32 s7, s8;
	s7 =	ssub.s32 $0x2, s7  }
0x9: {  	s9 =	smul.u32 $0x1400, s8;
	s11 =	sshrl.u32 s7, $0x1;
	s12 =	sshll.u32 s8, $0x7  }
0xa: {  	s10 =	smul.u32 $0x271000, s10;
	s11 =	ssub.s32 s7, s11;
	s31 =	sand.u32 $0x380, s12  }
0xb: {  	s12 =	simm.s32 $0x80;
	s9 =	sadd.s32 s9, s5;
	s5 =	sadd.s32 s6, s8  }
0xc: {  	s6 =	sor.u32 s31, s10;
	s8 =	smax.u32 s11, $0x1;
	s10 =	simm.s32 $0x2  }
0xd: {  	v0 =	vimm.f32 $-Inf;
	s11 =	simm.s32 $0xE580;
	s7 =	sadd.s32 $0x16600, s9;
	s9 =	simm.s32 $0xE600  }
.LBB2_1:
0xe: {  	s17 =	simm.s32 $0x0;
	s18 =	simm.s32 $0x200  }
.LBB2_2:
0xf: {  	p0 =	sne.s32 s18, $0x28000;
	[tilespmem:s17+$0x70] =	vst v0  }
0x10: {  	[tilespmem:s17+$0x0] =	vst v0  }
0x11: {  	[tilespmem:s17+$0x10] =	vst v0  }
.Ltmp0:
0x12: {  	[tilespmem:s17+$0x20] =	vst v0;
	(pc) =	sbr.rel @p0 .LBB2_2-.Ltmp0, $4  }
0x13: {  	[tilespmem:s17+$0x30] =	vst v0  }
0x14: {  	[tilespmem:s17+$0x40] =	vst v0  }
0x15: {  	[tilespmem:s17+$0x50] =	vst v0  }
0x16: {  	[tilespmem:s17+$0x60] =	vst v0;
	s17 =	sshra.s32 s18, $0x2;
	s18 =	sadd.s32 $0x200, s18  }
0x17: {  	[tilespmem:s17+$0x70] =	vst v0  }
0x18: {  	[tilespmem:s17+$0x0] =	vst v0  }
0x19: {  	[tilespmem:s17+$0x10] =	vst v0  }
0x1a: {  	[tilespmem:s17+$0x20] =	vst v0  }
0x1b: {  	[tilespmem:s17+$0x30] =	vst v0  }
0x1c: {  	[tilespmem:s17+$0x40] =	vst v0  }
0x1d: {  	[tilespmem:s17+$0x50] =	vst v0  }
0x1e: {  	[tilespmem:s17+$0x60] =	vst v0;
	s17 =	simm.s32 $0x0  }
0x1f: {  	[tilespmem:s9], [sflag:$0x2] =	stream.linear.gather [hbm4b:s5+s17], $0x8, $0x38;
	[tilespmem:$0xE680] =	vst v63  }
0x20: {  	_ =	swait.ge [sflag:s10], $0x8  }
0x21: {  	[sflag:s10] =	ssyncset.done $0x0  }
0x22: {  	[sflag:s10] =	ssyncadd.s32 $0xFFFFFFF8  }
0x23: {  	v1 =	vld [tilespmem:$0xE600];
	_ =	sdelay $0x4  }
0x24: {  	(v2sf) =	vpush v1, $0x0;
	_ =	sdelay $0xe  }
0x25: {  	s18 =	spop (v2sf)  }
0x26: {  	p0 =	slt.s32 s18, $0x1  }
.Ltmp1:
0x27: {  	_ = 	snop;
	(pc) =	sbr.rel @p0 .LBB2_7-.Ltmp1, $2  }
0x28: {  	_ =	sdelay $0x2  }
0x29: {  	s19 =	simm.s32 $0x0  }
.LBB2_4:
0x2a: {  	s20 =	sshll.u32 s19, $0xA  }
0x2b: {  	s20 =	sadd.s32 s6, s20  }
0x2c: {  	s20 =	sshrl.u32 s20, $0x3  }
0x2d: {  	s20 =	sadd.s32 s4, s20  }
0x2e: {  	[tilespmem:s11], [sflag:$0x2] =	stream.linear.gather [hbm4b:s20+s17], $0x80, $0x38;
	[tilespmem:$0xE680] =	vst v63  }
0x2f: {  	_ =	swait.ge [sflag:s10], $0x80  }
0x30: {  	[sflag:s10] =	ssyncset.done $0x0  }
0x31: {  	[sflag:s10] =	ssyncadd.s32 $0xFFFFFF80  }
0x32: {  	v1 =	vld [tilespmem:$0xE580];
	_ =	sdelay $0x1  }
0x33: {  	v2 =	vld [tilespmem:$0xE590];
	_ =	sdelay $0x1  }
0x34: {  	v3 =	vld [tilespmem:$0xE5A0]  }
0x35: {  	v4 =	vshra.s32 v1, $0x9  }
0x36: {  	v62 =	vld [tilespmem:$0xE5B0];
	v1 =	vand.u32 $0x1FF, v1;
	[tilespmem:$0xE400] =	vst v4  }
0x37: {  	[tilespmem:$0xE480] =	vst v1;
	v1 =	vshra.s32 v2, $0x9  }
0x38: {  	[tilespmem:$0xE410] =	vst v1;
	v1 =	vand.u32 $0x1FF, v2;
	v2 =	vld [tilespmem:$0xE5C0]  }
0x39: {  	[tilespmem:$0xE490] =	vst v1;
	v1 =	vshra.s32 v3, $0x9  }
0x3a: {  	[tilespmem:$0xE420] =	vst v1;
	v1 =	vand.u32 $0x1FF, v3;
	v3 =	vld [tilespmem:$0xE5D0]  }
0x3b: {  	[tilespmem:$0xE4A0] =	vst v1;
	v1 =	vshra.s32 v62, $0x9  }
0x3c: {  	v63 =	vld [tilespmem:$0xE5E0];
	[tilespmem:$0xE430] =	vst v1;
	v1 =	vand.u32 $0x1FF, v62  }
0x3d: {  	[tilespmem:$0xE4B0] =	vst v1;
	v1 =	vshra.s32 v2, $0x9  }
0x3e: {  	[tilespmem:$0xE440] =	vst v1;
	v1 =	vand.u32 $0x1FF, v2;
	v2 =	vld [tilespmem:$0xE5F0]  }
0x3f: {  	[tilespmem:$0xE4C0] =	vst v1;
	v1 =	vshra.s32 v3, $0x9  }
0x40: {  	[tilespmem:$0xE450] =	vst v1;
	v1 =	vand.u32 $0x1FF, v3  }
0x41: {  	[tilespmem:$0xE4D0] =	vst v1;
	v1 =	vshra.s32 v63, $0x9  }
0x42: {  	[tilespmem:$0xE460] =	vst v1;
	v1 =	vand.u32 $0x1FF, v63  }
0x43: {  	[tilespmem:$0xE4E0] =	vst v1;
	v1 =	vshra.s32 v2, $0x9  }
0x44: {  	[tilespmem:$0xE470] =	vst v1;
	v1 =	vand.u32 $0x1FF, v2  }
0x45: {  	[tilespmem:$0xE4F0] =	vst v1  }
0x46: {  	[tilespmem:s14], [sflag:$0x1] =	stream.indirect.gather [hbm4b:s3+s12], $0x80, s13, s12, $0xb8;
	[tilespmem:$0xE680] =	vst v63  }
0x47: {  	_ =	swait.ge [sflag:s15], $0x4000  }
0x48: {  	[sflag:s15] =	ssyncset.done $0x0  }
0x49: {  	s31 =	simm.s32 $0x0;
	[sflag:s15] =	ssyncadd.s32 $0xFFFFC000  }
0x4a: {  	v1 =	vld [tilespmem:s31+$0xE480];
	_ =	sdelay $0x4  }
0x4b: {  	(v2sf) =	vpush v1, $0x0;
	_ =	sdelay $0xe  }
0x4c: {  	s21 =	spop (v2sf)  }
0x4d: {  	s20 =	simm.s32 $0xA440;
	s21 =	sshll.u32 s21, $0x9  }
0x4e: {  	v1 =	vld [tilespmem:s20+$0xFFFFFFC0];
	s21 =	sshra.s32 s21, $0x2  }
0x4f: {  	v2 =	vld [tilespmem:s21+$0x0];
	_ =	sdelay $0x4  }
0x50: {  	v1 =	vmax.f32 v2, v1  }
0x51: {  	[tilespmem:s21+$0x0] =	vst v1;
	v1 =	vld [tilespmem:s21+$0x10]  }
0x52: {  	v2 =	vld [tilespmem:s20+$0xFFFFFFD0];
	_ =	sdelay $0x4  }
0x53: {  	v1 =	vmax.f32 v1, v2  }
0x54: {  	[tilespmem:s21+$0x10] =	vst v1;
	v1 =	vld [tilespmem:s21+$0x20]  }
0x55: {  	v2 =	vld [tilespmem:s20+$0xFFFFFFE0];
	_ =	sdelay $0x4  }
0x56: {  	v1 =	vmax.f32 v1, v2  }
0x57: {  	[tilespmem:s21+$0x20] =	vst v1;
	v1 =	vld [tilespmem:s21+$0x30]  }
0x58: {  	v2 =	vld [tilespmem:s20+$0xFFFFFFF0];
	_ =	sdelay $0x4  }
0x59: {  	v1 =	vmax.f32 v1, v2  }
0x5a: {  	[tilespmem:s21+$0x30] =	vst v1;
	v1 =	vld [tilespmem:s21+$0x40]  }
0x5b: {  	v2 =	vld [tilespmem:s20+$0x0];
	_ =	sdelay $0x4  }
0x5c: {  	v1 =	vmax.f32 v1, v2  }
0x5d: {  	[tilespmem:s21+$0x40] =	vst v1;
	v1 =	vld [tilespmem:s21+$0x50]  }
0x5e: {  	v2 =	vld [tilespmem:s20+$0x10];
	_ =	sdelay $0x4  }
0x5f: {  	v1 =	vmax.f32 v1, v2  }
0x60: {  	[tilespmem:s21+$0x50] =	vst v1;
	v1 =	vld [tilespmem:s21+$0x60]  }
0x61: {  	v2 =	vld [tilespmem:s20+$0x20];
	_ =	sdelay $0x4  }
0x62: {  	v1 =	vmax.f32 v1, v2  }
0x63: {  	[tilespmem:s21+$0x60] =	vst v1;
	v1 =	vld [tilespmem:s21+$0x70]  }
0x64: {  	v2 =	vld [tilespmem:s20+$0x30];
	_ =	sdelay $0x4  }
0x65: {  	s22 =	simm.s32 $0x4;
	s24 =	simm.s32 $0x8;
	v1 =	vmax.f32 v1, v2  }
.LBB2_5:
0x66: {  	s25 =	sshra.s32 s22, $0x2  }
0x67: {  	[tilespmem:s21+$0x70] =	vst v1;
	s20 =	sadd.s32 $0x80, s20;
	s22 =	smov.u32 s24;
	s23 =	sadd.s32 $0x4, s24  }
0x68: {  	p0 =	sne.s32 s24, $0x1FC;
	v1 =	vld [tilespmem:s25+$0xE480];
	_ =	sdelay $0x4  }
0x69: {  	(v2sf) =	vpush v1, $0x0;
	_ =	sdelay $0xe  }
0x6a: {  	s21 =	spop (v2sf)  }
0x6b: {  	s21 =	sshll.u32 s21, $0x9  }
0x6c: {  	s21 =	sshra.s32 s21, $0x2;
	v1 =	vld [tilespmem:s20+$0xFFFFFFC0]  }
0x6d: {  	v2 =	vld [tilespmem:s21+$0x0];
	_ =	sdelay $0x4  }
0x6e: {  	v1 =	vmax.f32 v2, v1  }
0x6f: {  	[tilespmem:s21+$0x0] =	vst v1;
	v1 =	vld [tilespmem:s21+$0x10]  }
0x70: {  	v2 =	vld [tilespmem:s20+$0xFFFFFFD0];
	_ =	sdelay $0x4  }
0x71: {  	v1 =	vmax.f32 v1, v2  }
0x72: {  	[tilespmem:s21+$0x10] =	vst v1;
	v1 =	vld [tilespmem:s21+$0x20]  }
0x73: {  	v2 =	vld [tilespmem:s20+$0xFFFFFFE0];
	_ =	sdelay $0x4  }
0x74: {  	v1 =	vmax.f32 v1, v2  }
0x75: {  	[tilespmem:s21+$0x20] =	vst v1;
	v1 =	vld [tilespmem:s21+$0x30]  }
0x76: {  	v2 =	vld [tilespmem:s20+$0xFFFFFFF0];
	_ =	sdelay $0x4  }
0x77: {  	v1 =	vmax.f32 v1, v2  }
0x78: {  	[tilespmem:s21+$0x30] =	vst v1;
	v1 =	vld [tilespmem:s21+$0x40]  }
0x79: {  	v2 =	vld [tilespmem:s20+$0x0];
	_ =	sdelay $0x4  }
0x7a: {  	v1 =	vmax.f32 v1, v2  }
0x7b: {  	[tilespmem:s21+$0x40] =	vst v1;
	v1 =	vld [tilespmem:s21+$0x50]  }
0x7c: {  	v2 =	vld [tilespmem:s20+$0x10];
	_ =	sdelay $0x4  }
0x7d: {  	v1 =	vmax.f32 v1, v2  }
0x7e: {  	[tilespmem:s21+$0x50] =	vst v1;
	v1 =	vld [tilespmem:s21+$0x60]  }
0x7f: {  	v2 =	vld [tilespmem:s20+$0x20];
	_ =	sdelay $0x4  }
0x80: {  	v1 =	vmax.f32 v1, v2  }
0x81: {  	[tilespmem:s21+$0x60] =	vst v1;
	v1 =	vld [tilespmem:s21+$0x70]  }
0x82: {  	v2 =	vld [tilespmem:s20+$0x30]  }
.Ltmp2:
0x83: {  	(pc) =	sbr.rel @p0 .LBB2_5-.Ltmp2, $2  }
0x84: {  	_ =	sdelay $0x2  }
0x85: {  	s24 =	smov.u32 s23;
	v1 =	vmax.f32 v1, v2  }
0x86: {  	s22 =	sshra.s32 s22, $0x2;
	[tilespmem:s21+$0x70] =	vst v1  }
0x87: {  	v1 =	vld [tilespmem:s22+$0xE480];
	_ =	sdelay $0x4  }
0x88: {  	(v2sf) =	vpush v1, $0x0;
	_ =	sdelay $0xe  }
0x89: {  	s31 =	spop (v2sf)  }
0x8a: {  	s20 =	sadd.s32 $0x80, s20;
	s21 =	sshll.u32 s31, $0x9  }
0x8b: {  	v1 =	vld [tilespmem:s20+$0xFFFFFFC0];
	s21 =	sshra.s32 s21, $0x2  }
0x8c: {  	v2 =	vld [tilespmem:s21+$0x0];
	_ =	sdelay $0x4  }
0x8d: {  	v1 =	vmax.f32 v2, v1  }
0x8e: {  	[tilespmem:s21+$0x0] =	vst v1;
	v1 =	vld [tilespmem:s21+$0x10]  }
0x8f: {  	v2 =	vld [tilespmem:s20+$0xFFFFFFD0];
	_ =	sdelay $0x4  }
0x90: {  	v1 =	vmax.f32 v1, v2  }
0x91: {  	[tilespmem:s21+$0x10] =	vst v1;
	v1 =	vld [tilespmem:s21+$0x20]  }
0x92: {  	v2 =	vld [tilespmem:s20+$0xFFFFFFE0];
	_ =	sdelay $0x4  }
0x93: {  	v1 =	vmax.f32 v1, v2  }
0x94: {  	[tilespmem:s21+$0x20] =	vst v1;
	v1 =	vld [tilespmem:s21+$0x30]  }
0x95: {  	v2 =	vld [tilespmem:s20+$0xFFFFFFF0];
	_ =	sdelay $0x4  }
0x96: {  	v1 =	vmax.f32 v1, v2  }
0x97: {  	[tilespmem:s21+$0x30] =	vst v1;
	v1 =	vld [tilespmem:s21+$0x40]  }
0x98: {  	v2 =	vld [tilespmem:s20+$0x0];
	_ =	sdelay $0x4  }
0x99: {  	v1 =	vmax.f32 v1, v2  }
0x9a: {  	[tilespmem:s21+$0x40] =	vst v1;
	v1 =	vld [tilespmem:s21+$0x50]  }
0x9b: {  	v2 =	vld [tilespmem:s20+$0x10];
	_ =	sdelay $0x4  }
0x9c: {  	v1 =	vmax.f32 v1, v2  }
0x9d: {  	[tilespmem:s21+$0x50] =	vst v1;
	v1 =	vld [tilespmem:s21+$0x60]  }
0x9e: {  	v2 =	vld [tilespmem:s20+$0x20];
	_ =	sdelay $0x4  }
0x9f: {  	v1 =	vmax.f32 v1, v2  }
0xa0: {  	[tilespmem:s21+$0x60] =	vst v1;
	v1 =	vld [tilespmem:s21+$0x70]  }
0xa1: {  	s19 =	sadd.s32 $0x1, s19;
	v2 =	vld [tilespmem:s20+$0x30]  }
0xa2: {  	p0 =	sne.s32 s19, s18  }
.Ltmp3:
0xa3: {  	_ = 	snop;
	(pc) =	sbr.rel @p0 .LBB2_4-.Ltmp3, $3  }
0xa4: {  	_ =	sdelay $0x1  }
0xa5: {  	v1 =	vmax.f32 v1, v2  }
0xa6: {  	[tilespmem:s21+$0x70] =	vst v1  }
.LBB2_7:
0xa7: {  	s17 =	simm.s32 $0x0  }
0xa8: {  	v3 =	vld [tilespmem:s17+$0x0]  }
0xa9: {  	v6 =	vld [tilespmem:s17+$0x10]  }
0xaa: {  	v5 =	vld [tilespmem:s17+$0x20]  }
0xab: {  	v4 =	vld [tilespmem:s17+$0x30]  }
0xac: {  	v1 =	vld [tilespmem:s17+$0x40]  }
0xad: {  	v2 =	vld [tilespmem:s17+$0x50];
	vm0 =	veq.f32 v3, $-Inf  }
0xae: {  	s18 =	simm.s32 $0x200;
	v7 =	vsel vm0, $0x0, v3;
	vm0 =	veq.f32 v6, $-Inf;
	v3 =	vld [tilespmem:s17+$0x60]  }
.LBB2_8:
0xaf: {  	s19 =	sshra.s32 s18, $0x2;
	p0 =	sne.s32 s18, $0x27E00;
	[tilespmem:s17+$0x0] =	vst v7;
	v6 =	vsel vm0, $0x0, v6;
	vm0 =	veq.f32 v5, $-Inf;
	v7 =	vld [tilespmem:s17+$0x70]  }
0xb0: {  	v8 =	vld [tilespmem:s19+$0x0];
	[tilespmem:s17+$0x10] =	vst v6;
	v5 =	vsel vm0, $0x0, v5;
	vm0 =	veq.f32 v4, $-Inf  }
0xb1: {  	v6 =	vld [tilespmem:s19+$0x10];
	[tilespmem:s17+$0x20] =	vst v5;
	v4 =	vsel vm0, $0x0, v4;
	vm0 =	veq.f32 v1, $-Inf  }
.Ltmp4:
0xb2: {  	v5 =	vld [tilespmem:s19+$0x20];
	[tilespmem:s17+$0x30] =	vst v4;
	v1 =	vsel vm0, $0x0, v1;
	vm0 =	veq.f32 v2, $-Inf;
	(pc) =	sbr.rel @p0 .LBB2_8-.Ltmp4, $4  }
0xb3: {  	v4 =	vld [tilespmem:s19+$0x30];
	[tilespmem:s17+$0x40] =	vst v1;
	v2 =	vsel vm0, $0x0, v2;
	vm0 =	veq.f32 v3, $-Inf  }
0xb4: {  	v1 =	vld [tilespmem:s19+$0x40];
	[tilespmem:s17+$0x50] =	vst v2;
	v3 =	vsel vm0, $0x0, v3;
	vm0 =	veq.f32 v7, $-Inf  }
0xb5: {  	vm1 =	veq.f32 v8, $-Inf;
	v2 =	vld [tilespmem:s19+$0x50];
	[tilespmem:s17+$0x60] =	vst v3;
	v9 =	vsel vm0, $0x0, v7  }
0xb6: {  	s18 =	sadd.s32 $0x200, s18;
	v7 =	vsel vm1, $0x0, v8;
	vm0 =	veq.f32 v6, $-Inf;
	v3 =	vld [tilespmem:s19+$0x60];
	[tilespmem:s17+$0x70] =	vst v9;
	s17 =	smov.u32 s19  }
0xb7: {  	[tilespmem:s17+$0x0] =	vst v7;
	v6 =	vsel vm0, $0x0, v6;
	vm10 =	veq.f32 v5, $-Inf;
	v63 =	vld [tilespmem:s17+$0x70]  }
0xb8: {  	[tilespmem:s17+$0x10] =	vst v6;
	v5 =	vsel vm10, $0x0, v5;
	vm11 =	veq.f32 v4, $-Inf  }
0xb9: {  	[tilespmem:s17+$0x20] =	vst v5;
	v4 =	vsel vm11, $0x0, v4;
	vm12 =	veq.f32 v1, $-Inf  }
0xba: {  	[tilespmem:s17+$0x30] =	vst v4;
	v1 =	vsel vm12, $0x0, v1;
	vm13 =	veq.f32 v2, $-Inf  }
0xbb: {  	[tilespmem:s17+$0x40] =	vst v1;
	v1 =	vsel vm13, $0x0, v2;
	vm14 =	veq.f32 v3, $-Inf  }
0xbc: {  	s16 =	sadd.s32 $0x1, s16;
	[tilespmem:s17+$0x50] =	vst v1;
	v1 =	vsel vm14, $0x0, v3;
	vm15 =	veq.f32 v63, $-Inf  }
0xbd: {  	p0 =	sne.s32 s16, s8;
	[tilespmem:s17+$0x60] =	vst v1;
	v1 =	vsel vm15, $0x0, v63  }
.Ltmp5:
0xbe: {  	[tilespmem:s17+$0x70] =	vst v1;
	(pc) =	sbr.rel @p0 .LBB2_1-.Ltmp5, $4  }
0xbf: {  	[hbm4b:s7+s2] =	stream.linear.scatter [tilespmem:s2], [sflag:$0x2], $0xA000, $0x38;
	[tilespmem:$0xE680] =	vst v63  }
0xc0: {  	_ =	swait.ge [sflag:s10], $0xA000  }
0xc1: {  	[sflag:s10] =	ssyncset.done $0x0  }
0xc2: {  	[sflag:s10] =	ssyncadd.s32 $0xFFFF6000  }
0xc3: {  	_ =	sfence.sel $0x180000  }
0xc4: {  	[bflag:$0x0] =	sbarrier.arrive $0xFFFF  }
0xc5: {  	p0 =	sne.s32 s1, $0x0;
	_ =	strace $0x9000004D  }
0xc6: {  	s0 =	sadd.s32 @!p0 $0x100000, s0;
	[bflag:$0x2] =	sbarrier.arrive $0xFFFF  }
0xc7: {  	[sflag:s0] =	ssyncadd.tile.s32 @!p0 $0x1;
	_ =	shalt  }
.Lfunc_end2:
_tile_overlayer_lowered:
.L_overlay_start_2:
0xc8: {  	(tag) =	ssettag $0x2  }
0xc9: {  	s0 =	rddreg [dreg:$0x0];
	s2 =	stileid.u32  }
0xca: {  	s1 =	rddreg [dreg:$0x1];
	p0 =	sne.s32 s2, $0x0  }
0xcb: {  	s3 =	rddreg [dreg:$0x2];
	[bflag:$0x3] =	sbarrier.arrive $0xFFFF;
	s2 =	simm.s32 @!p0 $0x1C02  }
0xcc: {  	[timem:s3], [sflag:s2] =	dma.local @!p0 [hbm:s0], s1  }
0xcd: {  	s0 =	simm.s32 @!p0 $0x2  }
0xce: {  	_ =	swait.ge @!p0 [sflag:s0], s1  }
0xcf: {  	s1 =	ssub.s32 @!p0 $0x0, s1;
	[sflag:s0] =	ssyncset.done @!p0 $0x0  }
0xd0: {  	[sflag:s0] =	ssyncadd.s32 @!p0 s1  }
0xd1: {  	[bflag:$0x3] =	sbarrier.arrive $0xFFFF  }
0xd2: {  	_ =	shalt  }

// kernel: kernel.21.cloned.1.call-start
scs
__scs_entry_jumppad:
0x0: {  	(pc) =	sbr.rel $0x88, $3  }
0x1: {  	(tag) =	ssettag $0x0;
	lr =	simm.s32 $0x1  }
0x2: {  	[smem:$0x3F95] =	sst lr;
	_ =	strace $0xD0000000  }
0x3: {  	_ = 	snop  }
0x4: {  	_ = 	snop  }
0x5: {  	_ = 	snop  }
0x6: {  	_ = 	snop  }
0x7: {  	_ = 	snop  }
__scs_overlays_trampoline_lowered:
0x8: {  	[smem:$0x3FA4] =	sst s0  }
0x9: {  	[smem:$0x3FA5] =	sst s1  }
0xa: {  	[smem:$0x3FA6] =	sst s2  }
0xb: {  	[smem:$0x3FA7] =	sst s3  }
0xc: {  	[smem:$0x3FA8] =	sst s4  }
0xd: {  	[smem:$0x3FA9] =	sst s5  }
0xe: {  	[smem:$0x3FAA] =	sst s6  }
0xf: {  	[smem:$0x3FAB] =	sst s7  }
0x10: {  	[smem:$0x3FAC] =	sst s8  }
0x11: {  	[smem:$0x3FAD] =	sst s9;
	s0 =	simm.s32 @!p0 $0x0  }
0x12: {  	s1 =	sld [smem:$0x3F93];
	s0 =	simm.s32 @p0 $0x1  }
0x13: {  	[smem:$0x3FAE] =	sst s0;
	s0 =	simm.s32 @!p1 $0x0  }
0x14: {  	s2 =	sld [smem:$0x3F92];
	s0 =	simm.s32 @p1 $0x1  }
0x15: {  	[smem:$0x3FAF] =	sst s0;
	s0 =	simm.s32 @!p2 $0x0  }
0x16: {  	s3 =	sld [smem:$0x3FDB];
	s0 =	simm.s32 @p2 $0x1  }
0x17: {  	s4 =	simm.s32 $0x1BF5;
	[smem:$0x3FB1] =	sst s0  }
0x18: {  	s0 =	sld [smem:$0x3F94];
	_ =	swait.ge [sflag:s4], $0x0  }
0x19: {  	s7 =	sld [smem:$0x3F95]  }
0x1a: {  	s8 =	sadd.s32 $0xFFFFE003, lr  }
0x1b: {  	s9 =	sadd.s32 $0xFFFFFEF7, lr;
	s5 =	simm.s32 $0xFFFFFFFF;
	p2 =	slt.u32 s8, $0xFFFFF086  }
0x1c: {  	p1 =	slt.u32 s9, $0xF7A;
	s5 =	simm.s32 @!p2 $0x0  }
0x1d: {  	s5 =	simm.s32 @p1 $0x1;
	p0 =	seq.s32 s7, s2  }
0x1e: {  	s7 =	smul.u32 @!p0 $0xF7A, s2;
	p2 =	seq.s32 @!p0 s5, $0x0  }
0x1f: {  	s9 =	smul.u32 $0xF7A, s1;
	s8 =	simm.s32 @!p0 $0x1BF5;
	p2 =	por !p2, p0  }
0x20: {  	[sflag:s8] =	ssyncset.s32 @!p0 $0xFFFFF086;
	s6 =	sadd.s32 @!p0 s3, s7;
	s7 =	simm.s32 @!p0 $0x108  }
0x21: {  	s3 =	sadd.s32 s3, s9;
	s6 =	sadd.s32 @!p0 $0x88, s6;
	s7 =	simm.s32 @p2 $0x1082  }
0x22: {  	[simem:s7], [sflag:s8] =	dma.local @!p0 [hbm:s6], $0xF7A  }
0x23: {  	s9 =	sor.u32 $0xD0000000, s2;
	s6 =	simm.s32 $0x108;
	_ =	swait.ge @!p0 [sflag:s8], $0x0  }
0x24: {  	s3 =	sadd.s32 $0x88, s3;
	s6 =	simm.s32 @!p1 $0x1082;
	[sflag:s4] =	ssyncset.s32 $0xFFFFF086  }
0x25: {  	[simem:s6], [sflag:s4] =	dma.local [hbm:s3], $0xF7A  }
0x26: {  	[smem:$0x3F95] =	sst s1;
	(tag) =	ssettag s2;
	_ =	strace s9  }
0x27: {  	s1 =	sld [smem:$0x3FA5]  }
0x28: {  	s2 =	sld [smem:$0x3FA6]  }
0x29: {  	s4 =	sld [smem:$0x3FA8]  }
0x2a: {  	p0 =	seq.s32 s5, $0x0;
	s5 =	sld [smem:$0x3FA9]  }
0x2b: {  	s6 =	sld [smem:$0x3FAA]  }
0x2c: {  	s7 =	sld [smem:$0x3FAB]  }
0x2d: {  	s3 =	simm.s32 $0x108;
	s8 =	sld [smem:$0x3FAC]  }
0x2e: {  	s3 =	simm.s32 @!p0 $0x1082;
	s9 =	sld [smem:$0x3FAD]  }
0x2f: {  	lr =	sadd.s32 s0, s3;
	s0 =	sld [smem:$0x3FA4]  }
0x30: {  	s3 =	sld [smem:$0x3FA7]  }
0x31: {  	[smem:$0x3FB0] =	sst s10  }
0x32: {  	s10 =	sld [smem:$0x3FAE];
	_ =	sdelay $0x3  }
0x33: {  	p0 =	seq.s32 s10, $0x1;
	s10 =	sld [smem:$0x3FB0];
	_ =	sdelay $0x3  }
0x34: {  	[smem:$0x3FB0] =	sst s10  }
0x35: {  	s10 =	sld [smem:$0x3FAF];
	_ =	sdelay $0x3  }
0x36: {  	p1 =	seq.s32 s10, $0x1;
	s10 =	sld [smem:$0x3FB0];
	_ =	sdelay $0x3  }
0x37: {  	[smem:$0x3FB0] =	sst s10  }
0x38: {  	s10 =	sld [smem:$0x3FB1]  }
0x39: {  	_ = 	snop;
	(pc) =	sbr.ind lr, $3  }
0x3a: {  	_ = 	snop  }
0x3b: {  	_ = 	snop  }
0x3c: {  	p2 =	seq.s32 s10, $0x1;
	s10 =	sld [smem:$0x3FB0]  }
0x3d: {  	_ =	shalt  }
0x3e: {  	_ =	shalt  }
0x3f: {  	_ =	shalt  }
0x40: {  	_ =	shalt  }
0x41: {  	_ =	shalt  }
0x42: {  	_ =	shalt  }
0x43: {  	_ =	shalt  }
0x44: {  	_ =	shalt  }
0x45: {  	_ =	shalt  }
0x46: {  	_ =	shalt  }
0x47: {  	_ =	shalt  }
0x48: {  	_ =	shalt  }
0x49: {  	_ =	shalt  }
0x4a: {  	_ =	shalt  }
0x4b: {  	_ =	shalt  }
0x4c: {  	_ =	shalt  }
0x4d: {  	_ =	shalt  }
0x4e: {  	_ =	shalt  }
0x4f: {  	_ =	shalt  }
0x50: {  	_ =	shalt  }
0x51: {  	_ =	shalt  }
0x52: {  	_ =	shalt  }
0x53: {  	_ =	shalt  }
0x54: {  	_ =	shalt  }
0x55: {  	_ =	shalt  }
0x56: {  	_ =	shalt  }
0x57: {  	_ =	shalt  }
0x58: {  	_ =	shalt  }
0x59: {  	_ =	shalt  }
0x5a: {  	_ =	shalt  }
0x5b: {  	_ =	shalt  }
0x5c: {  	_ =	shalt  }
0x5d: {  	_ =	shalt  }
0x5e: {  	_ =	shalt  }
0x5f: {  	_ =	shalt  }
0x60: {  	_ =	shalt  }
0x61: {  	_ =	shalt  }
0x62: {  	_ =	shalt  }
0x63: {  	_ =	shalt  }
0x64: {  	_ =	shalt  }
0x65: {  	_ =	shalt  }
0x66: {  	_ =	shalt  }
0x67: {  	_ =	shalt  }
0x68: {  	_ =	shalt  }
0x69: {  	_ =	shalt  }
0x6a: {  	_ =	shalt  }
0x6b: {  	_ =	shalt  }
0x6c: {  	_ =	shalt  }
0x6d: {  	_ =	shalt  }
0x6e: {  	_ =	shalt  }
0x6f: {  	_ =	shalt  }
0x70: {  	_ =	shalt  }
0x71: {  	_ =	shalt  }
0x72: {  	_ =	shalt  }
0x73: {  	_ =	shalt  }
0x74: {  	_ =	shalt  }
0x75: {  	_ =	shalt  }
0x76: {  	_ =	shalt  }
0x77: {  	_ =	shalt  }
0x78: {  	_ =	shalt  }
0x79: {  	_ =	shalt  }
0x7a: {  	_ =	shalt  }
0x7b: {  	_ =	shalt  }
0x7c: {  	_ =	shalt  }
0x7d: {  	_ =	shalt  }
0x7e: {  	_ =	shalt  }
0x7f: {  	_ =	shalt  }
0x80: {  	_ =	shalt  }
0x81: {  	_ =	shalt  }
0x82: {  	_ =	shalt  }
0x83: {  	_ =	shalt  }
0x84: {  	_ =	shalt  }
0x85: {  	_ =	shalt  }
0x86: {  	_ =	shalt  }
0x87: {  	_ =	shalt  }
.Lfunc_end0:
.L_simem_size_0:
called_computation.3_lowered:
.L_overlay_start_0:
0x88: {  	s2 =	sld [smem:$0x3FD9]  }
0x89: {  	s3 =	sld [smem:$0x3FFE];
	_ =	sdelay $0x1  }
0x8a: {  	s1 =	srdreg.scid  }
0x8b: {  	s0 =	sand.u32 $0x1, s1  }
0x8c: {  	s16 =	sshll.u32 s0, $0xA;
	s2 =	sadd.s32 s3, s2  }
0x8d: {  	s2 =	sadd.s32 s2, s16  }
0x8e: {  	[smem:$0x3FBC] =	sst s2  }
0x8f: {  	_ = 	snop  }
0x90: {  	(tm) =	ssettm $0x1  }
0x91: {  	s17 =	sld [smem:$0x3FFB];
	_ =	sdelay $0x3  }
0x92: {  	_ =	strace s17  }
0x93: {  	s2 =	sld [smem:$0x3FFC];
	_ =	sdelay $0x3  }
0x94: {  	_ =	strace s2  }
0x95: {  	s2 =	sld [smem:$0x3FFD];
	_ =	sdelay $0x3  }
0x96: {  	_ =	strace s2  }
0x97: {  	_ =	strace $0x8FFFFFFF  }
0x98: {  	s18 =	sld [smem:$0x3FDB];
	_ =	sdelay $0x1  }
0x99: {  	s19 =	simm.s32 $_scs_section_size  }
0x9a: {  	s4 =	simm.s32 $_size__tile_overlayer_lowered;
	s5 =	simm.s32 $_tile_overlayer_lowered  }
0x9b: {  	s22 =	simm.s32 $0x1BFF;
	s21 =	sshll.u32 s5, $0x1;
	s2 =	sadd.s32 s19, s18  }
0x9c: {  	s6 =	simm.s32 $0x0;
	s20 =	sshll.u32 s4, $0x1;
	s4 =	sadd.s32 s21, s2  }
0x9d: {  	[timem:s6], [sflag:s22] =	dma.local [hbm:s4], s20  }
0x9e: {  	_ =	swait.ge [sflag:s22], s20  }
0x9f: {  	s3 =	ssub.s32 $0x0, s20;
	[sflag:s22] =	ssyncset.done $0x0  }
0xa0: {  	[sflag:s22] =	ssyncadd.s32 s3;
	_ =	sdelay $0x1  }
0xa1: {  	s23 =	simm.s32 $0x1B8B  }
0xa2: {  	_ =	swait.ge [sflag:s23], $0x1  }
0xa3: {  	[sflag:s23] =	ssyncset.done $0x0  }
0xa4: {  	s25 =	simm.s32 $0x1B8E;
	s24 =	sld [smem:$0x3FFE];
	[sflag:s23] =	ssyncadd.s32 $0xFFFFFFFF  }
0xa5: {  	s26 =	simm.s32 $execute0_lowered;
	[smem:$0x3FD2] =	sst s25  }
0xa6: {  	s4 =	sshll.u32 s26, $0x1;
	_ =	strace $0x8000004F;
	[dreg:$0x1] =	wrdreg $0xFFFFFFFF  }
0xa7: {  	s28 =	simm.s32 $_size_execute0_lowered;
	s2 =	sadd.s32 s2, s4;
	[dreg:$0x0] =	wrdreg $0x0  }
0xa8: {  	s4 =	sshll.u32 s28, $0x1;
	[dreg:$0x2] =	wrdreg s2  }
0xa9: {  	[dreg:$0x3] =	wrdreg s4  }
0xaa: {  	[dreg:$0x4] =	wrdreg $0xC0  }
0xab: {  	_ =	task [dreg:s6], $0x5FFFF  }
0xac: {  	[dreg:$0x1] =	wrdreg $0xFFFFFFFF  }
0xad: {  	[dreg:$0x0] =	wrdreg $0x60  }
0xae: {  	[dreg:$0x2] =	wrdreg s24  }
0xaf: {  	[dreg:$0x3] =	wrdreg $0x9  }
0xb0: {  	_ =	task.clear_ibuf [dreg:s6], $0x4FFFF;
	_ =	strace $0x9000004F  }
0xb1: {  	s29 =	simm.s32 $0x9;
	_ =	strace $0x80000051  }
0xb2: {  	_ =	swait.ge [sflag:s29], $0x1  }
0xb3: {  	[sflag:s29] =	ssyncadd.s32 $0xFFFFFFFF  }
0xb4: {  	_ =	strace $0x90000051  }
0xb5: {  	_ =	sfence  }
0xb6: {  	s30 =	sld [smem:$0x0];
	_ =	sdelay $0x2  }
0xb7: {  	s31 =	sshll.u32 s1, $0xD;
	s1 =	sshrl.u32 s1, $0x2  }
0xb8: {  	s3 =	sand.u32 $0x4000, s31;
	s1 =	sadd.s32 s1, s30  }
0xb9: {  	s0 =	sor.u32 s3, s0;
	s1 =	sshll.u32 s1, $0x11  }
0xba: {  	s0 =	sor.u32 s1, s0  }
0xbb: {  	s0 =	sadd.s32 $0x8F2B, s0  }
0xbc: {  	[sflag:s0] =	ssyncadd.remote.s32 $0x1  }
0xbd: {  	_ =	sfence.sel $0xFFFF  }
0xbe: {  	[dreg:$0x0] =	wrdreg $0xFFFFFFFF;
	(pc) =	sbr.abs _section_cstart, $3  }
0xbf: {  	[dreg:$0x1] =	wrdreg $0xFFFFFFFF  }
0xc0: {  	_ =	task.clear_ibuf [dreg:s6], $0x2FFFF;
	_ =	strace $0x9FFFFFFF  }
0xc1: {  	(tm) =	ssettm $0x7FFFFFFF  }
tec
execute0_lowered:
.L_overlay_start_1:
0x0: {  	(tag) =	ssettag $0x1  }
0x1: {  	s7 =	rddreg [dreg:$0x0]  }
0x2: {  	s0 =	rddreg [dreg:$0x1];
	s1 =	simm.s32 $0x0;
	s5 =	srdreg.scid  }
0x3: {  	s2 =	stileid.u32;
	s12 =	simm.s32 $0x50;
	s13 =	simm.s32 $0x100  }
0x4: {  	s14 =	simm.s32 $0x2900;
	s15 =	simm.s32 $0x1;
	s16 =	simm.s32 $0x2  }
0x5: {  	s17 =	simm.s32 $0x0;
	[smem:$0x7FF] =	sst s1;
	s3 =	sadd.s32 $0x16600, s7  }
0x6: {  	s4 =	sadd.s32 $0x3D800, s7;
	s8 =	sand.u32 $0x1, s5;
	s5 =	sadd.s32 $0xC800, s7  }
0x7: {  	s10 =	sshll.u32 s2, $0x1;
	s6 =	sadd.s32 $0x2A00, s7;
	s9 =	ssub.s32 $0x2, s8  }
0x8: {  	s7 =	sadd.s32 $0x64A00, s7;
	_ =	strace $0x80000050;
	s11 =	sshrl.u32 s9, $0x1  }
0x9: {  	s8 =	sor.u32 s8, s10;
	s10 =	simm.s32 $0x3;
	s9 =	ssub.s32 s9, s11  }
0xa: {  	s8 =	smul.u32 $0x2710, s8;
	s11 =	simm.s32 $0x80;
	s9 =	smax.u32 s9, $0x1  }
.LBB2_1:
0xb: {  	s18 =	simm.s32 $0x0  }
.LBB2_2:
0xc: {  	s19 =	smul.u32 $0x50, s18;
	_ =	sdelay $0x1  }
0xd: {  	s19 =	sadd.s32 s8, s19  }
0xe: {  	s20 =	sshrl.u32 s19, $0x3  }
0xf: {  	s22 =	simm.s32 $0x0;
	s21 =	sadd.s32 s6, s20  }
0x10: {  	[tilespmem:s22], [sflag:$0x3] =	stream.linear.gather [hbm4b:s21+s22], $0x50, $0x38;
	[tilespmem:$0x5100] =	vst v63  }
0x11: {  	_ =	swait.ge [sflag:s10], $0x50  }
0x12: {  	[sflag:s10] =	ssyncset.done $0x0  }
0x13: {  	s20 =	sadd.s32 s5, s20;
	[sflag:s10] =	ssyncadd.s32 $0xFFFFFFB0  }
0x14: {  	[tilespmem:s11], [sflag:$0x3] =	stream.linear.gather [hbm4b:s20+s22], $0x50, $0x38;
	[tilespmem:$0x5100] =	vst v63  }
0x15: {  	_ =	swait.ge [sflag:s10], $0x50  }
0x16: {  	[sflag:s10] =	ssyncset.done $0x0  }
0x17: {  	[sflag:s10] =	ssyncadd.s32 $0xFFFFFFB0  }
0x18: {  	[tilespmem:s13], [sflag:$0x1] =	stream.indirect.gather [hbm4b:s3+s12], $0x80, s22, s12, $0xb8;
	[tilespmem:$0x5100] =	vst v63  }
0x19: {  	_ = 	snop  }
0x1a: {  	[tilespmem:s14], [sflag:$0x2] =	stream.indirect.gather [hbm4b:s4+s12], $0x80, s11, s12, $0xb8;
	[tilespmem:$0x5100] =	vst v63  }
0x1b: {  	_ =	swait.ge [sflag:s15], $0x2800  }
0x1c: {  	[sflag:s15] =	ssyncset.done $0x0  }
0x1d: {  	[sflag:s15] =	ssyncadd.s32 $0xFFFFD800  }
0x1e: {  	_ =	swait.ge [sflag:s16], $0x2800  }
0x1f: {  	[sflag:s16] =	ssyncset.done $0x0  }
0x20: {  	s20 =	simm.s32 $0x0;
	[sflag:s16] =	ssyncadd.s32 $0xFFFFD800  }
0x21: {  	v6 =	vld [tilespmem:s20+$0x2900]  }
0x22: {  	v11 =	vld [tilespmem:s20+$0x2910]  }
0x23: {  	v5 =	vld [tilespmem:s20+$0x2920]  }
0x24: {  	v4 =	vld [tilespmem:s20+$0x2930]  }
0x25: {  	v3 =	vld [tilespmem:s20+$0x2940]  }
0x26: {  	v2 =	vld [tilespmem:s20+$0x2950]  }
0x27: {  	v1 =	vld [tilespmem:s20+$0x2960]  }
0x28: {  	v0 =	vld [tilespmem:s20+$0x2970]  }
0x29: {  	v12 =	vld [tilespmem:s20+$0x100]  }
0x2a: {  	v13 =	vld [tilespmem:s20+$0x110]  }
0x2b: {  	v10 =	vld [tilespmem:s20+$0x120]  }
0x2c: {  	v9 =	vld [tilespmem:s20+$0x130]  }
0x2d: {  	v8 =	vld [tilespmem:s20+$0x140]  }
0x2e: {  	v7 =	vld [tilespmem:s20+$0x150];
	v12 =	vadd.f32 v6, v12  }
0x2f: {  	s21 =	simm.s32 $0x200;
	v11 =	vadd.f32 v11, v13;
	v6 =	vld [tilespmem:s20+$0x160]  }
.LBB2_3:
0x30: {  	s22 =	sshra.s32 s21, $0x2;
	p0 =	sne.s32 s21, $0x9E00;
	v12 =	vmax.f32 v12, $0.0e+00;
	v5 =	vadd.f32 v5, v10;
	v10 =	vld [tilespmem:s20+$0x170]  }
0x31: {  	v13 =	vld [tilespmem:s22+$0x2900];
	[tilespmem:s20+$0x100] =	vst v12;
	v11 =	vmax.f32 v11, $0.0e+00;
	v4 =	vadd.f32 v4, v9  }
0x32: {  	v14 =	vld [tilespmem:s22+$0x2910];
	[tilespmem:s20+$0x110] =	vst v11;
	v9 =	vmax.f32 v5, $0.0e+00;
	v3 =	vadd.f32 v3, v8  }
0x33: {  	v5 =	vld [tilespmem:s22+$0x2920];
	[tilespmem:s20+$0x120] =	vst v9;
	v8 =	vmax.f32 v4, $0.0e+00;
	v2 =	vadd.f32 v2, v7  }
0x34: {  	v4 =	vld [tilespmem:s22+$0x2930];
	[tilespmem:s20+$0x130] =	vst v8;
	v7 =	vmax.f32 v3, $0.0e+00;
	v1 =	vadd.f32 v1, v6  }
0x35: {  	v3 =	vld [tilespmem:s22+$0x2940];
	[tilespmem:s20+$0x140] =	vst v7;
	v6 =	vmax.f32 v2, $0.0e+00;
	v0 =	vadd.f32 v0, v10  }
0x36: {  	v2 =	vld [tilespmem:s22+$0x2950];
	[tilespmem:s20+$0x150] =	vst v6;
	v6 =	vmax.f32 v1, $0.0e+00  }
0x37: {  	v1 =	vld [tilespmem:s22+$0x2960];
	[tilespmem:s20+$0x160] =	vst v6;
	v6 =	vmax.f32 v0, $0.0e+00  }
0x38: {  	v0 =	vld [tilespmem:s22+$0x2970];
	[tilespmem:s20+$0x170] =	vst v6;
	s20 =	smov.u32 s22  }
0x39: {  	v6 =	vld [tilespmem:s20+$0x100]  }
0x3a: {  	v11 =	vld [tilespmem:s20+$0x110]  }
.Ltmp0:
0x3b: {  	v10 =	vld [tilespmem:s20+$0x120];
	(pc) =	sbr.rel @p0 .LBB2_3-.Ltmp0, $4  }
0x3c: {  	v9 =	vld [tilespmem:s20+$0x130]  }
0x3d: {  	v8 =	vld [tilespmem:s20+$0x140]  }
0x3e: {  	v12 =	vadd.f32 v13, v6;
	v7 =	vld [tilespmem:s20+$0x150]  }
0x3f: {  	s21 =	sadd.s32 $0x200, s21;
	v11 =	vadd.f32 v14, v11;
	v6 =	vld [tilespmem:s20+$0x160]  }
0x40: {  	v12 =	vmax.f32 v12, $0.0e+00;
	v5 =	vadd.f32 v5, v10;
	v63 =	vld [tilespmem:s20+$0x170]  }
0x41: {  	[tilespmem:s20+$0x100] =	vst v12;
	v11 =	vmax.f32 v11, $0.0e+00;
	v4 =	vadd.f32 v4, v9  }
0x42: {  	[tilespmem:s20+$0x110] =	vst v11;
	v5 =	vmax.f32 v5, $0.0e+00;
	v3 =	vadd.f32 v3, v8  }
0x43: {  	[tilespmem:s20+$0x120] =	vst v5;
	v4 =	vmax.f32 v4, $0.0e+00;
	v2 =	vadd.f32 v2, v7  }
0x44: {  	[tilespmem:s20+$0x130] =	vst v4;
	v3 =	vmax.f32 v3, $0.0e+00;
	v1 =	vadd.f32 v1, v6  }
0x45: {  	[tilespmem:s20+$0x140] =	vst v3;
	v2 =	vmax.f32 v2, $0.0e+00;
	v0 =	vadd.f32 v0, v63  }
0x46: {  	s18 =	sadd.s32 $0x1, s18;
	[tilespmem:s20+$0x150] =	vst v2;
	v1 =	vmax.f32 v1, $0.0e+00  }
0x47: {  	s19 =	sshll.u32 s19, $0x4;
	p0 =	sne.s32 s18, $0x7D;
	[tilespmem:s20+$0x160] =	vst v1;
	v0 =	vmax.f32 v0, $0.0e+00  }
.Ltmp1:
0x48: {  	s19 =	sadd.s32 s7, s19;
	[tilespmem:s20+$0x170] =	vst v0;
	(pc) =	sbr.rel @p0 .LBB2_2-.Ltmp1, $4  }
0x49: {  	[hbm4b:s19+s1] =	stream.linear.scatter [tilespmem:s13], [sflag:$0x3], $0x2800, $0x38;
	[tilespmem:$0x5100] =	vst v63  }
0x4a: {  	_ =	swait.ge [sflag:s10], $0x2800  }
0x4b: {  	[sflag:s10] =	ssyncset.done $0x0  }
0x4c: {  	[sflag:s10] =	ssyncadd.s32 $0xFFFFD800  }
0x4d: {  	s17 =	sadd.s32 $0x1, s17  }
0x4e: {  	p0 =	sne.s32 s17, s9  }
.Ltmp2:
0x4f: {  	_ = 	snop;
	(pc) =	sbr.rel @p0 .LBB2_1-.Ltmp2, $1  }
0x50: {  	_ =	sdelay $0x3  }
0x51: {  	_ =	sfence.sel $0x180000  }
0x52: {  	[bflag:$0x0] =	sbarrier.arrive $0xFFFF  }
0x53: {  	p0 =	sne.s32 s2, $0x0;
	_ =	strace $0x90000050  }
0x54: {  	s0 =	sadd.s32 @!p0 $0x100000, s0;
	[bflag:$0x2] =	sbarrier.arrive $0xFFFF  }
0x55: {  	[sflag:s0] =	ssyncadd.tile.s32 @!p0 $0x1;
	_ =	shalt  }
.Lfunc_end2:
_tile_overlayer_lowered:
.L_overlay_start_2:
0x56: {  	(tag) =	ssettag $0x2  }
0x57: {  	s0 =	rddreg [dreg:$0x0];
	s2 =	stileid.u32  }
0x58: {  	s1 =	rddreg [dreg:$0x1];
	p0 =	sne.s32 s2, $0x0  }
0x59: {  	s3 =	rddreg [dreg:$0x2];
	[bflag:$0x3] =	sbarrier.arrive $0xFFFF;
	s2 =	simm.s32 @!p0 $0x1C03  }
0x5a: {  	[timem:s3], [sflag:s2] =	dma.local @!p0 [hbm:s0], s1  }
0x5b: {  	s0 =	simm.s32 @!p0 $0x3  }
0x5c: {  	_ =	swait.ge @!p0 [sflag:s0], s1  }
0x5d: {  	s1 =	ssub.s32 @!p0 $0x0, s1;
	[sflag:s0] =	ssyncset.done @!p0 $0x0  }
0x5e: {  	[sflag:s0] =	ssyncadd.s32 @!p0 s1  }
0x5f: {  	[bflag:$0x3] =	sbarrier.arrive $0xFFFF  }
0x60: {  	_ =	shalt  }

// kernel: kernel.24.cloned.1.call-start
scs
__scs_entry_jumppad:
0x0: {  	(pc) =	sbr.rel $0x88, $3  }
0x1: {  	(tag) =	ssettag $0x0;
	lr =	simm.s32 $0x1  }
0x2: {  	[smem:$0x3F95] =	sst lr;
	_ =	strace $0xD0000000  }
0x3: {  	_ = 	snop  }
0x4: {  	_ = 	snop  }
0x5: {  	_ = 	snop  }
0x6: {  	_ = 	snop  }
0x7: {  	_ = 	snop  }
__scs_overlays_trampoline_lowered:
0x8: {  	[smem:$0x3FA4] =	sst s0  }
0x9: {  	[smem:$0x3FA5] =	sst s1  }
0xa: {  	[smem:$0x3FA6] =	sst s2  }
0xb: {  	[smem:$0x3FA7] =	sst s3  }
0xc: {  	[smem:$0x3FA8] =	sst s4  }
0xd: {  	[smem:$0x3FA9] =	sst s5  }
0xe: {  	[smem:$0x3FAA] =	sst s6  }
0xf: {  	[smem:$0x3FAB] =	sst s7  }
0x10: {  	[smem:$0x3FAC] =	sst s8  }
0x11: {  	[smem:$0x3FAD] =	sst s9;
	s0 =	simm.s32 @!p0 $0x0  }
0x12: {  	s1 =	sld [smem:$0x3F93];
	s0 =	simm.s32 @p0 $0x1  }
0x13: {  	[smem:$0x3FAE] =	sst s0;
	s0 =	simm.s32 @!p1 $0x0  }
0x14: {  	s2 =	sld [smem:$0x3F92];
	s0 =	simm.s32 @p1 $0x1  }
0x15: {  	[smem:$0x3FAF] =	sst s0;
	s0 =	simm.s32 @!p2 $0x0  }
0x16: {  	s3 =	sld [smem:$0x3FDB];
	s0 =	simm.s32 @p2 $0x1  }
0x17: {  	s4 =	simm.s32 $0x1BF5;
	[smem:$0x3FB1] =	sst s0  }
0x18: {  	s0 =	sld [smem:$0x3F94];
	_ =	swait.ge [sflag:s4], $0x0  }
0x19: {  	s7 =	sld [smem:$0x3F95]  }
0x1a: {  	s8 =	sadd.s32 $0xFFFFE003, lr  }
0x1b: {  	s9 =	sadd.s32 $0xFFFFFEF7, lr;
	s5 =	simm.s32 $0xFFFFFFFF;
	p2 =	slt.u32 s8, $0xFFFFF086  }
0x1c: {  	p1 =	slt.u32 s9, $0xF7A;
	s5 =	simm.s32 @!p2 $0x0  }
0x1d: {  	s5 =	simm.s32 @p1 $0x1;
	p0 =	seq.s32 s7, s2  }
0x1e: {  	s7 =	smul.u32 @!p0 $0xF7A, s2;
	p2 =	seq.s32 @!p0 s5, $0x0  }
0x1f: {  	s9 =	smul.u32 $0xF7A, s1;
	s8 =	simm.s32 @!p0 $0x1BF5;
	p2 =	por !p2, p0  }
0x20: {  	[sflag:s8] =	ssyncset.s32 @!p0 $0xFFFFF086;
	s6 =	sadd.s32 @!p0 s3, s7;
	s7 =	simm.s32 @!p0 $0x108  }
0x21: {  	s3 =	sadd.s32 s3, s9;
	s6 =	sadd.s32 @!p0 $0x88, s6;
	s7 =	simm.s32 @p2 $0x1082  }
0x22: {  	[simem:s7], [sflag:s8] =	dma.local @!p0 [hbm:s6], $0xF7A  }
0x23: {  	s9 =	sor.u32 $0xD0000000, s2;
	s6 =	simm.s32 $0x108;
	_ =	swait.ge @!p0 [sflag:s8], $0x0  }
0x24: {  	s3 =	sadd.s32 $0x88, s3;
	s6 =	simm.s32 @!p1 $0x1082;
	[sflag:s4] =	ssyncset.s32 $0xFFFFF086  }
0x25: {  	[simem:s6], [sflag:s4] =	dma.local [hbm:s3], $0xF7A  }
0x26: {  	[smem:$0x3F95] =	sst s1;
	(tag) =	ssettag s2;
	_ =	strace s9  }
0x27: {  	s1 =	sld [smem:$0x3FA5]  }
0x28: {  	s2 =	sld [smem:$0x3FA6]  }
0x29: {  	s4 =	sld [smem:$0x3FA8]  }
0x2a: {  	p0 =	seq.s32 s5, $0x0;
	s5 =	sld [smem:$0x3FA9]  }
0x2b: {  	s6 =	sld [smem:$0x3FAA]  }
0x2c: {  	s7 =	sld [smem:$0x3FAB]  }
0x2d: {  	s3 =	simm.s32 $0x108;
	s8 =	sld [smem:$0x3FAC]  }
0x2e: {  	s3 =	simm.s32 @!p0 $0x1082;
	s9 =	sld [smem:$0x3FAD]  }
0x2f: {  	lr =	sadd.s32 s0, s3;
	s0 =	sld [smem:$0x3FA4]  }
0x30: {  	s3 =	sld [smem:$0x3FA7]  }
0x31: {  	[smem:$0x3FB0] =	sst s10  }
0x32: {  	s10 =	sld [smem:$0x3FAE];
	_ =	sdelay $0x3  }
0x33: {  	p0 =	seq.s32 s10, $0x1;
	s10 =	sld [smem:$0x3FB0];
	_ =	sdelay $0x3  }
0x34: {  	[smem:$0x3FB0] =	sst s10  }
0x35: {  	s10 =	sld [smem:$0x3FAF];
	_ =	sdelay $0x3  }
0x36: {  	p1 =	seq.s32 s10, $0x1;
	s10 =	sld [smem:$0x3FB0];
	_ =	sdelay $0x3  }
0x37: {  	[smem:$0x3FB0] =	sst s10  }
0x38: {  	s10 =	sld [smem:$0x3FB1]  }
0x39: {  	_ = 	snop;
	(pc) =	sbr.ind lr, $3  }
0x3a: {  	_ = 	snop  }
0x3b: {  	_ = 	snop  }
0x3c: {  	p2 =	seq.s32 s10, $0x1;
	s10 =	sld [smem:$0x3FB0]  }
0x3d: {  	_ =	shalt  }
0x3e: {  	_ =	shalt  }
0x3f: {  	_ =	shalt  }
0x40: {  	_ =	shalt  }
0x41: {  	_ =	shalt  }
0x42: {  	_ =	shalt  }
0x43: {  	_ =	shalt  }
0x44: {  	_ =	shalt  }
0x45: {  	_ =	shalt  }
0x46: {  	_ =	shalt  }
0x47: {  	_ =	shalt  }
0x48: {  	_ =	shalt  }
0x49: {  	_ =	shalt  }
0x4a: {  	_ =	shalt  }
0x4b: {  	_ =	shalt  }
0x4c: {  	_ =	shalt  }
0x4d: {  	_ =	shalt  }
0x4e: {  	_ =	shalt  }
0x4f: {  	_ =	shalt  }
0x50: {  	_ =	shalt  }
0x51: {  	_ =	shalt  }
0x52: {  	_ =	shalt  }
0x53: {  	_ =	shalt  }
0x54: {  	_ =	shalt  }
0x55: {  	_ =	shalt  }
0x56: {  	_ =	shalt  }
0x57: {  	_ =	shalt  }
0x58: {  	_ =	shalt  }
0x59: {  	_ =	shalt  }
0x5a: {  	_ =	shalt  }
0x5b: {  	_ =	shalt  }
0x5c: {  	_ =	shalt  }
0x5d: {  	_ =	shalt  }
0x5e: {  	_ =	shalt  }
0x5f: {  	_ =	shalt  }
0x60: {  	_ =	shalt  }
0x61: {  	_ =	shalt  }
0x62: {  	_ =	shalt  }
0x63: {  	_ =	shalt  }
0x64: {  	_ =	shalt  }
0x65: {  	_ =	shalt  }
0x66: {  	_ =	shalt  }
0x67: {  	_ =	shalt  }
0x68: {  	_ =	shalt  }
0x69: {  	_ =	shalt  }
0x6a: {  	_ =	shalt  }
0x6b: {  	_ =	shalt  }
0x6c: {  	_ =	shalt  }
0x6d: {  	_ =	shalt  }
0x6e: {  	_ =	shalt  }
0x6f: {  	_ =	shalt  }
0x70: {  	_ =	shalt  }
0x71: {  	_ =	shalt  }
0x72: {  	_ =	shalt  }
0x73: {  	_ =	shalt  }
0x74: {  	_ =	shalt  }
0x75: {  	_ =	shalt  }
0x76: {  	_ =	shalt  }
0x77: {  	_ =	shalt  }
0x78: {  	_ =	shalt  }
0x79: {  	_ =	shalt  }
0x7a: {  	_ =	shalt  }
0x7b: {  	_ =	shalt  }
0x7c: {  	_ =	shalt  }
0x7d: {  	_ =	shalt  }
0x7e: {  	_ =	shalt  }
0x7f: {  	_ =	shalt  }
0x80: {  	_ =	shalt  }
0x81: {  	_ =	shalt  }
0x82: {  	_ =	shalt  }
0x83: {  	_ =	shalt  }
0x84: {  	_ =	shalt  }
0x85: {  	_ =	shalt  }
0x86: {  	_ =	shalt  }
0x87: {  	_ =	shalt  }
.Lfunc_end0:
.L_simem_size_0:
called_computation.4_lowered:
.L_overlay_start_0:
0x88: {  	s2 =	sld [smem:$0x3FD9]  }
0x89: {  	s3 =	sld [smem:$0x3FFE];
	_ =	sdelay $0x1  }
0x8a: {  	s1 =	srdreg.scid  }
0x8b: {  	s0 =	sand.u32 $0x1, s1  }
0x8c: {  	s17 =	sshll.u32 s0, $0xA;
	s2 =	sadd.s32 s3, s2  }
0x8d: {  	s2 =	sadd.s32 s2, s17  }
0x8e: {  	[smem:$0x3FBC] =	sst s2  }
0x8f: {  	_ = 	snop  }
0x90: {  	s2 =	sld [smem:$0x3FD0];
	(tm) =	ssettm $0x1  }
0x91: {  	s18 =	sld [smem:$0x3FFB];
	_ =	sdelay $0x3  }
0x92: {  	_ =	strace s18  }
0x93: {  	s3 =	sld [smem:$0x3FFC];
	_ =	sdelay $0x3  }
0x94: {  	_ =	strace s3  }
0x95: {  	s3 =	sld [smem:$0x3FFD];
	_ =	sdelay $0x3  }
0x96: {  	_ =	strace s3  }
0x97: {  	_ =	strace $0x8FFFFFFF  }
0x98: {  	s19 =	sld [smem:$0x3FDB];
	_ =	sdelay $0x1  }
0x99: {  	s4 =	simm.s32 $_scs_section_size  }
0x9a: {  	s5 =	simm.s32 $_size__tile_overlayer_lowered;
	s6 =	simm.s32 $_tile_overlayer_lowered  }
0x9b: {  	s22 =	simm.s32 $0x1BFF;
	s21 =	sshll.u32 s6, $0x1;
	s3 =	sadd.s32 s4, s19  }
0x9c: {  	s7 =	simm.s32 $0x0;
	s20 =	sshll.u32 s5, $0x1;
	s5 =	sadd.s32 s21, s3  }
0x9d: {  	[timem:s7], [sflag:s22] =	dma.local [hbm:s5], s20  }
0x9e: {  	_ =	swait.ge [sflag:s22], s20  }
0x9f: {  	s4 =	ssub.s32 $0x0, s20;
	[sflag:s22] =	ssyncset.done $0x0  }
0xa0: {  	[sflag:s22] =	ssyncadd.s32 s4;
	_ =	sdelay $0x1  }
0xa1: {  	s23 =	simm.s32 $0x1B8B  }
0xa2: {  	_ =	swait.ge [sflag:s23], $0x1  }
0xa3: {  	[sflag:s23] =	ssyncset.done $0x0  }
0xa4: {  	s25 =	simm.s32 $0x1B8E;
	s24 =	sld [smem:$0x3FFE];
	[sflag:s23] =	ssyncadd.s32 $0xFFFFFFFF  }
0xa5: {  	s26 =	simm.s32 $execute0_lowered;
	[smem:$0x3FD2] =	sst s25  }
0xa6: {  	s5 =	sshll.u32 s26, $0x1;
	_ =	strace $0x80000052;
	[dreg:$0x1] =	wrdreg $0xFFFFFFFF  }
0xa7: {  	s28 =	simm.s32 $_size_execute0_lowered;
	s3 =	sadd.s32 s3, s5;
	[dreg:$0x0] =	wrdreg $0x0  }
0xa8: {  	s5 =	sshll.u32 s28, $0x1;
	[dreg:$0x2] =	wrdreg s3  }
0xa9: {  	[dreg:$0x3] =	wrdreg s5  }
0xaa: {  	[dreg:$0x4] =	wrdreg $0xC0  }
0xab: {  	_ =	task [dreg:s7], $0x5FFFF  }
0xac: {  	[dreg:$0x1] =	wrdreg $0xFFFFFFFF  }
0xad: {  	[dreg:$0x0] =	wrdreg $0x60  }
0xae: {  	[dreg:$0x2] =	wrdreg s24  }
0xaf: {  	[dreg:$0x3] =	wrdreg s2  }
0xb0: {  	[dreg:$0x4] =	wrdreg $0x9  }
0xb1: {  	_ =	task.clear_ibuf [dreg:s7], $0x5FFFF;
	_ =	strace $0x90000052  }
0xb2: {  	s29 =	simm.s32 $0x9;
	_ =	strace $0x80000054  }
0xb3: {  	_ =	swait.ge [sflag:s29], $0x1  }
0xb4: {  	[sflag:s29] =	ssyncadd.s32 $0xFFFFFFFF  }
0xb5: {  	_ =	strace $0x90000054  }
0xb6: {  	_ =	sfence  }
0xb7: {  	s30 =	sld [smem:$0x0];
	_ =	sdelay $0x2  }
0xb8: {  	s31 =	sshll.u32 s1, $0xD;
	s1 =	sshrl.u32 s1, $0x2  }
0xb9: {  	s3 =	sand.u32 $0x4000, s31;
	s1 =	sadd.s32 s1, s30  }
0xba: {  	s0 =	sor.u32 s3, s0;
	s1 =	sshll.u32 s1, $0x11  }
0xbb: {  	s0 =	sor.u32 s1, s0  }
0xbc: {  	s0 =	sadd.s32 $0x8F2B, s0  }
0xbd: {  	[sflag:s0] =	ssyncadd.remote.s32 $0x1  }
0xbe: {  	_ =	sfence.sel $0xFFFF  }
0xbf: {  	[dreg:$0x0] =	wrdreg $0xFFFFFFFF;
	(pc) =	sbr.abs _section_cstart, $3  }
0xc0: {  	[dreg:$0x1] =	wrdreg $0xFFFFFFFF  }
0xc1: {  	_ =	task.clear_ibuf [dreg:s7], $0x2FFFF;
	_ =	strace $0x9FFFFFFF  }
0xc2: {  	(tm) =	ssettm $0x7FFFFFFF  }
0xc3: {  	_ =	shalt  }
tec
execute0_lowered:
.L_overlay_start_1:
0x0: {  	(tag) =	ssettag $0x1  }
0x1: {  	s5 =	rddreg [dreg:$0x0]  }
0x2: {  	s6 =	rddreg [dreg:$0x1]  }
0x3: {  	s0 =	rddreg [dreg:$0x2];
	s2 =	simm.s32 $0x0  }
0x4: {  	s3 =	srdreg.scid;
	s1 =	stileid.u32;
	s13 =	simm.s32 $0xE400  }
0x5: {  	s14 =	simm.s32 $0xA400;
	s15 =	simm.s32 $0x1;
	s16 =	simm.s32 $0x0  }
0x6: {  	[smem:$0x7FF] =	sst s2;
	s7 =	sand.u32 $0x1, s3;
	s8 =	sshll.u32 s1, $0x1  }
0x7: {  	s3 =	sadd.s32 $0x67F200, s5;
	s4 =	sadd.s32 $0x546A00, s5;
	s10 =	sshrl.u32 s1, $0x2  }
0x8: {  	_ =	strace $0x80000053;
	s8 =	sor.u32 s7, s8;
	s7 =	ssub.s32 $0x2, s7  }
0x9: {  	s9 =	smul.u32 $0x1400, s8;
	s11 =	sshrl.u32 s7, $0x1;
	s12 =	sshll.u32 s8, $0x7  }
0xa: {  	s10 =	smul.u32 $0x271000, s10;
	s11 =	ssub.s32 s7, s11;
	s31 =	sand.u32 $0x380, s12  }
0xb: {  	s12 =	simm.s32 $0x80;
	s9 =	sadd.s32 s9, s5;
	s5 =	sadd.s32 s6, s8  }
0xc: {  	s6 =	sor.u32 s31, s10;
	s8 =	smax.u32 s11, $0x1;
	s10 =	simm.s32 $0x2  }
0xd: {  	v0 =	vimm.f32 $-Inf;
	s11 =	simm.s32 $0xE580;
	s7 =	sadd.s32 $0x2A00, s9;
	s9 =	simm.s32 $0xE600  }
.LBB2_1:
0xe: {  	s17 =	simm.s32 $0x0;
	s18 =	simm.s32 $0x200  }
.LBB2_2:
0xf: {  	p0 =	sne.s32 s18, $0x28000;
	[tilespmem:s17+$0x70] =	vst v0  }
0x10: {  	[tilespmem:s17+$0x0] =	vst v0  }
0x11: {  	[tilespmem:s17+$0x10] =	vst v0  }
.Ltmp0:
0x12: {  	[tilespmem:s17+$0x20] =	vst v0;
	(pc) =	sbr.rel @p0 .LBB2_2-.Ltmp0, $4  }
0x13: {  	[tilespmem:s17+$0x30] =	vst v0  }
0x14: {  	[tilespmem:s17+$0x40] =	vst v0  }
0x15: {  	[tilespmem:s17+$0x50] =	vst v0  }
0x16: {  	[tilespmem:s17+$0x60] =	vst v0;
	s17 =	sshra.s32 s18, $0x2;
	s18 =	sadd.s32 $0x200, s18  }
0x17: {  	[tilespmem:s17+$0x70] =	vst v0  }
0x18: {  	[tilespmem:s17+$0x0] =	vst v0  }
0x19: {  	[tilespmem:s17+$0x10] =	vst v0  }
0x1a: {  	[tilespmem:s17+$0x20] =	vst v0  }
0x1b: {  	[tilespmem:s17+$0x30] =	vst v0  }
0x1c: {  	[tilespmem:s17+$0x40] =	vst v0  }
0x1d: {  	[tilespmem:s17+$0x50] =	vst v0  }
0x1e: {  	[tilespmem:s17+$0x60] =	vst v0;
	s17 =	simm.s32 $0x0  }
0x1f: {  	[tilespmem:s9], [sflag:$0x2] =	stream.linear.gather [hbm4b:s5+s17], $0x8, $0x38;
	[tilespmem:$0xE680] =	vst v63  }
0x20: {  	_ =	swait.ge [sflag:s10], $0x8  }
0x21: {  	[sflag:s10] =	ssyncset.done $0x0  }
0x22: {  	[sflag:s10] =	ssyncadd.s32 $0xFFFFFFF8  }
0x23: {  	v1 =	vld [tilespmem:$0xE600];
	_ =	sdelay $0x4  }
0x24: {  	(v2sf) =	vpush v1, $0x0;
	_ =	sdelay $0xe  }
0x25: {  	s18 =	spop (v2sf)  }
0x26: {  	p0 =	slt.s32 s18, $0x1  }
.Ltmp1:
0x27: {  	_ = 	snop;
	(pc) =	sbr.rel @p0 .LBB2_7-.Ltmp1, $2  }
0x28: {  	_ =	sdelay $0x2  }
0x29: {  	s19 =	simm.s32 $0x0  }
.LBB2_4:
0x2a: {  	s20 =	sshll.u32 s19, $0xA  }
0x2b: {  	s20 =	sadd.s32 s6, s20  }
0x2c: {  	s20 =	sshrl.u32 s20, $0x3  }
0x2d: {  	s20 =	sadd.s32 s4, s20  }
0x2e: {  	[tilespmem:s11], [sflag:$0x2] =	stream.linear.gather [hbm4b:s20+s17], $0x80, $0x38;
	[tilespmem:$0xE680] =	vst v63  }
0x2f: {  	_ =	swait.ge [sflag:s10], $0x80  }
0x30: {  	[sflag:s10] =	ssyncset.done $0x0  }
0x31: {  	[sflag:s10] =	ssyncadd.s32 $0xFFFFFF80  }
0x32: {  	v1 =	vld [tilespmem:$0xE580];
	_ =	sdelay $0x1  }
0x33: {  	v2 =	vld [tilespmem:$0xE590];
	_ =	sdelay $0x1  }
0x34: {  	v3 =	vld [tilespmem:$0xE5A0]  }
0x35: {  	v4 =	vshra.s32 v1, $0x9  }
0x36: {  	v62 =	vld [tilespmem:$0xE5B0];
	v1 =	vand.u32 $0x1FF, v1;
	[tilespmem:$0xE400] =	vst v4  }
0x37: {  	[tilespmem:$0xE480] =	vst v1;
	v1 =	vshra.s32 v2, $0x9  }
0x38: {  	[tilespmem:$0xE410] =	vst v1;
	v1 =	vand.u32 $0x1FF, v2;
	v2 =	vld [tilespmem:$0xE5C0]  }
0x39: {  	[tilespmem:$0xE490] =	vst v1;
	v1 =	vshra.s32 v3, $0x9  }
0x3a: {  	[tilespmem:$0xE420] =	vst v1;
	v1 =	vand.u32 $0x1FF, v3;
	v3 =	vld [tilespmem:$0xE5D0]  }
0x3b: {  	[tilespmem:$0xE4A0] =	vst v1;
	v1 =	vshra.s32 v62, $0x9  }
0x3c: {  	v63 =	vld [tilespmem:$0xE5E0];
	[tilespmem:$0xE430] =	vst v1;
	v1 =	vand.u32 $0x1FF, v62  }
0x3d: {  	[tilespmem:$0xE4B0] =	vst v1;
	v1 =	vshra.s32 v2, $0x9  }
0x3e: {  	[tilespmem:$0xE440] =	vst v1;
	v1 =	vand.u32 $0x1FF, v2;
	v2 =	vld [tilespmem:$0xE5F0]  }
0x3f: {  	[tilespmem:$0xE4C0] =	vst v1;
	v1 =	vshra.s32 v3, $0x9  }
0x40: {  	[tilespmem:$0xE450] =	vst v1;
	v1 =	vand.u32 $0x1FF, v3  }
0x41: {  	[tilespmem:$0xE4D0] =	vst v1;
	v1 =	vshra.s32 v63, $0x9  }
0x42: {  	[tilespmem:$0xE460] =	vst v1;
	v1 =	vand.u32 $0x1FF, v63  }
0x43: {  	[tilespmem:$0xE4E0] =	vst v1;
	v1 =	vshra.s32 v2, $0x9  }
0x44: {  	[tilespmem:$0xE470] =	vst v1;
	v1 =	vand.u32 $0x1FF, v2  }
0x45: {  	[tilespmem:$0xE4F0] =	vst v1  }
0x46: {  	[tilespmem:s14], [sflag:$0x1] =	stream.indirect.gather [hbm4b:s3+s12], $0x80, s13, s12, $0xb8;
	[tilespmem:$0xE680] =	vst v63  }
0x47: {  	_ =	swait.ge [sflag:s15], $0x4000  }
0x48: {  	[sflag:s15] =	ssyncset.done $0x0  }
0x49: {  	s31 =	simm.s32 $0x0;
	[sflag:s15] =	ssyncadd.s32 $0xFFFFC000  }
0x4a: {  	v1 =	vld [tilespmem:s31+$0xE480];
	_ =	sdelay $0x4  }
0x4b: {  	(v2sf) =	vpush v1, $0x0;
	_ =	sdelay $0xe  }
0x4c: {  	s21 =	spop (v2sf)  }
0x4d: {  	s20 =	simm.s32 $0xA440;
	s21 =	sshll.u32 s21, $0x9  }
0x4e: {  	v1 =	vld [tilespmem:s20+$0xFFFFFFC0];
	s21 =	sshra.s32 s21, $0x2  }
0x4f: {  	v2 =	vld [tilespmem:s21+$0x0];
	_ =	sdelay $0x4  }
0x50: {  	v1 =	vmax.f32 v2, v1  }
0x51: {  	[tilespmem:s21+$0x0] =	vst v1;
	v1 =	vld [tilespmem:s21+$0x10]  }
0x52: {  	v2 =	vld [tilespmem:s20+$0xFFFFFFD0];
	_ =	sdelay $0x4  }
0x53: {  	v1 =	vmax.f32 v1, v2  }
0x54: {  	[tilespmem:s21+$0x10] =	vst v1;
	v1 =	vld [tilespmem:s21+$0x20]  }
0x55: {  	v2 =	vld [tilespmem:s20+$0xFFFFFFE0];
	_ =	sdelay $0x4  }
0x56: {  	v1 =	vmax.f32 v1, v2  }
0x57: {  	[tilespmem:s21+$0x20] =	vst v1;
	v1 =	vld [tilespmem:s21+$0x30]  }
0x58: {  	v2 =	vld [tilespmem:s20+$0xFFFFFFF0];
	_ =	sdelay $0x4  }
0x59: {  	v1 =	vmax.f32 v1, v2  }
0x5a: {  	[tilespmem:s21+$0x30] =	vst v1;
	v1 =	vld [tilespmem:s21+$0x40]  }
0x5b: {  	v2 =	vld [tilespmem:s20+$0x0];
	_ =	sdelay $0x4  }
0x5c: {  	v1 =	vmax.f32 v1, v2  }
0x5d: {  	[tilespmem:s21+$0x40] =	vst v1;
	v1 =	vld [tilespmem:s21+$0x50]  }
0x5e: {  	v2 =	vld [tilespmem:s20+$0x10];
	_ =	sdelay $0x4  }
0x5f: {  	v1 =	vmax.f32 v1, v2  }
0x60: {  	[tilespmem:s21+$0x50] =	vst v1;
	v1 =	vld [tilespmem:s21+$0x60]  }
0x61: {  	v2 =	vld [tilespmem:s20+$0x20];
	_ =	sdelay $0x4  }
0x62: {  	v1 =	vmax.f32 v1, v2  }
0x63: {  	[tilespmem:s21+$0x60] =	vst v1;
	v1 =	vld [tilespmem:s21+$0x70]  }
0x64: {  	v2 =	vld [tilespmem:s20+$0x30];
	_ =	sdelay $0x4  }
0x65: {  	s22 =	simm.s32 $0x4;
	s24 =	simm.s32 $0x8;
	v1 =	vmax.f32 v1, v2  }
.LBB2_5:
0x66: {  	s25 =	sshra.s32 s22, $0x2  }
0x67: {  	[tilespmem:s21+$0x70] =	vst v1;
	s20 =	sadd.s32 $0x80, s20;
	s22 =	smov.u32 s24;
	s23 =	sadd.s32 $0x4, s24  }
0x68: {  	p0 =	sne.s32 s24, $0x1FC;
	v1 =	vld [tilespmem:s25+$0xE480];
	_ =	sdelay $0x4  }
0x69: {  	(v2sf) =	vpush v1, $0x0;
	_ =	sdelay $0xe  }
0x6a: {  	s21 =	spop (v2sf)  }
0x6b: {  	s21 =	sshll.u32 s21, $0x9  }
0x6c: {  	s21 =	sshra.s32 s21, $0x2;
	v1 =	vld [tilespmem:s20+$0xFFFFFFC0]  }
0x6d: {  	v2 =	vld [tilespmem:s21+$0x0];
	_ =	sdelay $0x4  }
0x6e: {  	v1 =	vmax.f32 v2, v1  }
0x6f: {  	[tilespmem:s21+$0x0] =	vst v1;
	v1 =	vld [tilespmem:s21+$0x10]  }
0x70: {  	v2 =	vld [tilespmem:s20+$0xFFFFFFD0];
	_ =	sdelay $0x4  }
0x71: {  	v1 =	vmax.f32 v1, v2  }
0x72: {  	[tilespmem:s21+$0x10] =	vst v1;
	v1 =	vld [tilespmem:s21+$0x20]  }
0x73: {  	v2 =	vld [tilespmem:s20+$0xFFFFFFE0];
	_ =	sdelay $0x4  }
0x74: {  	v1 =	vmax.f32 v1, v2  }
0x75: {  	[tilespmem:s21+$0x20] =	vst v1;
	v1 =	vld [tilespmem:s21+$0x30]  }
0x76: {  	v2 =	vld [tilespmem:s20+$0xFFFFFFF0];
	_ =	sdelay $0x4  }
0x77: {  	v1 =	vmax.f32 v1, v2  }
0x78: {  	[tilespmem:s21+$0x30] =	vst v1;
	v1 =	vld [tilespmem:s21+$0x40]  }
0x79: {  	v2 =	vld [tilespmem:s20+$0x0];
	_ =	sdelay $0x4  }
0x7a: {  	v1 =	vmax.f32 v1, v2  }
0x7b: {  	[tilespmem:s21+$0x40] =	vst v1;
	v1 =	vld [tilespmem:s21+$0x50]  }
0x7c: {  	v2 =	vld [tilespmem:s20+$0x10];
	_ =	sdelay $0x4  }
0x7d: {  	v1 =	vmax.f32 v1, v2  }
0x7e: {  	[tilespmem:s21+$0x50] =	vst v1;
	v1 =	vld [tilespmem:s21+$0x60]  }
0x7f: {  	v2 =	vld [tilespmem:s20+$0x20];
	_ =	sdelay $0x4  }
0x80: {  	v1 =	vmax.f32 v1, v2  }
0x81: {  	[tilespmem:s21+$0x60] =	vst v1;
	v1 =	vld [tilespmem:s21+$0x70]  }
0x82: {  	v2 =	vld [tilespmem:s20+$0x30]  }
.Ltmp2:
0x83: {  	(pc) =	sbr.rel @p0 .LBB2_5-.Ltmp2, $2  }
0x84: {  	_ =	sdelay $0x2  }
0x85: {  	s24 =	smov.u32 s23;
	v1 =	vmax.f32 v1, v2  }
0x86: {  	s22 =	sshra.s32 s22, $0x2;
	[tilespmem:s21+$0x70] =	vst v1  }
0x87: {  	v1 =	vld [tilespmem:s22+$0xE480];
	_ =	sdelay $0x4  }
0x88: {  	(v2sf) =	vpush v1, $0x0;
	_ =	sdelay $0xe  }
0x89: {  	s31 =	spop (v2sf)  }
0x8a: {  	s20 =	sadd.s32 $0x80, s20;
	s21 =	sshll.u32 s31, $0x9  }
0x8b: {  	v1 =	vld [tilespmem:s20+$0xFFFFFFC0];
	s21 =	sshra.s32 s21, $0x2  }
0x8c: {  	v2 =	vld [tilespmem:s21+$0x0];
	_ =	sdelay $0x4  }
0x8d: {  	v1 =	vmax.f32 v2, v1  }
0x8e: {  	[tilespmem:s21+$0x0] =	vst v1;
	v1 =	vld [tilespmem:s21+$0x10]  }
0x8f: {  	v2 =	vld [tilespmem:s20+$0xFFFFFFD0];
	_ =	sdelay $0x4  }
0x90: {  	v1 =	vmax.f32 v1, v2  }
0x91: {  	[tilespmem:s21+$0x10] =	vst v1;
	v1 =	vld [tilespmem:s21+$0x20]  }
0x92: {  	v2 =	vld [tilespmem:s20+$0xFFFFFFE0];
	_ =	sdelay $0x4  }
0x93: {  	v1 =	vmax.f32 v1, v2  }
0x94: {  	[tilespmem:s21+$0x20] =	vst v1;
	v1 =	vld [tilespmem:s21+$0x30]  }
0x95: {  	v2 =	vld [tilespmem:s20+$0xFFFFFFF0];
	_ =	sdelay $0x4  }
0x96: {  	v1 =	vmax.f32 v1, v2  }
0x97: {  	[tilespmem:s21+$0x30] =	vst v1;
	v1 =	vld [tilespmem:s21+$0x40]  }
0x98: {  	v2 =	vld [tilespmem:s20+$0x0];
	_ =	sdelay $0x4  }
0x99: {  	v1 =	vmax.f32 v1, v2  }
0x9a: {  	[tilespmem:s21+$0x40] =	vst v1;
	v1 =	vld [tilespmem:s21+$0x50]  }
0x9b: {  	v2 =	vld [tilespmem:s20+$0x10];
	_ =	sdelay $0x4  }
0x9c: {  	v1 =	vmax.f32 v1, v2  }
0x9d: {  	[tilespmem:s21+$0x50] =	vst v1;
	v1 =	vld [tilespmem:s21+$0x60]  }
0x9e: {  	v2 =	vld [tilespmem:s20+$0x20];
	_ =	sdelay $0x4  }
0x9f: {  	v1 =	vmax.f32 v1, v2  }
0xa0: {  	[tilespmem:s21+$0x60] =	vst v1;
	v1 =	vld [tilespmem:s21+$0x70]  }
0xa1: {  	s19 =	sadd.s32 $0x1, s19;
	v2 =	vld [tilespmem:s20+$0x30]  }
0xa2: {  	p0 =	sne.s32 s19, s18  }
.Ltmp3:
0xa3: {  	_ = 	snop;
	(pc) =	sbr.rel @p0 .LBB2_4-.Ltmp3, $3  }
0xa4: {  	_ =	sdelay $0x1  }
0xa5: {  	v1 =	vmax.f32 v1, v2  }
0xa6: {  	[tilespmem:s21+$0x70] =	vst v1  }
.LBB2_7:
0xa7: {  	s17 =	simm.s32 $0x0  }
0xa8: {  	v3 =	vld [tilespmem:s17+$0x0]  }
0xa9: {  	v6 =	vld [tilespmem:s17+$0x10]  }
0xaa: {  	v5 =	vld [tilespmem:s17+$0x20]  }
0xab: {  	v4 =	vld [tilespmem:s17+$0x30]  }
0xac: {  	v1 =	vld [tilespmem:s17+$0x40]  }
0xad: {  	v2 =	vld [tilespmem:s17+$0x50];
	vm0 =	veq.f32 v3, $-Inf  }
0xae: {  	s18 =	simm.s32 $0x200;
	v7 =	vsel vm0, $0x0, v3;
	vm0 =	veq.f32 v6, $-Inf;
	v3 =	vld [tilespmem:s17+$0x60]  }
.LBB2_8:
0xaf: {  	s19 =	sshra.s32 s18, $0x2;
	p0 =	sne.s32 s18, $0x27E00;
	[tilespmem:s17+$0x0] =	vst v7;
	v6 =	vsel vm0, $0x0, v6;
	vm0 =	veq.f32 v5, $-Inf;
	v7 =	vld [tilespmem:s17+$0x70]  }
0xb0: {  	v8 =	vld [tilespmem:s19+$0x0];
	[tilespmem:s17+$0x10] =	vst v6;
	v5 =	vsel vm0, $0x0, v5;
	vm0 =	veq.f32 v4, $-Inf  }
0xb1: {  	v6 =	vld [tilespmem:s19+$0x10];
	[tilespmem:s17+$0x20] =	vst v5;
	v4 =	vsel vm0, $0x0, v4;
	vm0 =	veq.f32 v1, $-Inf  }
.Ltmp4:
0xb2: {  	v5 =	vld [tilespmem:s19+$0x20];
	[tilespmem:s17+$0x30] =	vst v4;
	v1 =	vsel vm0, $0x0, v1;
	vm0 =	veq.f32 v2, $-Inf;
	(pc) =	sbr.rel @p0 .LBB2_8-.Ltmp4, $4  }
0xb3: {  	v4 =	vld [tilespmem:s19+$0x30];
	[tilespmem:s17+$0x40] =	vst v1;
	v2 =	vsel vm0, $0x0, v2;
	vm0 =	veq.f32 v3, $-Inf  }
0xb4: {  	v1 =	vld [tilespmem:s19+$0x40];
	[tilespmem:s17+$0x50] =	vst v2;
	v3 =	vsel vm0, $0x0, v3;
	vm0 =	veq.f32 v7, $-Inf  }
0xb5: {  	vm1 =	veq.f32 v8, $-Inf;
	v2 =	vld [tilespmem:s19+$0x50];
	[tilespmem:s17+$0x60] =	vst v3;
	v9 =	vsel vm0, $0x0, v7  }
0xb6: {  	s18 =	sadd.s32 $0x200, s18;
	v7 =	vsel vm1, $0x0, v8;
	vm0 =	veq.f32 v6, $-Inf;
	v3 =	vld [tilespmem:s19+$0x60];
	[tilespmem:s17+$0x70] =	vst v9;
	s17 =	smov.u32 s19  }
0xb7: {  	[tilespmem:s17+$0x0] =	vst v7;
	v6 =	vsel vm0, $0x0, v6;
	vm10 =	veq.f32 v5, $-Inf;
	v63 =	vld [tilespmem:s17+$0x70]  }
0xb8: {  	[tilespmem:s17+$0x10] =	vst v6;
	v5 =	vsel vm10, $0x0, v5;
	vm11 =	veq.f32 v4, $-Inf  }
0xb9: {  	[tilespmem:s17+$0x20] =	vst v5;
	v4 =	vsel vm11, $0x0, v4;
	vm12 =	veq.f32 v1, $-Inf  }
0xba: {  	[tilespmem:s17+$0x30] =	vst v4;
	v1 =	vsel vm12, $0x0, v1;
	vm13 =	veq.f32 v2, $-Inf  }
0xbb: {  	[tilespmem:s17+$0x40] =	vst v1;
	v1 =	vsel vm13, $0x0, v2;
	vm14 =	veq.f32 v3, $-Inf  }
0xbc: {  	s16 =	sadd.s32 $0x1, s16;
	[tilespmem:s17+$0x50] =	vst v1;
	v1 =	vsel vm14, $0x0, v3;
	vm15 =	veq.f32 v63, $-Inf  }
0xbd: {  	p0 =	sne.s32 s16, s8;
	[tilespmem:s17+$0x60] =	vst v1;
	v1 =	vsel vm15, $0x0, v63  }
.Ltmp5:
0xbe: {  	[tilespmem:s17+$0x70] =	vst v1;
	(pc) =	sbr.rel @p0 .LBB2_1-.Ltmp5, $4  }
0xbf: {  	[hbm4b:s7+s2] =	stream.linear.scatter [tilespmem:s2], [sflag:$0x2], $0xA000, $0x38;
	[tilespmem:$0xE680] =	vst v63  }
0xc0: {  	_ =	swait.ge [sflag:s10], $0xA000  }
0xc1: {  	[sflag:s10] =	ssyncset.done $0x0  }
0xc2: {  	[sflag:s10] =	ssyncadd.s32 $0xFFFF6000  }
0xc3: {  	_ =	sfence.sel $0x180000  }
0xc4: {  	[bflag:$0x0] =	sbarrier.arrive $0xFFFF  }
0xc5: {  	p0 =	sne.s32 s1, $0x0;
	_ =	strace $0x90000053  }
0xc6: {  	s0 =	sadd.s32 @!p0 $0x100000, s0;
	[bflag:$0x2] =	sbarrier.arrive $0xFFFF  }
0xc7: {  	[sflag:s0] =	ssyncadd.tile.s32 @!p0 $0x1;
	_ =	shalt  }
.Lfunc_end2:
_tile_overlayer_lowered:
.L_overlay_start_2:
0xc8: {  	(tag) =	ssettag $0x2  }
0xc9: {  	s0 =	rddreg [dreg:$0x0];
	s2 =	stileid.u32  }
0xca: {  	s1 =	rddreg [dreg:$0x1];
	p0 =	sne.s32 s2, $0x0  }
0xcb: {  	s3 =	rddreg [dreg:$0x2];
	[bflag:$0x3] =	sbarrier.arrive $0xFFFF;
	s2 =	simm.s32 @!p0 $0x1C02  }
0xcc: {  	[timem:s3], [sflag:s2] =	dma.local @!p0 [hbm:s0], s1  }
0xcd: {  	s0 =	simm.s32 @!p0 $0x2  }
0xce: {  	_ =	swait.ge @!p0 [sflag:s0], s1  }
0xcf: {  	s1 =	ssub.s32 @!p0 $0x0, s1;
	[sflag:s0] =	ssyncset.done @!p0 $0x0  }
0xd0: {  	[sflag:s0] =	ssyncadd.s32 @!p0 s1  }
0xd1: {  	[bflag:$0x3] =	sbarrier.arrive $0xFFFF  }
0xd2: {  	_ =	shalt  }

</sc_bundles>
